<compile_context>
chip_gen: v7x
topology: tpu7x:2x2x1
jax: 0.10.2.dev20260603
libtpu: 0.0.44.dev20260713+nightly
codegen_flags: <defaults>
</compile_context>

<pallas_src>
import functools

import numpy as np

import jax
import jax.numpy as jnp
from jax import lax
from jax.experimental import pallas as pl
from jax.experimental.pallas import tpu as pltpu
from jax.experimental.pallas import tpu_sc as plsc

B = 8
N = 20000
G = 100
NREAL = N + G
NP = 20480
NSUB = NP // 128
NUM_FG = 128
NUM_BG = 384
NSEL = NUM_FG + NUM_BG
FG_THRESH = 0.5
NBKT = 4096
NVEC = (NREAL + 15) // 16

_KEY_BIAS = np.int32(0x3F810000)
_INVALID24 = np.int32(0x00FFFFFF)



def _stage_a_body(gt_ref, x1_ref, y1_ref, x2_ref, y2_ref, miou_ref, amax_ref):
    x1 = x1_ref[0]
    y1 = y1_ref[0]
    x2 = x2_ref[0]
    y2 = y2_ref[0]
    area = (x2 - x1) * (y2 - y1)

    def body(g, carry):
        best, bidx = carry
        gx1 = gt_ref[0, g, 0]
        gy1 = gt_ref[0, g, 1]
        gx2 = gt_ref[0, g, 2]
        gy2 = gt_ref[0, g, 3]
        garea = (gx2 - gx1) * (gy2 - gy1)
        iw = jnp.maximum(jnp.minimum(x2, gx2) - jnp.maximum(x1, gx1), 0.0)
        ih = jnp.maximum(jnp.minimum(y2, gy2) - jnp.maximum(y1, gy1), 0.0)
        inter = iw * ih
        union = jnp.maximum(area + garea - inter, 1e-8)
        q = inter / union
        upd = q > best
        best = jnp.where(upd, q, best)
        bidx = jnp.where(upd, g, bidx)
        return best, bidx

    best0 = jnp.zeros_like(x1)
    bidx0 = jnp.zeros(x1.shape, jnp.int32)
    best, bidx = lax.fori_loop(0, G, body, (best0, bidx0), unroll=10)
    miou_ref[0] = best
    amax_ref[0] = bidx


def _stage_a(gt_boxes, x1, y1, x2, y2):
    chunk = 160
    grid = (B, NSUB // chunk)
    plane_spec = pl.BlockSpec((1, chunk, 128), lambda b, c: (b, c, 0))
    return pl.pallas_call(
        _stage_a_body,
        grid=grid,
        in_specs=[
            pl.BlockSpec((1, G, 4), lambda b, c: (b, 0, 0),
                         memory_space=pltpu.SMEM),
            plane_spec, plane_spec, plane_spec, plane_spec,
        ],
        out_specs=[plane_spec, plane_spec],
        out_shape=[
            jax.ShapeDtypeStruct((B, NSUB, 128), jnp.float32),
            jax.ShapeDtypeStruct((B, NSUB, 128), jnp.int32),
        ],
    )(gt_boxes, x1, y1, x2, y2)



def _stage_b_body(miou_hbm, amax_hbm,
                  bx1_hbm, by1_hbm, bx2_hbm, by2_hbm,
                  gx1_hbm, gy1_hbm, gx2_hbm, gy2_hbm, labels_hbm,
                  rx1_hbm, ry1_hbm, rx2_hbm, ry2_hbm,
                  tx1_hbm, ty1_hbm, tx2_hbm, ty2_hbm,
                  lblout_hbm, isfg_hbm,
                  kf, ki, idx_a, idx_b, hist, offs, carry16,
                  idx_sel, am_v, gti_v, val_v, lbl_v, isfg_v, sem):
    c = lax.axis_index("c")
    s = lax.axis_index("s")
    wid = s * 2 + c
    active = wid < 16
    img = wid // 2
    cl = wid % 2

    @pl.when(active)
    def _():
        iota16 = lax.iota(jnp.int32, 16)
        lane15 = jnp.full((16,), 15, jnp.int32)

        pltpu.sync_copy(miou_hbm.at[pl.ds(img * NP, NP)], kf)

        def key_body(i, _):
            m = kf[pl.ds(i * 16, 16)]
            valid = (iota16 + i * 16) < NREAL
            fg = jnp.where(valid & (m >= FG_THRESH), m, -1.0)
            bg = jnp.where(valid & (m < FG_THRESH), 1.0 - m, -1.0)
            score = jnp.where(cl == 0, fg, bg)
            sb = lax.bitcast_convert_type(score, jnp.int32)
            inv = jnp.where(sb >= 0, _KEY_BIAS - sb, _INVALID24)
            kf[pl.ds(i * 16, 16)] = lax.bitcast_convert_type(inv, jnp.float32)
            return 0

        lax.fori_loop(0, NVEC, key_body, 0)

        def radix_pass(shift, src_key, src_f32, dst_key, dst_f32,
                       src_idx, dst_idx, first):
            def load_key(i):
                k = src_key[pl.ds(i * 16, 16)]
                return lax.bitcast_convert_type(k, jnp.int32) if src_f32 else k

            zero16 = jnp.zeros((16,), jnp.int32)

            def z_body(j, _):
                hist[pl.ds(j * 16, 16)] = zero16
                return 0

            lax.fori_loop(0, NBKT // 16, z_body, 0)

            shift_v = jnp.full((16,), shift, jnp.int32)

            def h_body(i, _):
                kb = load_key(i)
                d = lax.shift_right_logical(kb, shift_v) & jnp.int32(NBKT - 1)
                cnt, last = plsc.scan_count(d)
                plsc.addupdate_scatter(hist, [d], cnt, mask=last)
                return 0

            lax.fori_loop(0, NVEC, h_body, 0)

            def p_body(j, carry):
                v = hist[pl.ds(j * 16, 16)]
                csum = plsc.cumsum(v)
                offs[pl.ds(j * 16, 16)] = csum - v + carry
                carry16[...] = csum
                tot = plsc.load_gather(carry16, [lane15])
                return carry + tot

            lax.fori_loop(0, NBKT // 16, p_body, jnp.zeros((16,), jnp.int32))

            def s_body(i, _):
                kb = load_key(i)
                d = lax.shift_right_logical(kb, shift_v) & jnp.int32(NBKT - 1)
                if first:
                    iv = iota16 + i * 16
                else:
                    iv = src_idx[pl.ds(i * 16, 16)]
                base = plsc.load_gather(offs, [d])
                cnt, last = plsc.scan_count(d)
                pos = base + cnt - 1
                kout = lax.bitcast_convert_type(kb, jnp.float32) if dst_f32 else kb
                plsc.store_scatter(dst_key, [pos], kout)
                plsc.store_scatter(dst_idx, [pos], iv)
                plsc.addupdate_scatter(offs, [d], cnt, mask=last)
                return 0

            lax.fori_loop(0, NVEC, s_body, 0)

        radix_pass(0, kf, True, ki, False, idx_a, idx_b, True)
        radix_pass(12, ki, False, kf, True, idx_b, idx_a, False)

        def emit(k_count, slot0, is_fg_unit):
            nv = k_count // 16
            nch = k_count // 128

            def sel_body(i, _):
                iv = idx_a[pl.ds(i * 16, 16)]
                row = i >> 3
                col = (i & 7) * 16
                idx_sel[row, pl.ds(col, 16)] = iv + img * NP
                if is_fg_unit:
                    inv = lax.bitcast_convert_type(kf[pl.ds(i * 16, 16)],
                                                   jnp.int32)
                    fgm = inv < _INVALID24
                    isfg_v[pl.ds(i * 16, 16)] = jnp.where(fgm, 1, 0)
                else:
                    isfg_v[pl.ds(i * 16, 16)] = jnp.zeros((16,), jnp.int32)
                return 0

            lax.fori_loop(0, nv, sel_body, 0)

            out0 = img * NSEL + slot0

            for j in range(nch):
                pltpu.async_copy(amax_hbm.at[idx_sel.at[j]],
                                 am_v.at[j], sem).wait()

            def gti_body(i, _):
                row = i >> 3
                col = (i & 7) * 16
                am = am_v[row, pl.ds(col, 16)]
                gti_v[row, pl.ds(col, 16)] = am + img * G
                return 0

            lax.fori_loop(0, nv, gti_body, 0)

            for src, dst in ((bx1_hbm, rx1_hbm), (by1_hbm, ry1_hbm),
                             (bx2_hbm, rx2_hbm), (by2_hbm, ry2_hbm)):
                for j in range(nch):
                    pltpu.async_copy(src.at[idx_sel.at[j]],
                                     val_v.at[pl.ds(j * 128, 128)], sem).wait()
                pltpu.sync_copy(val_v.at[pl.ds(0, k_count)],
                                dst.at[pl.ds(out0, k_count)])
            for src, dst in ((gx1_hbm, tx1_hbm), (gy1_hbm, ty1_hbm),
                             (gx2_hbm, tx2_hbm), (gy2_hbm, ty2_hbm)):
                for j in range(nch):
                    pltpu.async_copy(src.at[gti_v.at[j]],
                                     val_v.at[pl.ds(j * 128, 128)], sem).wait()
                pltpu.sync_copy(val_v.at[pl.ds(0, k_count)],
                                dst.at[pl.ds(out0, k_count)])
            for j in range(nch):
                pltpu.async_copy(labels_hbm.at[gti_v.at[j]],
                                 lbl_v.at[pl.ds(j * 128, 128)], sem).wait()

            pltpu.sync_copy(lbl_v.at[pl.ds(0, k_count)],
                            lblout_hbm.at[pl.ds(out0, k_count)])
            pltpu.sync_copy(isfg_v.at[pl.ds(0, k_count)],
                            isfg_hbm.at[pl.ds(out0, k_count)])

        @pl.when(cl == 0)
        def _():
            emit(NUM_FG, 0, True)

        @pl.when(cl == 1)
        def _():
            emit(NUM_BG, NUM_FG, False)


def _stage_b(miou_flat, amax_flat, box_planes, gt_planes, labels_flat):
    mesh = plsc.VectorSubcoreMesh(core_axis_name="c", subcore_axis_name="s")
    fvec = jax.ShapeDtypeStruct((B * NSEL,), jnp.float32)
    ivec = jax.ShapeDtypeStruct((B * NSEL,), jnp.int32)
    f = pl.kernel(
        _stage_b_body,
        out_type=[fvec, fvec, fvec, fvec,
                  fvec, fvec, fvec, fvec,
                  ivec, ivec],
        mesh=mesh,
        compiler_params=pltpu.CompilerParams(needs_layout_passes=False),
        scratch_types=[
            pltpu.VMEM((NP,), jnp.float32),
            pltpu.VMEM((NP,), jnp.int32),
            pltpu.VMEM((NP,), jnp.int32),
            pltpu.VMEM((NP,), jnp.int32),
            pltpu.VMEM((NBKT,), jnp.int32),
            pltpu.VMEM((NBKT,), jnp.int32),
            pltpu.VMEM((16,), jnp.int32),
            pltpu.VMEM((3, 128), jnp.int32),
            pltpu.VMEM((3, 128), jnp.int32),
            pltpu.VMEM((3, 128), jnp.int32),
            pltpu.VMEM((384,), jnp.float32),
            pltpu.VMEM((384,), jnp.int32),
            pltpu.VMEM((384,), jnp.int32),
            pltpu.SemaphoreType.DMA,
        ],
    )
    return f(miou_flat, amax_flat, *box_planes, *gt_planes, labels_flat)



def _stage_c_body(roist_ref, gtbt_ref, lbl_ref, isfg_ref, btt_ref, cls_ref):
    rx1 = roist_ref[0]
    ry1 = roist_ref[1]
    rx2 = roist_ref[2]
    ry2 = roist_ref[3]
    gx1 = gtbt_ref[0]
    gy1 = gtbt_ref[1]
    gx2 = gtbt_ref[2]
    gy2 = gtbt_ref[3]
    pw = jnp.maximum(rx2 - rx1, 1e-8)
    ph = jnp.maximum(ry2 - ry1, 1e-8)
    px = rx1 + 0.5 * pw
    py = ry1 + 0.5 * ph
    gw = jnp.maximum(gx2 - gx1, 1e-8)
    gh = jnp.maximum(gy2 - gy1, 1e-8)
    gx = gx1 + 0.5 * gw
    gy = gy1 + 0.5 * gh
    fg = isfg_ref[...] != 0
    zero = jnp.zeros_like(pw)
    btt_ref[0] = jnp.where(fg, (gx - px) / pw, zero)
    btt_ref[1] = jnp.where(fg, (gy - py) / ph, zero)
    btt_ref[2] = jnp.where(fg, jnp.log(gw / pw), zero)
    btt_ref[3] = jnp.where(fg, jnp.log(gh / ph), zero)
    cls_ref[...] = jnp.where(fg, lbl_ref[...], 0)


def _stage_c(rois_t, gtb_t, lbl, isfg):
    return pl.pallas_call(
        _stage_c_body,
        out_shape=[
            jax.ShapeDtypeStruct((4, 32, 128), jnp.float32),
            jax.ShapeDtypeStruct((32, 128), jnp.int32),
        ],
    )(rois_t, gtb_t, lbl, isfg)



@jax.jit
def kernel(boxes, gt_boxes, gt_labels):
    boxes = lax.stop_gradient(boxes)
    all_boxes = jnp.concatenate([boxes, gt_boxes], axis=1)
    ab_pad = jnp.pad(all_boxes, ((0, 0), (0, NP - NREAL), (0, 0)))
    planes = ab_pad.transpose(0, 2, 1).reshape(B, 4, NSUB, 128)
    x1 = planes[:, 0]
    y1 = planes[:, 1]
    x2 = planes[:, 2]
    y2 = planes[:, 3]

    miou, amax = _stage_a(gt_boxes, x1, y1, x2, y2)

    box_planes = [planes[:, c].reshape(B * NP) for c in range(4)]
    gt_planes = [gt_boxes[:, :, c].reshape(B * G) for c in range(4)]
    outs = _stage_b(
        miou.reshape(B * NP),
        amax.reshape(B * NP),
        box_planes,
        gt_planes,
        gt_labels.reshape(B * G),
    )
    rois_p = outs[0:4]
    gtb_p = outs[4:8]
    lbl_f, isfg_f = outs[8], outs[9]

    rois_t = jnp.stack(rois_p).reshape(4, 32, 128)
    gtb_t = jnp.stack(gtb_p).reshape(4, 32, 128)
    btt, cls = _stage_c(rois_t, gtb_t,
                        lbl_f.reshape(32, 128), isfg_f.reshape(32, 128))

    rois = jnp.stack(rois_p, axis=-1).reshape(B, NSEL, 4)
    box_targets = btt.reshape(4, B * NSEL).T.reshape(B, NSEL, 4)
    class_targets = cls.reshape(B, NSEL)
    return rois, box_targets, class_targets

# --- scband reference (transcript-rebuilt; emitter-appended) ---
"""Pipeline reference for scband-proposal-assignment-20169166422206 (READ-ONLY COPY).

The authoritative reference and input builder live on the scoring server;
editing this copy changes nothing except your own understanding.
"""

import jax, jax.numpy as jnp
import numpy as np

BATCH_SIZE_PER_IM = 512
FG_FRACTION = 0.25
FG_THRESH = 0.5
BG_THRESH_HI = 0.5
BG_THRESH_LO = 0.0


def _make_boxes(key, b, n, scale):
    k1, k2 = jax.random.split(key)
    xy = jax.random.uniform(k1, (b, n, 2), dtype=jnp.float32) * scale
    wh = jax.random.uniform(k2, (b, n, 2), dtype=jnp.float32) * (scale * 0.2) + 1.0
    return jnp.concatenate([xy, xy + wh], axis=-1)


def setup_inputs(seed: int = 0):
    key = jax.random.key(seed)
    kb, kg, kl = jax.random.split(key, 3)
    boxes = _make_boxes(kb, 8, 20000, 1024.0)
    gt_boxes = _make_boxes(kg, 8, 100, 1024.0)
    gt_labels = jax.random.randint(kl, (8, 100), 1, 91, dtype=jnp.int32)
    return {"boxes": boxes, "gt_boxes": gt_boxes, "gt_labels": gt_labels}


def _bbox_overlap(boxes, gt):
    # boxes [B, N, 4], gt [B, G, 4]; coords are (x1, y1, x2, y2)
    ix1 = jnp.maximum(boxes[:, :, None, 0], gt[:, None, :, 0])
    iy1 = jnp.maximum(boxes[:, :, None, 1], gt[:, None, :, 1])
    ix2 = jnp.minimum(boxes[:, :, None, 2], gt[:, None, :, 2])
    iy2 = jnp.minimum(boxes[:, :, None, 3], gt[:, None, :, 3])
    iw = jnp.clip(ix2 - ix1, 0.0)
    ih = jnp.clip(iy2 - iy1, 0.0)
    inter = iw * ih
    area_b = (boxes[:, :, 2] - boxes[:, :, 0]) * (boxes[:, :, 3] - boxes[:, :, 1])
    area_g = (gt[:, :, 2] - gt[:, :, 0]) * (gt[:, :, 3] - gt[:, :, 1])
    union = area_b[:, :, None] + area_g[:, None, :] - inter
    return inter / jnp.maximum(union, 1e-8)


def _encode(rois, gt):
    pw = jnp.maximum(rois[..., 2] - rois[..., 0], 1e-8)
    ph = jnp.maximum(rois[..., 3] - rois[..., 1], 1e-8)
    px = rois[..., 0] + 0.5 * pw
    py = rois[..., 1] + 0.5 * ph
    gw = jnp.maximum(gt[..., 2] - gt[..., 0], 1e-8)
    gh = jnp.maximum(gt[..., 3] - gt[..., 1], 1e-8)
    gx = gt[..., 0] + 0.5 * gw
    gy = gt[..., 1] + 0.5 * gh
    tx = (gx - px) / pw
    ty = (gy - py) / ph
    tw = jnp.log(gw / pw)
    th = jnp.log(gh / ph)
    return jnp.stack([tx, ty, tw, th], axis=-1)


def reference(boxes, gt_boxes, gt_labels):
    boxes = jax.lax.stop_gradient(boxes)
    B = boxes.shape[0]
    num_fg = int(BATCH_SIZE_PER_IM * FG_FRACTION)
    num_bg = BATCH_SIZE_PER_IM - num_fg
    # proposal_label_op includes gt boxes among the candidate proposals
    all_boxes = jnp.concatenate([boxes, gt_boxes], axis=1)  # [B, N+G, 4]
    iou = _bbox_overlap(all_boxes, gt_boxes)  # [B, N+G, G]
    max_iou = jnp.max(iou, axis=-1)
    argmax_iou = jnp.argmax(iou, axis=-1)
    matched_gt = jnp.take_along_axis(gt_boxes, argmax_iou[..., None], axis=1)
    matched_lbl = jnp.take_along_axis(gt_labels, argmax_iou, axis=1)
    fg_mask = max_iou >= FG_THRESH
    bg_mask = (max_iou < BG_THRESH_HI) & (max_iou >= BG_THRESH_LO)
    # deterministic subsampling via top-k (stand-in for random shuffle sampling)
    fg_score = jnp.where(fg_mask, max_iou, -1.0)
    fg_val, fg_idx = jax.lax.top_k(fg_score, num_fg)
    bg_score = jnp.where(bg_mask, 1.0 - max_iou, -1.0)
    bg_val, bg_idx = jax.lax.top_k(bg_score, num_bg)
    idx = jnp.concatenate([fg_idx, bg_idx], axis=1)  # [B, 512]
    is_fg = jnp.concatenate(
        [fg_val >= FG_THRESH, jnp.zeros((B, num_bg), dtype=bool)], axis=1)
    rois = jnp.take_along_axis(all_boxes, idx[..., None], axis=1)
    gt_box_t = jnp.take_along_axis(matched_gt, idx[..., None], axis=1)
    lbl = jnp.take_along_axis(matched_lbl, idx, axis=1)
    class_targets = jnp.where(is_fg, lbl, 0)
    box_targets = jnp.where(is_fg[..., None], _encode(rois, gt_box_t), 0.0)
    return rois, box_targets, class_targets

if __name__ == "__main__":
    import jax
    _d = setup_inputs()
    print(jax.jit(kernel)(*tuple(_d.values())))

</pallas_src>

<mosaic_0001>
#map = affine_map<(d0, d1) -> (0)>
module attributes {stable_mosaic.version = 14 : i64} {
  func.func @_stage_b_body(%arg0: i32, %arg1: i32, %arg2: memref<163840xf32, #tpu.memory_space<hbm>>, %arg3: memref<163840xi32, #tpu.memory_space<hbm>>, %arg4: memref<163840xf32, #tpu.memory_space<hbm>>, %arg5: memref<163840xf32, #tpu.memory_space<hbm>>, %arg6: memref<163840xf32, #tpu.memory_space<hbm>>, %arg7: memref<163840xf32, #tpu.memory_space<hbm>>, %arg8: memref<800xf32, #tpu.memory_space<hbm>>, %arg9: memref<800xf32, #tpu.memory_space<hbm>>, %arg10: memref<800xf32, #tpu.memory_space<hbm>>, %arg11: memref<800xf32, #tpu.memory_space<hbm>>, %arg12: memref<800xi32, #tpu.memory_space<hbm>>, %arg13: memref<4096xf32, #tpu.memory_space<hbm>>, %arg14: memref<4096xf32, #tpu.memory_space<hbm>>, %arg15: memref<4096xf32, #tpu.memory_space<hbm>>, %arg16: memref<4096xf32, #tpu.memory_space<hbm>>, %arg17: memref<4096xf32, #tpu.memory_space<hbm>>, %arg18: memref<4096xf32, #tpu.memory_space<hbm>>, %arg19: memref<4096xf32, #tpu.memory_space<hbm>>, %arg20: memref<4096xf32, #tpu.memory_space<hbm>>, %arg21: memref<4096xi32, #tpu.memory_space<hbm>>, %arg22: memref<4096xi32, #tpu.memory_space<hbm>>, %arg23: memref<20480xf32, #tpu.memory_space<vmem>>, %arg24: memref<20480xi32, #tpu.memory_space<vmem>>, %arg25: memref<20480xi32, #tpu.memory_space<vmem>>, %arg26: memref<20480xi32, #tpu.memory_space<vmem>>, %arg27: memref<4096xi32, #tpu.memory_space<vmem>>, %arg28: memref<4096xi32, #tpu.memory_space<vmem>>, %arg29: memref<16xi32, #tpu.memory_space<vmem>>, %arg30: memref<3x128xi32, #tpu.memory_space<vmem>>, %arg31: memref<3x128xi32, #tpu.memory_space<vmem>>, %arg32: memref<3x128xi32, #tpu.memory_space<vmem>>, %arg33: memref<384xf32, #tpu.memory_space<vmem>>, %arg34: memref<384xi32, #tpu.memory_space<vmem>>, %arg35: memref<384xi32, #tpu.memory_space<vmem>>, %arg36: memref<!tpu.dma_semaphore, #tpu.memory_space<semaphore_mem>>) attributes {dimension_semantics = [#tpu.dimension_semantics<core_parallel>, #tpu.dimension_semantics<subcore_parallel>], iteration_bounds = array<i64: 2, 16>, scalar_prefetch = 0 : i64, scratch_operands = 14 : i64, tpu.core_type = #tpu.core_type<sc_vector_subcore>, window_params = [{transform_indices = #map}, {transform_indices = #map}, {transform_indices = #map}, {transform_indices = #map}, {transform_indices = #map}, {transform_indices = #map}, {transform_indices = #map}, {transform_indices = #map}, {transform_indices = #map}, {transform_indices = #map}, {transform_indices = #map}, {transform_indices = #map}, {transform_indices = #map}, {transform_indices = #map}, {transform_indices = #map}, {transform_indices = #map}, {transform_indices = #map}, {transform_indices = #map}, {transform_indices = #map}, {transform_indices = #map}, {transform_indices = #map}]} {
    %mul3A = arith.constant 2 : i32
    %mul3A_0 = arith.muli %arg1, %mul3A : i32
    %add3A = arith.addi %mul3A_0, %arg0 : i32
    %lt3A = arith.constant 16 : i32
    %lt3A_1 = arith.cmpi slt, %add3A, %lt3A : i32
    %jit3A = arith.constant 2 : i32
    %div3A = arith.divsi %add3A, %jit3A : i32
    %sign3A = arith.constant 0 : i32
    %sign3A_2 = arith.cmpi sgt, %add3A, %sign3A : i32
    %sign3A_3 = arith.extui %sign3A_2 : i1 to i32
    %sign3A_4 = arith.constant 0 : i32
    %sign3A_5 = arith.cmpi slt, %add3A, %sign3A_4 : i32
    %sign3A_6 = arith.extui %sign3A_5 : i1 to i32
    %sign3A_7 = arith.subi %sign3A_3, %sign3A_6 : i32
    %sign3A_8 = arith.constant 0 : i32
    %sign3A_9 = arith.cmpi sgt, %jit3A, %sign3A_8 : i32
    %sign3A_10 = arith.extui %sign3A_9 : i1 to i32
    %sign3A_11 = arith.constant 0 : i32
    %sign3A_12 = arith.cmpi slt, %jit3A, %sign3A_11 : i32
    %sign3A_13 = arith.extui %sign3A_12 : i1 to i32
    %sign3A_14 = arith.subi %sign3A_10, %sign3A_13 : i32
    %ne3A = arith.cmpi ne, %sign3A_7, %sign3A_14 : i32
    %rem3A = arith.remsi %add3A, %jit3A : i32
    %ne3A_15 = arith.constant 0 : i32
    %ne3A_16 = arith.cmpi ne, %rem3A, %ne3A_15 : i32
    %and3A = arith.andi %ne3A, %ne3A_16 : i1
    %sub3A = arith.constant 1 : i32
    %sub3A_17 = arith.subi %div3A, %sub3A : i32
    %select_n3A = arith.select %and3A, %sub3A_17, %div3A : i32
    %jit3A_18 = arith.constant 2 : i32
    %eq3A = arith.constant 0 : i32
    %eq3A_19 = arith.cmpi eq, %jit3A_18, %eq3A : i32
    %jit3A_20 = arith.constant 1 : i32
    %select_n3A_21 = arith.select %eq3A_19, %jit3A_20, %jit3A_18 : i32
    %rem3A_22 = arith.remsi %add3A, %select_n3A_21 : i32
    %ne3A_23 = arith.constant 0 : i32
    %ne3A_24 = arith.cmpi ne, %rem3A_22, %ne3A_23 : i32
    %lt3A_25 = arith.constant 0 : i32
    %lt3A_26 = arith.cmpi slt, %rem3A_22, %lt3A_25 : i32
    %lt3A_27 = arith.constant 0 : i32
    %lt3A_28 = arith.cmpi slt, %select_n3A_21, %lt3A_27 : i32
    %ne3A_29 = arith.xori %lt3A_26, %lt3A_28 : i1
    %and3A_30 = arith.andi %ne3A_29, %ne3A_24 : i1
    %add3A_31 = arith.addi %rem3A_22, %select_n3A_21 : i32
    %select_n3A_32 = arith.select %and3A_30, %add3A_31, %rem3A_22 : i32
    %convert_element_type3A = arith.extui %lt3A_1 : i1 to i32
    %cond3A = arith.constant 0 : i32
    %cond3A_33 = arith.cmpi ne, %convert_element_type3A, %cond3A : i32
    scf.if %cond3A_33 {
      %iota3A = tpu.iota {dimensions = array<i32: 0>} : vector<16xi32>
      %broadcast_in_dim3A = arith.constant 15 : i32
      %broadcast_in_dim3A_34 = vector.broadcast %broadcast_in_dim3A : i32 to vector<16xi32>
      %mul3A_35 = arith.constant 20480 : i32
      %mul3A_36 = arith.muli %select_n3A, %mul3A_35 : i32
      "tpu.region"() ({
        %run_scoped3A = tpu.sem_alloc : memref<!tpu.dma_semaphore, #tpu.memory_space<semaphore_mem>>
        %dma_start3A = tpu.memref_slice %arg2[%mul3A_36] : memref<163840xf32, #tpu.memory_space<hbm>> -> memref<20480xf32, #tpu.memory_space<hbm>>
        %dma_start3A_119 = tpu.memref_slice %arg2[%mul3A_36] : memref<163840xf32, #tpu.memory_space<hbm>> -> memref<20480xf32, #tpu.memory_space<hbm>>
        tpu.enqueue_dma source(%dma_start3A_119 : memref<20480xf32, #tpu.memory_space<hbm>>) target(%arg23 : memref<20480xf32, #tpu.memory_space<vmem>>) target_semaphore(%run_scoped3A : memref<!tpu.dma_semaphore, #tpu.memory_space<semaphore_mem>>)
        %dma_wait3A = tpu.memref_slice %arg2[%mul3A_36] : memref<163840xf32, #tpu.memory_space<hbm>> -> memref<20480xf32, #tpu.memory_space<hbm>>
        %dma_wait3A_120 = tpu.memref_slice %arg2[%mul3A_36] : memref<163840xf32, #tpu.memory_space<hbm>> -> memref<20480xf32, #tpu.memory_space<hbm>>
        tpu.wait_dma2 semaphore(%run_scoped3A : memref<!tpu.dma_semaphore, #tpu.memory_space<semaphore_mem>>) src(%dma_wait3A_120 : memref<20480xf32, #tpu.memory_space<hbm>>) dst(%arg23 : memref<20480xf32, #tpu.memory_space<vmem>>)
        tpu.yield
      }) : () -> ()
      %scan3A = arith.constant 0 : i32
      %scan3A_37 = arith.constant 0 : i32
      %scan3A_38 = arith.constant 1257 : i32
      %scan3A_39 = arith.addi %scan3A_37, %scan3A_38 : i32
      %scan3A_40 = arith.constant 1 : i32
      %scan3A_41 = scf.for %scan3A_119 = %scan3A_37 to %scan3A_39 step %scan3A_40 iter_args(%scan3A_120 = %scan3A) -> (i32)  : i32 {
        %mul3A_121 = arith.constant 16 : i32
        %mul3A_122 = arith.muli %scan3A_119, %mul3A_121 : i32
        %get3A = arith.index_cast %mul3A_122 : i32 to index
        %get3A_123 = tpu.vector_load %arg23[%get3A] {strides = array<i32>} : memref<20480xf32, #tpu.memory_space<vmem>>, vector<16xf32>,
        %mul3A_124 = arith.constant 16 : i32
        %mul3A_125 = arith.muli %scan3A_119, %mul3A_124 : i32
        %add3A_126 = vector.broadcast %mul3A_125 : i32 to vector<16xi32>
        %add3A_127 = arith.addi %iota3A, %add3A_126 : vector<16xi32>
        %lt3A_128 = arith.constant 20100 : i32
        %lt3A_129 = vector.broadcast %lt3A_128 : i32 to vector<16xi32>
        %lt3A_130 = arith.cmpi slt, %add3A_127, %lt3A_129 : vector<16xi32>
        %ge3A = arith.constant 5.000000e-01 : f32
        %ge3A_131 = vector.broadcast %ge3A : f32 to vector<16xf32>
        %ge3A_132 = arith.cmpf oge, %get3A_123, %ge3A_131 : vector<16xf32>
        %and3A_133 = arith.andi %lt3A_130, %ge3A_132 : vector<16xi1>
        %jit3A_134 = arith.constant -1.000000e+00 : f32
        %broadcast_in_dim3A_135 = vector.broadcast %jit3A_134 : f32 to vector<16xf32>
        %select_n3A_136 = arith.select %and3A_133, %get3A_123, %broadcast_in_dim3A_135 : vector<16xi1>, vector<16xf32>
        %lt3A_137 = arith.constant 5.000000e-01 : f32
        %lt3A_138 = vector.broadcast %lt3A_137 : f32 to vector<16xf32>
        %lt3A_139 = arith.cmpf olt, %get3A_123, %lt3A_138 : vector<16xf32>
        %and3A_140 = arith.andi %lt3A_130, %lt3A_139 : vector<16xi1>
        %sub3A_141 = arith.constant 1.000000e+00 : f32
        %sub3A_142 = vector.broadcast %sub3A_141 : f32 to vector<16xf32>
        %sub3A_143 = arith.subf %sub3A_142, %get3A_123 : vector<16xf32>
        %jit3A_144 = arith.constant -1.000000e+00 : f32
        %broadcast_in_dim3A_145 = vector.broadcast %jit3A_144 : f32 to vector<16xf32>
        %select_n3A_146 = arith.select %and3A_140, %sub3A_143, %broadcast_in_dim3A_145 : vector<16xi1>, vector<16xf32>
        %eq3A_147 = arith.constant 0 : i32
        %eq3A_148 = arith.cmpi eq, %select_n3A_32, %eq3A_147 : i32
        %select_n3A_149 = arith.select %eq3A_148, %select_n3A_136, %select_n3A_146 : vector<16xf32>
        %bitcast_convert_type3A = tpu.bitcast %select_n3A_149 : vector<16xf32> -> vector<16xi32>
        %ge3A_150 = arith.constant 0 : i32
        %ge3A_151 = vector.broadcast %ge3A_150 : i32 to vector<16xi32>
        %ge3A_152 = arith.cmpi sge, %bitcast_convert_type3A, %ge3A_151 : vector<16xi32>
        %sub3A_153 = arith.constant 1065418752 : i32
        %sub3A_154 = vector.broadcast %sub3A_153 : i32 to vector<16xi32>
        %sub3A_155 = arith.subi %sub3A_154, %bitcast_convert_type3A : vector<16xi32>
        %jit3A_156 = arith.constant 16777215 : i32
        %broadcast_in_dim3A_157 = vector.broadcast %jit3A_156 : i32 to vector<16xi32>
        %select_n3A_158 = arith.select %ge3A_152, %sub3A_155, %broadcast_in_dim3A_157 : vector<16xi1>, vector<16xi32>
        %bitcast_convert_type3A_159 = tpu.bitcast %select_n3A_158 : vector<16xi32> -> vector<16xf32>
        %mul3A_160 = arith.constant 16 : i32
        %mul3A_161 = arith.muli %scan3A_119, %mul3A_160 : i32
        %swap3A = arith.index_cast %mul3A_161 : i32 to index
        %swap3A_162 = tpu.vector_load %arg23[%swap3A] {strides = array<i32>} : memref<20480xf32, #tpu.memory_space<vmem>>, vector<16xf32>,
        tpu.vector_store %arg23[%swap3A], %bitcast_convert_type3A_159 {strides = array<i32>} : memref<20480xf32, #tpu.memory_space<vmem>>, vector<16xf32>,
        %scan3A_163 = arith.constant 0 : i32
        scf.yield %scan3A_163 : i32
      }
      %scan3A_42 = arith.constant 1257 : i32
      %broadcast_in_dim3A_43 = arith.constant 0 : i32
      %broadcast_in_dim3A_44 = vector.broadcast %broadcast_in_dim3A_43 : i32 to vector<16xi32>
      %scan3A_45 = arith.constant 0 : i32
      %scan3A_46 = arith.constant 0 : i32
      %scan3A_47 = arith.constant 256 : i32
      %scan3A_48 = arith.addi %scan3A_46, %scan3A_47 : i32
      %scan3A_49 = arith.constant 1 : i32
      %scan3A_50 = scf.for %scan3A_119 = %scan3A_46 to %scan3A_48 step %scan3A_49 iter_args(%scan3A_120 = %scan3A_45) -> (i32)  : i32 {
        %mul3A_121 = arith.constant 16 : i32
        %mul3A_122 = arith.muli %scan3A_119, %mul3A_121 : i32
        %swap3A = arith.index_cast %mul3A_122 : i32 to index
        %swap3A_123 = tpu.vector_load %arg27[%swap3A] {strides = array<i32>} : memref<4096xi32, #tpu.memory_space<vmem>>, vector<16xi32>,
        tpu.vector_store %arg27[%swap3A], %broadcast_in_dim3A_44 {strides = array<i32>} : memref<4096xi32, #tpu.memory_space<vmem>>, vector<16xi32>,
        %scan3A_124 = arith.constant 0 : i32
        scf.yield %scan3A_124 : i32
      }
      %scan3A_51 = arith.constant 256 : i32
      %broadcast_in_dim3A_52 = arith.constant 0 : i32
      %broadcast_in_dim3A_53 = vector.broadcast %broadcast_in_dim3A_52 : i32 to vector<16xi32>
      %scan3A_54 = arith.constant 0 : i32
      %scan3A_55 = arith.constant 0 : i32
      %scan3A_56 = arith.constant 1257 : i32
      %scan3A_57 = arith.addi %scan3A_55, %scan3A_56 : i32
      %scan3A_58 = arith.constant 1 : i32
      %scan3A_59 = scf.for %scan3A_119 = %scan3A_55 to %scan3A_57 step %scan3A_58 iter_args(%scan3A_120 = %scan3A_54) -> (i32)  : i32 {
        %mul3A_121 = arith.constant 16 : i32
        %mul3A_122 = arith.muli %scan3A_119, %mul3A_121 : i32
        %get3A = arith.index_cast %mul3A_122 : i32 to index
        %get3A_123 = tpu.vector_load %arg23[%get3A] {strides = array<i32>} : memref<20480xf32, #tpu.memory_space<vmem>>, vector<16xf32>,
        %bitcast_convert_type3A = tpu.bitcast %get3A_123 : vector<16xf32> -> vector<16xi32>
        %shift_right_logical3A = arith.shrui %bitcast_convert_type3A, %broadcast_in_dim3A_53 : vector<16xi32>
        %and3A_124 = arith.constant 4095 : i32
        %and3A_125 = vector.broadcast %and3A_124 : i32 to vector<16xi32>
        %and3A_126 = arith.andi %shift_right_logical3A, %and3A_125 : vector<16xi32>
        %broadcast_in_dim3A_127 = arith.constant true
        %broadcast_in_dim3A_128 = vector.broadcast %broadcast_in_dim3A_127 : i1 to vector<16xi1>
        %unique3A, %unique3A_129 = tpu.scan_count mask(%broadcast_in_dim3A_128 : vector<16xi1>) value(%and3A_126 : vector<16xi32>) : vector<16xi1>, vector<16xi32>
        tpu.vector_store_idx %arg27[%and3A_126], %unique3A_129 masked %unique3A {add = true} : memref<4096xi32, #tpu.memory_space<vmem>>[vector<16xi32>], vector<16xi32>, vector<16xi1>
        %scan3A_130 = arith.constant 0 : i32
        scf.yield %scan3A_130 : i32
      }
      %scan3A_60 = arith.constant 1257 : i32
      %broadcast_in_dim3A_61 = arith.constant 0 : i32
      %broadcast_in_dim3A_62 = vector.broadcast %broadcast_in_dim3A_61 : i32 to vector<16xi32>
      %scan3A_63 = arith.constant 0 : i32
      %scan3A_64 = arith.constant 256 : i32
      %scan3A_65 = arith.addi %scan3A_63, %scan3A_64 : i32
      %scan3A_66 = arith.constant 1 : i32
      %scan3A_67 = scf.for %scan3A_119 = %scan3A_63 to %scan3A_65 step %scan3A_66 iter_args(%scan3A_120 = %broadcast_in_dim3A_62) -> (vector<16xi32>)  : i32 {
        %mul3A_121 = arith.constant 16 : i32
        %mul3A_122 = arith.muli %scan3A_119, %mul3A_121 : i32
        %get3A = arith.index_cast %mul3A_122 : i32 to index
        %get3A_123 = tpu.vector_load %arg27[%get3A] {strides = array<i32>} : memref<4096xi32, #tpu.memory_space<vmem>>, vector<16xi32>,
        %broadcast_in_dim3A_124 = arith.constant true
        %broadcast_in_dim3A_125 = vector.broadcast %broadcast_in_dim3A_124 : i1 to vector<16xi1>
        %masked_cumsum3A = tpu.scan <sum>, %get3A_123 masked %broadcast_in_dim3A_125 : vector<16xi32>, vector<16xi1> -> vector<16xi32>
        %sub3A_126 = arith.subi %masked_cumsum3A, %get3A_123 : vector<16xi32>
        %add3A_127 = arith.addi %sub3A_126, %scan3A_120 : vector<16xi32>
        %mul3A_128 = arith.constant 16 : i32
        %mul3A_129 = arith.muli %scan3A_119, %mul3A_128 : i32
        %swap3A = arith.index_cast %mul3A_129 : i32 to index
        %swap3A_130 = tpu.vector_load %arg28[%swap3A] {strides = array<i32>} : memref<4096xi32, #tpu.memory_space<vmem>>, vector<16xi32>,
        tpu.vector_store %arg28[%swap3A], %add3A_127 {strides = array<i32>} : memref<4096xi32, #tpu.memory_space<vmem>>, vector<16xi32>,
        %swap3A_131 = arith.constant 0 : index
        %swap3A_132 = tpu.vector_load %arg29[%swap3A_131] {strides = array<i32>} : memref<16xi32, #tpu.memory_space<vmem>>, vector<16xi32>,
        tpu.vector_store %arg29[%swap3A_131], %masked_cumsum3A {strides = array<i32>} : memref<16xi32, #tpu.memory_space<vmem>>, vector<16xi32>,
        %gather3A = tpu.vector_load_idx %arg29[%broadcast_in_dim3A_34] : memref<16xi32, #tpu.memory_space<vmem>>[vector<16xi32>], vector<16xi32>,
        %add3A_133 = arith.addi %scan3A_120, %gather3A : vector<16xi32>
        scf.yield %add3A_133 : vector<16xi32>
      }
      %scan3A_68 = arith.constant 256 : i32
      %scan3A_69 = arith.constant 0 : i32
      %scan3A_70 = arith.constant 0 : i32
      %scan3A_71 = arith.constant 1257 : i32
      %scan3A_72 = arith.addi %scan3A_70, %scan3A_71 : i32
      %scan3A_73 = arith.constant 1 : i32
      %scan3A_74 = scf.for %scan3A_119 = %scan3A_70 to %scan3A_72 step %scan3A_73 iter_args(%scan3A_120 = %scan3A_69) -> (i32)  : i32 {
        %mul3A_121 = arith.constant 16 : i32
        %mul3A_122 = arith.muli %scan3A_119, %mul3A_121 : i32
        %get3A = arith.index_cast %mul3A_122 : i32 to index
        %get3A_123 = tpu.vector_load %arg23[%get3A] {strides = array<i32>} : memref<20480xf32, #tpu.memory_space<vmem>>, vector<16xf32>,
        %bitcast_convert_type3A = tpu.bitcast %get3A_123 : vector<16xf32> -> vector<16xi32>
        %shift_right_logical3A = arith.shrui %bitcast_convert_type3A, %broadcast_in_dim3A_53 : vector<16xi32>
        %and3A_124 = arith.constant 4095 : i32
        %and3A_125 = vector.broadcast %and3A_124 : i32 to vector<16xi32>
        %and3A_126 = arith.andi %shift_right_logical3A, %and3A_125 : vector<16xi32>
        %mul3A_127 = arith.constant 16 : i32
        %mul3A_128 = arith.muli %scan3A_119, %mul3A_127 : i32
        %add3A_129 = vector.broadcast %mul3A_128 : i32 to vector<16xi32>
        %add3A_130 = arith.addi %iota3A, %add3A_129 : vector<16xi32>
        %gather3A = tpu.vector_load_idx %arg28[%and3A_126] : memref<4096xi32, #tpu.memory_space<vmem>>[vector<16xi32>], vector<16xi32>,
        %broadcast_in_dim3A_131 = arith.constant true
        %broadcast_in_dim3A_132 = vector.broadcast %broadcast_in_dim3A_131 : i1 to vector<16xi1>
        %unique3A, %unique3A_133 = tpu.scan_count mask(%broadcast_in_dim3A_132 : vector<16xi1>) value(%and3A_126 : vector<16xi32>) : vector<16xi1>, vector<16xi32>
        %add3A_134 = arith.addi %gather3A, %unique3A_133 : vector<16xi32>
        %sub3A_135 = arith.constant 1 : i32
        %sub3A_136 = vector.broadcast %sub3A_135 : i32 to vector<16xi32>
        %sub3A_137 = arith.subi %add3A_134, %sub3A_136 : vector<16xi32>
        tpu.vector_store_idx %arg24[%sub3A_137], %bitcast_convert_type3A : memref<20480xi32, #tpu.memory_space<vmem>>[vector<16xi32>], vector<16xi32>,
        tpu.vector_store_idx %arg26[%sub3A_137], %add3A_130 : memref<20480xi32, #tpu.memory_space<vmem>>[vector<16xi32>], vector<16xi32>,
        tpu.vector_store_idx %arg28[%and3A_126], %unique3A_133 masked %unique3A {add = true} : memref<4096xi32, #tpu.memory_space<vmem>>[vector<16xi32>], vector<16xi32>, vector<16xi1>
        %scan3A_138 = arith.constant 0 : i32
        scf.yield %scan3A_138 : i32
      }
      %scan3A_75 = arith.constant 1257 : i32
      %broadcast_in_dim3A_76 = arith.constant 0 : i32
      %broadcast_in_dim3A_77 = vector.broadcast %broadcast_in_dim3A_76 : i32 to vector<16xi32>
      %scan3A_78 = arith.constant 0 : i32
      %scan3A_79 = arith.constant 0 : i32
      %scan3A_80 = arith.constant 256 : i32
      %scan3A_81 = arith.addi %scan3A_79, %scan3A_80 : i32
      %scan3A_82 = arith.constant 1 : i32
      %scan3A_83 = scf.for %scan3A_119 = %scan3A_79 to %scan3A_81 step %scan3A_82 iter_args(%scan3A_120 = %scan3A_78) -> (i32)  : i32 {
        %mul3A_121 = arith.constant 16 : i32
        %mul3A_122 = arith.muli %scan3A_119, %mul3A_121 : i32
        %swap3A = arith.index_cast %mul3A_122 : i32 to index
        %swap3A_123 = tpu.vector_load %arg27[%swap3A] {strides = array<i32>} : memref<4096xi32, #tpu.memory_space<vmem>>, vector<16xi32>,
        tpu.vector_store %arg27[%swap3A], %broadcast_in_dim3A_77 {strides = array<i32>} : memref<4096xi32, #tpu.memory_space<vmem>>, vector<16xi32>,
        %scan3A_124 = arith.constant 0 : i32
        scf.yield %scan3A_124 : i32
      }
      %scan3A_84 = arith.constant 256 : i32
      %broadcast_in_dim3A_85 = arith.constant 12 : i32
      %broadcast_in_dim3A_86 = vector.broadcast %broadcast_in_dim3A_85 : i32 to vector<16xi32>
      %scan3A_87 = arith.constant 0 : i32
      %scan3A_88 = arith.constant 0 : i32
      %scan3A_89 = arith.constant 1257 : i32
      %scan3A_90 = arith.addi %scan3A_88, %scan3A_89 : i32
      %scan3A_91 = arith.constant 1 : i32
      %scan3A_92 = scf.for %scan3A_119 = %scan3A_88 to %scan3A_90 step %scan3A_91 iter_args(%scan3A_120 = %scan3A_87) -> (i32)  : i32 {
        %mul3A_121 = arith.constant 16 : i32
        %mul3A_122 = arith.muli %scan3A_119, %mul3A_121 : i32
        %get3A = arith.index_cast %mul3A_122 : i32 to index
        %get3A_123 = tpu.vector_load %arg24[%get3A] {strides = array<i32>} : memref<20480xi32, #tpu.memory_space<vmem>>, vector<16xi32>,
        %shift_right_logical3A = arith.shrui %get3A_123, %broadcast_in_dim3A_86 : vector<16xi32>
        %and3A_124 = arith.constant 4095 : i32
        %and3A_125 = vector.broadcast %and3A_124 : i32 to vector<16xi32>
        %and3A_126 = arith.andi %shift_right_logical3A, %and3A_125 : vector<16xi32>
        %broadcast_in_dim3A_127 = arith.constant true
        %broadcast_in_dim3A_128 = vector.broadcast %broadcast_in_dim3A_127 : i1 to vector<16xi1>
        %unique3A, %unique3A_129 = tpu.scan_count mask(%broadcast_in_dim3A_128 : vector<16xi1>) value(%and3A_126 : vector<16xi32>) : vector<16xi1>, vector<16xi32>
        tpu.vector_store_idx %arg27[%and3A_126], %unique3A_129 masked %unique3A {add = true} : memref<4096xi32, #tpu.memory_space<vmem>>[vector<16xi32>], vector<16xi32>, vector<16xi1>
        %scan3A_130 = arith.constant 0 : i32
        scf.yield %scan3A_130 : i32
      }
      %scan3A_93 = arith.constant 1257 : i32
      %broadcast_in_dim3A_94 = arith.constant 0 : i32
      %broadcast_in_dim3A_95 = vector.broadcast %broadcast_in_dim3A_94 : i32 to vector<16xi32>
      %scan3A_96 = arith.constant 0 : i32
      %scan3A_97 = arith.constant 256 : i32
      %scan3A_98 = arith.addi %scan3A_96, %scan3A_97 : i32
      %scan3A_99 = arith.constant 1 : i32
      %scan3A_100 = scf.for %scan3A_119 = %scan3A_96 to %scan3A_98 step %scan3A_99 iter_args(%scan3A_120 = %broadcast_in_dim3A_95) -> (vector<16xi32>)  : i32 {
        %mul3A_121 = arith.constant 16 : i32
        %mul3A_122 = arith.muli %scan3A_119, %mul3A_121 : i32
        %get3A = arith.index_cast %mul3A_122 : i32 to index
        %get3A_123 = tpu.vector_load %arg27[%get3A] {strides = array<i32>} : memref<4096xi32, #tpu.memory_space<vmem>>, vector<16xi32>,
        %broadcast_in_dim3A_124 = arith.constant true
        %broadcast_in_dim3A_125 = vector.broadcast %broadcast_in_dim3A_124 : i1 to vector<16xi1>
        %masked_cumsum3A = tpu.scan <sum>, %get3A_123 masked %broadcast_in_dim3A_125 : vector<16xi32>, vector<16xi1> -> vector<16xi32>
        %sub3A_126 = arith.subi %masked_cumsum3A, %get3A_123 : vector<16xi32>
        %add3A_127 = arith.addi %sub3A_126, %scan3A_120 : vector<16xi32>
        %mul3A_128 = arith.constant 16 : i32
        %mul3A_129 = arith.muli %scan3A_119, %mul3A_128 : i32
        %swap3A = arith.index_cast %mul3A_129 : i32 to index
        %swap3A_130 = tpu.vector_load %arg28[%swap3A] {strides = array<i32>} : memref<4096xi32, #tpu.memory_space<vmem>>, vector<16xi32>,
        tpu.vector_store %arg28[%swap3A], %add3A_127 {strides = array<i32>} : memref<4096xi32, #tpu.memory_space<vmem>>, vector<16xi32>,
        %swap3A_131 = arith.constant 0 : index
        %swap3A_132 = tpu.vector_load %arg29[%swap3A_131] {strides = array<i32>} : memref<16xi32, #tpu.memory_space<vmem>>, vector<16xi32>,
        tpu.vector_store %arg29[%swap3A_131], %masked_cumsum3A {strides = array<i32>} : memref<16xi32, #tpu.memory_space<vmem>>, vector<16xi32>,
        %gather3A = tpu.vector_load_idx %arg29[%broadcast_in_dim3A_34] : memref<16xi32, #tpu.memory_space<vmem>>[vector<16xi32>], vector<16xi32>,
        %add3A_133 = arith.addi %scan3A_120, %gather3A : vector<16xi32>
        scf.yield %add3A_133 : vector<16xi32>
      }
      %scan3A_101 = arith.constant 256 : i32
      %scan3A_102 = arith.constant 0 : i32
      %scan3A_103 = arith.constant 0 : i32
      %scan3A_104 = arith.constant 1257 : i32
      %scan3A_105 = arith.addi %scan3A_103, %scan3A_104 : i32
      %scan3A_106 = arith.constant 1 : i32
      %scan3A_107 = scf.for %scan3A_119 = %scan3A_103 to %scan3A_105 step %scan3A_106 iter_args(%scan3A_120 = %scan3A_102) -> (i32)  : i32 {
        %mul3A_121 = arith.constant 16 : i32
        %mul3A_122 = arith.muli %scan3A_119, %mul3A_121 : i32
        %get3A = arith.index_cast %mul3A_122 : i32 to index
        %get3A_123 = tpu.vector_load %arg24[%get3A] {strides = array<i32>} : memref<20480xi32, #tpu.memory_space<vmem>>, vector<16xi32>,
        %shift_right_logical3A = arith.shrui %get3A_123, %broadcast_in_dim3A_86 : vector<16xi32>
        %and3A_124 = arith.constant 4095 : i32
        %and3A_125 = vector.broadcast %and3A_124 : i32 to vector<16xi32>
        %and3A_126 = arith.andi %shift_right_logical3A, %and3A_125 : vector<16xi32>
        %mul3A_127 = arith.constant 16 : i32
        %mul3A_128 = arith.muli %scan3A_119, %mul3A_127 : i32
        %get3A_129 = arith.index_cast %mul3A_128 : i32 to index
        %get3A_130 = tpu.vector_load %arg26[%get3A_129] {strides = array<i32>} : memref<20480xi32, #tpu.memory_space<vmem>>, vector<16xi32>,
        %gather3A = tpu.vector_load_idx %arg28[%and3A_126] : memref<4096xi32, #tpu.memory_space<vmem>>[vector<16xi32>], vector<16xi32>,
        %broadcast_in_dim3A_131 = arith.constant true
        %broadcast_in_dim3A_132 = vector.broadcast %broadcast_in_dim3A_131 : i1 to vector<16xi1>
        %unique3A, %unique3A_133 = tpu.scan_count mask(%broadcast_in_dim3A_132 : vector<16xi1>) value(%and3A_126 : vector<16xi32>) : vector<16xi1>, vector<16xi32>
        %add3A_134 = arith.addi %gather3A, %unique3A_133 : vector<16xi32>
        %sub3A_135 = arith.constant 1 : i32
        %sub3A_136 = vector.broadcast %sub3A_135 : i32 to vector<16xi32>
        %sub3A_137 = arith.subi %add3A_134, %sub3A_136 : vector<16xi32>
        %bitcast_convert_type3A = tpu.bitcast %get3A_123 : vector<16xi32> -> vector<16xf32>
        tpu.vector_store_idx %arg23[%sub3A_137], %bitcast_convert_type3A : memref<20480xf32, #tpu.memory_space<vmem>>[vector<16xi32>], vector<16xf32>,
        tpu.vector_store_idx %arg25[%sub3A_137], %get3A_130 : memref<20480xi32, #tpu.memory_space<vmem>>[vector<16xi32>], vector<16xi32>,
        tpu.vector_store_idx %arg28[%and3A_126], %unique3A_133 masked %unique3A {add = true} : memref<4096xi32, #tpu.memory_space<vmem>>[vector<16xi32>], vector<16xi32>, vector<16xi1>
        %scan3A_138 = arith.constant 0 : i32
        scf.yield %scan3A_138 : i32
      }
      %scan3A_108 = arith.constant 1257 : i32
      %eq3A_109 = arith.constant 0 : i32
      %eq3A_110 = arith.cmpi eq, %select_n3A_32, %eq3A_109 : i32
      %convert_element_type3A_111 = arith.extui %eq3A_110 : i1 to i32
      %cond3A_112 = arith.constant 0 : i32
      %cond3A_113 = arith.cmpi ne, %convert_element_type3A_111, %cond3A_112 : i32
      scf.if %cond3A_113 {
        %scan3A_119 = arith.constant 0 : i32
        %scan3A_120 = arith.constant 0 : i32
        %scan3A_121 = arith.constant 8 : i32
        %scan3A_122 = arith.addi %scan3A_120, %scan3A_121 : i32
        %scan3A_123 = arith.constant 1 : i32
        %scan3A_124 = scf.for %scan3A_299 = %scan3A_120 to %scan3A_122 step %scan3A_123 iter_args(%scan3A_300 = %scan3A_119) -> (i32)  : i32 {
          %mul3A_301 = arith.constant 16 : i32
          %mul3A_302 = arith.muli %scan3A_299, %mul3A_301 : i32
          %get3A = arith.index_cast %mul3A_302 : i32 to index
          %get3A_303 = tpu.vector_load %arg25[%get3A] {strides = array<i32>} : memref<20480xi32, #tpu.memory_space<vmem>>, vector<16xi32>,
          %shift_right_arithmetic3A = arith.constant 3 : i32
          %shift_right_arithmetic3A_304 = arith.shrsi %scan3A_299, %shift_right_arithmetic3A : i32
          %and3A_305 = arith.constant 7 : i32
          %and3A_306 = arith.andi %scan3A_299, %and3A_305 : i32
          %mul3A_307 = arith.constant 16 : i32
          %mul3A_308 = arith.muli %and3A_306, %mul3A_307 : i32
          %mul3A_309 = arith.constant 20480 : i32
          %mul3A_310 = arith.muli %select_n3A, %mul3A_309 : i32
          %add3A_311 = vector.broadcast %mul3A_310 : i32 to vector<16xi32>
          %add3A_312 = arith.addi %get3A_303, %add3A_311 : vector<16xi32>
          %swap3A = arith.index_cast %shift_right_arithmetic3A_304 : i32 to index
          %swap3A_313 = arith.index_cast %mul3A_308 : i32 to index
          %swap3A_314 = tpu.vector_load %arg30[%swap3A, %swap3A_313] {strides = array<i32>} : memref<3x128xi32, #tpu.memory_space<vmem>>, vector<16xi32>,
          tpu.vector_store %arg30[%swap3A, %swap3A_313], %add3A_312 {strides = array<i32>} : memref<3x128xi32, #tpu.memory_space<vmem>>, vector<16xi32>,
          %mul3A_315 = arith.constant 16 : i32
          %mul3A_316 = arith.muli %scan3A_299, %mul3A_315 : i32
          %get3A_317 = arith.index_cast %mul3A_316 : i32 to index
          %get3A_318 = tpu.vector_load %arg23[%get3A_317] {strides = array<i32>} : memref<20480xf32, #tpu.memory_space<vmem>>, vector<16xf32>,
          %bitcast_convert_type3A = tpu.bitcast %get3A_318 : vector<16xf32> -> vector<16xi32>
          %lt3A_319 = arith.constant 16777215 : i32
          %lt3A_320 = vector.broadcast %lt3A_319 : i32 to vector<16xi32>
          %lt3A_321 = arith.cmpi slt, %bitcast_convert_type3A, %lt3A_320 : vector<16xi32>
          %jit3A_322 = arith.constant 1 : i32
          %jit3A_323 = arith.constant 0 : i32
          %broadcast_in_dim3A_324 = vector.broadcast %jit3A_322 : i32 to vector<16xi32>
          %broadcast_in_dim3A_325 = vector.broadcast %jit3A_323 : i32 to vector<16xi32>
          %select_n3A_326 = arith.select %lt3A_321, %broadcast_in_dim3A_324, %broadcast_in_dim3A_325 : vector<16xi1>, vector<16xi32>
          %mul3A_327 = arith.constant 16 : i32
          %mul3A_328 = arith.muli %scan3A_299, %mul3A_327 : i32
          %swap3A_329 = arith.index_cast %mul3A_328 : i32 to index
          %swap3A_330 = tpu.vector_load %arg35[%swap3A_329] {strides = array<i32>} : memref<384xi32, #tpu.memory_space<vmem>>, vector<16xi32>,
          tpu.vector_store %arg35[%swap3A_329], %select_n3A_326 {strides = array<i32>} : memref<384xi32, #tpu.memory_space<vmem>>, vector<16xi32>,
          %scan3A_331 = arith.constant 0 : i32
          scf.yield %scan3A_331 : i32
        }
        %scan3A_125 = arith.constant 8 : i32
        %mul3A_126 = arith.constant 512 : i32
        %mul3A_127 = arith.muli %select_n3A, %mul3A_126 : i32
        %add3A_128 = arith.constant 0 : i32
        %add3A_129 = arith.addi %mul3A_127, %add3A_128 : i32
        %dma_start3A = arith.constant 0 : i32
        %dma_start3A_130 = arith.constant 0 : i32
        %dma_start3A_131 = arith.constant 0 : i32
        %dma_start3A_132 = tpu.memref_slice %arg31[%dma_start3A_130, %dma_start3A_131] : memref<3x128xi32, #tpu.memory_space<vmem>> -> memref<1x128xi32, #tpu.memory_space<vmem>>
        %dma_start3A_133 = tpu.memref_squeeze %dma_start3A_132 : memref<1x128xi32, #tpu.memory_space<vmem>> -> memref<128xi32, #tpu.memory_space<vmem>>
        %dma_start3A_134 = arith.constant 0 : i32
        %dma_start3A_135 = tpu.memref_slice %arg30[%dma_start3A, %dma_start3A_134] : memref<3x128xi32, #tpu.memory_space<vmem>> -> memref<1x128xi32, #tpu.memory_space<vmem>>
        %dma_start3A_136 = tpu.memref_squeeze %dma_start3A_135 : memref<1x128xi32, #tpu.memory_space<vmem>> -> memref<128xi32, #tpu.memory_space<vmem>>
        %dma_start3A_137 = arith.constant 0 : i32
        %dma_start3A_138 = tpu.memref_slice %arg3[%dma_start3A_137] : memref<163840xi32, #tpu.memory_space<hbm>> -> memref<163840xi32, #tpu.memory_space<hbm>>
        tpu.enqueue_indirect_dma source(%dma_start3A_138 : memref<163840xi32, #tpu.memory_space<hbm>>) target(%dma_start3A_133 : memref<128xi32, #tpu.memory_space<vmem>>) offsets(%dma_start3A_136 : memref<128xi32, #tpu.memory_space<vmem>>) semaphore(%arg36 : memref<!tpu.dma_semaphore, #tpu.memory_space<semaphore_mem>>)
        %dma_wait3A = arith.constant 0 : i32
        %dma_wait3A_139 = arith.constant 0 : i32
        %dma_wait3A_140 = arith.constant 0 : i32
        %dma_wait3A_141 = tpu.memref_slice %arg31[%dma_wait3A_139, %dma_wait3A_140] : memref<3x128xi32, #tpu.memory_space<vmem>> -> memref<1x128xi32, #tpu.memory_space<vmem>>
        %dma_wait3A_142 = tpu.memref_squeeze %dma_wait3A_141 : memref<1x128xi32, #tpu.memory_space<vmem>> -> memref<128xi32, #tpu.memory_space<vmem>>
        %dma_wait3A_143 = arith.constant 0 : i32
        %dma_wait3A_144 = tpu.memref_slice %arg30[%dma_wait3A, %dma_wait3A_143] : memref<3x128xi32, #tpu.memory_space<vmem>> -> memref<1x128xi32, #tpu.memory_space<vmem>>
        %dma_wait3A_145 = tpu.memref_squeeze %dma_wait3A_144 : memref<1x128xi32, #tpu.memory_space<vmem>> -> memref<128xi32, #tpu.memory_space<vmem>>
        %dma_wait3A_146 = arith.constant 0 : i32
        %dma_wait3A_147 = tpu.memref_slice %arg3[%dma_wait3A_146] : memref<163840xi32, #tpu.memory_space<hbm>> -> memref<163840xi32, #tpu.memory_space<hbm>>
        tpu.wait_indirect_dma semaphore(%arg36 : memref<!tpu.dma_semaphore, #tpu.memory_space<semaphore_mem>>) src(%dma_wait3A_147 : memref<163840xi32, #tpu.memory_space<hbm>>) dst(%dma_wait3A_142 : memref<128xi32, #tpu.memory_space<vmem>>)
        %scan3A_148 = arith.constant 0 : i32
        %scan3A_149 = arith.constant 0 : i32
        %scan3A_150 = arith.constant 8 : i32
        %scan3A_151 = arith.addi %scan3A_149, %scan3A_150 : i32
        %scan3A_152 = arith.constant 1 : i32
        %scan3A_153 = scf.for %scan3A_299 = %scan3A_149 to %scan3A_151 step %scan3A_152 iter_args(%scan3A_300 = %scan3A_148) -> (i32)  : i32 {
          %shift_right_arithmetic3A = arith.constant 3 : i32
          %shift_right_arithmetic3A_301 = arith.shrsi %scan3A_299, %shift_right_arithmetic3A : i32
          %and3A_302 = arith.constant 7 : i32
          %and3A_303 = arith.andi %scan3A_299, %and3A_302 : i32
          %mul3A_304 = arith.constant 16 : i32
          %mul3A_305 = arith.muli %and3A_303, %mul3A_304 : i32
          %get3A = arith.index_cast %shift_right_arithmetic3A_301 : i32 to index
          %get3A_306 = arith.index_cast %mul3A_305 : i32 to index
          %get3A_307 = tpu.vector_load %arg31[%get3A, %get3A_306] {strides = array<i32>} : memref<3x128xi32, #tpu.memory_space<vmem>>, vector<16xi32>,
          %mul3A_308 = arith.constant 100 : i32
          %mul3A_309 = arith.muli %select_n3A, %mul3A_308 : i32
          %add3A_310 = vector.broadcast %mul3A_309 : i32 to vector<16xi32>
          %add3A_311 = arith.addi %get3A_307, %add3A_310 : vector<16xi32>
          %swap3A = arith.index_cast %shift_right_arithmetic3A_301 : i32 to index
          %swap3A_312 = arith.index_cast %mul3A_305 : i32 to index
          %swap3A_313 = tpu.vector_load %arg32[%swap3A, %swap3A_312] {strides = array<i32>} : memref<3x128xi32, #tpu.memory_space<vmem>>, vector<16xi32>,
          tpu.vector_store %arg32[%swap3A, %swap3A_312], %add3A_311 {strides = array<i32>} : memref<3x128xi32, #tpu.memory_space<vmem>>, vector<16xi32>,
          %scan3A_314 = arith.constant 0 : i32
          scf.yield %scan3A_314 : i32
        }
        %scan3A_154 = arith.constant 8 : i32
        %dma_start3A_155 = arith.constant 0 : i32
        %dma_start3A_156 = arith.constant 0 : i32
        %dma_start3A_157 = tpu.memref_slice %arg33[%dma_start3A_156] : memref<384xf32, #tpu.memory_space<vmem>> -> memref<128xf32, #tpu.memory_space<vmem>>
        %dma_start3A_158 = arith.constant 0 : i32
        %dma_start3A_159 = tpu.memref_slice %arg30[%dma_start3A_155, %dma_start3A_158] : memref<3x128xi32, #tpu.memory_space<vmem>> -> memref<1x128xi32, #tpu.memory_space<vmem>>
        %dma_start3A_160 = tpu.memref_squeeze %dma_start3A_159 : memref<1x128xi32, #tpu.memory_space<vmem>> -> memref<128xi32, #tpu.memory_space<vmem>>
        %dma_start3A_161 = arith.constant 0 : i32
        %dma_start3A_162 = tpu.memref_slice %arg4[%dma_start3A_161] : memref<163840xf32, #tpu.memory_space<hbm>> -> memref<163840xf32, #tpu.memory_space<hbm>>
        tpu.enqueue_indirect_dma source(%dma_start3A_162 : memref<163840xf32, #tpu.memory_space<hbm>>) target(%dma_start3A_157 : memref<128xf32, #tpu.memory_space<vmem>>) offsets(%dma_start3A_160 : memref<128xi32, #tpu.memory_space<vmem>>) semaphore(%arg36 : memref<!tpu.dma_semaphore, #tpu.memory_space<semaphore_mem>>)
        %dma_wait3A_163 = arith.constant 0 : i32
        %dma_wait3A_164 = arith.constant 0 : i32
        %dma_wait3A_165 = tpu.memref_slice %arg33[%dma_wait3A_164] : memref<384xf32, #tpu.memory_space<vmem>> -> memref<128xf32, #tpu.memory_space<vmem>>
        %dma_wait3A_166 = arith.constant 0 : i32
        %dma_wait3A_167 = tpu.memref_slice %arg30[%dma_wait3A_163, %dma_wait3A_166] : memref<3x128xi32, #tpu.memory_space<vmem>> -> memref<1x128xi32, #tpu.memory_space<vmem>>
        %dma_wait3A_168 = tpu.memref_squeeze %dma_wait3A_167 : memref<1x128xi32, #tpu.memory_space<vmem>> -> memref<128xi32, #tpu.memory_space<vmem>>
        %dma_wait3A_169 = arith.constant 0 : i32
        %dma_wait3A_170 = tpu.memref_slice %arg4[%dma_wait3A_169] : memref<163840xf32, #tpu.memory_space<hbm>> -> memref<163840xf32, #tpu.memory_space<hbm>>
        tpu.wait_indirect_dma semaphore(%arg36 : memref<!tpu.dma_semaphore, #tpu.memory_space<semaphore_mem>>) src(%dma_wait3A_170 : memref<163840xf32, #tpu.memory_space<hbm>>) dst(%dma_wait3A_165 : memref<128xf32, #tpu.memory_space<vmem>>)
        "tpu.region"() ({
          %run_scoped3A = tpu.sem_alloc : memref<!tpu.dma_semaphore, #tpu.memory_space<semaphore_mem>>
          %dma_start3A_299 = arith.constant 0 : i32
          %dma_start3A_300 = tpu.memref_slice %arg33[%dma_start3A_299] : memref<384xf32, #tpu.memory_space<vmem>> -> memref<128xf32, #tpu.memory_space<vmem>>
          %dma_start3A_301 = tpu.memref_slice %arg13[%add3A_129] : memref<4096xf32, #tpu.memory_space<hbm>> -> memref<128xf32, #tpu.memory_space<hbm>>
          %dma_start3A_302 = tpu.memref_slice %arg13[%add3A_129] : memref<4096xf32, #tpu.memory_space<hbm>> -> memref<128xf32, #tpu.memory_space<hbm>>
          %dma_start3A_303 = arith.constant 0 : i32
          %dma_start3A_304 = tpu.memref_slice %arg33[%dma_start3A_303] : memref<384xf32, #tpu.memory_space<vmem>> -> memref<128xf32, #tpu.memory_space<vmem>>
          tpu.enqueue_dma source(%dma_start3A_304 : memref<128xf32, #tpu.memory_space<vmem>>) target(%dma_start3A_302 : memref<128xf32, #tpu.memory_space<hbm>>) target_semaphore(%run_scoped3A : memref<!tpu.dma_semaphore, #tpu.memory_space<semaphore_mem>>)
          %dma_wait3A_305 = arith.constant 0 : i32
          %dma_wait3A_306 = tpu.memref_slice %arg33[%dma_wait3A_305] : memref<384xf32, #tpu.memory_space<vmem>> -> memref<128xf32, #tpu.memory_space<vmem>>
          %dma_wait3A_307 = tpu.memref_slice %arg13[%add3A_129] : memref<4096xf32, #tpu.memory_space<hbm>> -> memref<128xf32, #tpu.memory_space<hbm>>
          %dma_wait3A_308 = tpu.memref_slice %arg13[%add3A_129] : memref<4096xf32, #tpu.memory_space<hbm>> -> memref<128xf32, #tpu.memory_space<hbm>>
          %dma_wait3A_309 = arith.constant 0 : i32
          %dma_wait3A_310 = tpu.memref_slice %arg33[%dma_wait3A_309] : memref<384xf32, #tpu.memory_space<vmem>> -> memref<128xf32, #tpu.memory_space<vmem>>
          tpu.wait_dma2 semaphore(%run_scoped3A : memref<!tpu.dma_semaphore, #tpu.memory_space<semaphore_mem>>) src(%dma_wait3A_310 : memref<128xf32, #tpu.memory_space<vmem>>) dst(%dma_wait3A_308 : memref<128xf32, #tpu.memory_space<hbm>>)
          tpu.yield
        }) : () -> ()
        %dma_start3A_171 = arith.constant 0 : i32
        %dma_start3A_172 = arith.constant 0 : i32
        %dma_start3A_173 = tpu.memref_slice %arg33[%dma_start3A_172] : memref<384xf32, #tpu.memory_space<vmem>> -> memref<128xf32, #tpu.memory_space<vmem>>
        %dma_start3A_174 = arith.constant 0 : i32
        %dma_start3A_175 = tpu.memref_slice %arg30[%dma_start3A_171, %dma_start3A_174] : memref<3x128xi32, #tpu.memory_space<vmem>> -> memref<1x128xi32, #tpu.memory_space<vmem>>
        %dma_start3A_176 = tpu.memref_squeeze %dma_start3A_175 : memref<1x128xi32, #tpu.memory_space<vmem>> -> memref<128xi32, #tpu.memory_space<vmem>>
        %dma_start3A_177 = arith.constant 0 : i32
        %dma_start3A_178 = tpu.memref_slice %arg5[%dma_start3A_177] : memref<163840xf32, #tpu.memory_space<hbm>> -> memref<163840xf32, #tpu.memory_space<hbm>>
        tpu.enqueue_indirect_dma source(%dma_start3A_178 : memref<163840xf32, #tpu.memory_space<hbm>>) target(%dma_start3A_173 : memref<128xf32, #tpu.memory_space<vmem>>) offsets(%dma_start3A_176 : memref<128xi32, #tpu.memory_space<vmem>>) semaphore(%arg36 : memref<!tpu.dma_semaphore, #tpu.memory_space<semaphore_mem>>)
        %dma_wait3A_179 = arith.constant 0 : i32
        %dma_wait3A_180 = arith.constant 0 : i32
        %dma_wait3A_181 = tpu.memref_slice %arg33[%dma_wait3A_180] : memref<384xf32, #tpu.memory_space<vmem>> -> memref<128xf32, #tpu.memory_space<vmem>>
        %dma_wait3A_182 = arith.constant 0 : i32
        %dma_wait3A_183 = tpu.memref_slice %arg30[%dma_wait3A_179, %dma_wait3A_182] : memref<3x128xi32, #tpu.memory_space<vmem>> -> memref<1x128xi32, #tpu.memory_space<vmem>>
        %dma_wait3A_184 = tpu.memref_squeeze %dma_wait3A_183 : memref<1x128xi32, #tpu.memory_space<vmem>> -> memref<128xi32, #tpu.memory_space<vmem>>
        %dma_wait3A_185 = arith.constant 0 : i32
        %dma_wait3A_186 = tpu.memref_slice %arg5[%dma_wait3A_185] : memref<163840xf32, #tpu.memory_space<hbm>> -> memref<163840xf32, #tpu.memory_space<hbm>>
        tpu.wait_indirect_dma semaphore(%arg36 : memref<!tpu.dma_semaphore, #tpu.memory_space<semaphore_mem>>) src(%dma_wait3A_186 : memref<163840xf32, #tpu.memory_space<hbm>>) dst(%dma_wait3A_181 : memref<128xf32, #tpu.memory_space<vmem>>)
        "tpu.region"() ({
          %run_scoped3A = tpu.sem_alloc : memref<!tpu.dma_semaphore, #tpu.memory_space<semaphore_mem>>
          %dma_start3A_299 = arith.constant 0 : i32
          %dma_start3A_300 = tpu.memref_slice %arg33[%dma_start3A_299] : memref<384xf32, #tpu.memory_space<vmem>> -> memref<128xf32, #tpu.memory_space<vmem>>
          %dma_start3A_301 = tpu.memref_slice %arg14[%add3A_129] : memref<4096xf32, #tpu.memory_space<hbm>> -> memref<128xf32, #tpu.memory_space<hbm>>
          %dma_start3A_302 = tpu.memref_slice %arg14[%add3A_129] : memref<4096xf32, #tpu.memory_space<hbm>> -> memref<128xf32, #tpu.memory_space<hbm>>
          %dma_start3A_303 = arith.constant 0 : i32
          %dma_start3A_304 = tpu.memref_slice %arg33[%dma_start3A_303] : memref<384xf32, #tpu.memory_space<vmem>> -> memref<128xf32, #tpu.memory_space<vmem>>
          tpu.enqueue_dma source(%dma_start3A_304 : memref<128xf32, #tpu.memory_space<vmem>>) target(%dma_start3A_302 : memref<128xf32, #tpu.memory_space<hbm>>) target_semaphore(%run_scoped3A : memref<!tpu.dma_semaphore, #tpu.memory_space<semaphore_mem>>)
          %dma_wait3A_305 = arith.constant 0 : i32
          %dma_wait3A_306 = tpu.memref_slice %arg33[%dma_wait3A_305] : memref<384xf32, #tpu.memory_space<vmem>> -> memref<128xf32, #tpu.memory_space<vmem>>
          %dma_wait3A_307 = tpu.memref_slice %arg14[%add3A_129] : memref<4096xf32, #tpu.memory_space<hbm>> -> memref<128xf32, #tpu.memory_space<hbm>>
          %dma_wait3A_308 = tpu.memref_slice %arg14[%add3A_129] : memref<4096xf32, #tpu.memory_space<hbm>> -> memref<128xf32, #tpu.memory_space<hbm>>
          %dma_wait3A_309 = arith.constant 0 : i32
          %dma_wait3A_310 = tpu.memref_slice %arg33[%dma_wait3A_309] : memref<384xf32, #tpu.memory_space<vmem>> -> memref<128xf32, #tpu.memory_space<vmem>>
          tpu.wait_dma2 semaphore(%run_scoped3A : memref<!tpu.dma_semaphore, #tpu.memory_space<semaphore_mem>>) src(%dma_wait3A_310 : memref<128xf32, #tpu.memory_space<vmem>>) dst(%dma_wait3A_308 : memref<128xf32, #tpu.memory_space<hbm>>)
          tpu.yield
        }) : () -> ()
        %dma_start3A_187 = arith.constant 0 : i32
        %dma_start3A_188 = arith.constant 0 : i32
        %dma_start3A_189 = tpu.memref_slice %arg33[%dma_start3A_188] : memref<384xf32, #tpu.memory_space<vmem>> -> memref<128xf32, #tpu.memory_space<vmem>>
        %dma_start3A_190 = arith.constant 0 : i32
        %dma_start3A_191 = tpu.memref_slice %arg30[%dma_start3A_187, %dma_start3A_190] : memref<3x128xi32, #tpu.memory_space<vmem>> -> memref<1x128xi32, #tpu.memory_space<vmem>>
        %dma_start3A_192 = tpu.memref_squeeze %dma_start3A_191 : memref<1x128xi32, #tpu.memory_space<vmem>> -> memref<128xi32, #tpu.memory_space<vmem>>
        %dma_start3A_193 = arith.constant 0 : i32
        %dma_start3A_194 = tpu.memref_slice %arg6[%dma_start3A_193] : memref<163840xf32, #tpu.memory_space<hbm>> -> memref<163840xf32, #tpu.memory_space<hbm>>
        tpu.enqueue_indirect_dma source(%dma_start3A_194 : memref<163840xf32, #tpu.memory_space<hbm>>) target(%dma_start3A_189 : memref<128xf32, #tpu.memory_space<vmem>>) offsets(%dma_start3A_192 : memref<128xi32, #tpu.memory_space<vmem>>) semaphore(%arg36 : memref<!tpu.dma_semaphore, #tpu.memory_space<semaphore_mem>>)
        %dma_wait3A_195 = arith.constant 0 : i32
        %dma_wait3A_196 = arith.constant 0 : i32
        %dma_wait3A_197 = tpu.memref_slice %arg33[%dma_wait3A_196] : memref<384xf32, #tpu.memory_space<vmem>> -> memref<128xf32, #tpu.memory_space<vmem>>
        %dma_wait3A_198 = arith.constant 0 : i32
        %dma_wait3A_199 = tpu.memref_slice %arg30[%dma_wait3A_195, %dma_wait3A_198] : memref<3x128xi32, #tpu.memory_space<vmem>> -> memref<1x128xi32, #tpu.memory_space<vmem>>
        %dma_wait3A_200 = tpu.memref_squeeze %dma_wait3A_199 : memref<1x128xi32, #tpu.memory_space<vmem>> -> memref<128xi32, #tpu.memory_space<vmem>>
        %dma_wait3A_201 = arith.constant 0 : i32
        %dma_wait3A_202 = tpu.memref_slice %arg6[%dma_wait3A_201] : memref<163840xf32, #tpu.memory_space<hbm>> -> memref<163840xf32, #tpu.memory_space<hbm>>
        tpu.wait_indirect_dma semaphore(%arg36 : memref<!tpu.dma_semaphore, #tpu.memory_space<semaphore_mem>>) src(%dma_wait3A_202 : memref<163840xf32, #tpu.memory_space<hbm>>) dst(%dma_wait3A_197 : memref<128xf32, #tpu.memory_space<vmem>>)
        "tpu.region"() ({
          %run_scoped3A = tpu.sem_alloc : memref<!tpu.dma_semaphore, #tpu.memory_space<semaphore_mem>>
          %dma_start3A_299 = arith.constant 0 : i32
          %dma_start3A_300 = tpu.memref_slice %arg33[%dma_start3A_299] : memref<384xf32, #tpu.memory_space<vmem>> -> memref<128xf32, #tpu.memory_space<vmem>>
          %dma_start3A_301 = tpu.memref_slice %arg15[%add3A_129] : memref<4096xf32, #tpu.memory_space<hbm>> -> memref<128xf32, #tpu.memory_space<hbm>>
          %dma_start3A_302 = tpu.memref_slice %arg15[%add3A_129] : memref<4096xf32, #tpu.memory_space<hbm>> -> memref<128xf32, #tpu.memory_space<hbm>>
          %dma_start3A_303 = arith.constant 0 : i32
          %dma_start3A_304 = tpu.memref_slice %arg33[%dma_start3A_303] : memref<384xf32, #tpu.memory_space<vmem>> -> memref<128xf32, #tpu.memory_space<vmem>>
          tpu.enqueue_dma source(%dma_start3A_304 : memref<128xf32, #tpu.memory_space<vmem>>) target(%dma_start3A_302 : memref<128xf32, #tpu.memory_space<hbm>>) target_semaphore(%run_scoped3A : memref<!tpu.dma_semaphore, #tpu.memory_space<semaphore_mem>>)
          %dma_wait3A_305 = arith.constant 0 : i32
          %dma_wait3A_306 = tpu.memref_slice %arg33[%dma_wait3A_305] : memref<384xf32, #tpu.memory_space<vmem>> -> memref<128xf32, #tpu.memory_space<vmem>>
          %dma_wait3A_307 = tpu.memref_slice %arg15[%add3A_129] : memref<4096xf32, #tpu.memory_space<hbm>> -> memref<128xf32, #tpu.memory_space<hbm>>
          %dma_wait3A_308 = tpu.memref_slice %arg15[%add3A_129] : memref<4096xf32, #tpu.memory_space<hbm>> -> memref<128xf32, #tpu.memory_space<hbm>>
          %dma_wait3A_309 = arith.constant 0 : i32
          %dma_wait3A_310 = tpu.memref_slice %arg33[%dma_wait3A_309] : memref<384xf32, #tpu.memory_space<vmem>> -> memref<128xf32, #tpu.memory_space<vmem>>
          tpu.wait_dma2 semaphore(%run_scoped3A : memref<!tpu.dma_semaphore, #tpu.memory_space<semaphore_mem>>) src(%dma_wait3A_310 : memref<128xf32, #tpu.memory_space<vmem>>) dst(%dma_wait3A_308 : memref<128xf32, #tpu.memory_space<hbm>>)
          tpu.yield
        }) : () -> ()
        %dma_start3A_203 = arith.constant 0 : i32
        %dma_start3A_204 = arith.constant 0 : i32
        %dma_start3A_205 = tpu.memref_slice %arg33[%dma_start3A_204] : memref<384xf32, #tpu.memory_space<vmem>> -> memref<128xf32, #tpu.memory_space<vmem>>
        %dma_start3A_206 = arith.constant 0 : i32
        %dma_start3A_207 = tpu.memref_slice %arg30[%dma_start3A_203, %dma_start3A_206] : memref<3x128xi32, #tpu.memory_space<vmem>> -> memref<1x128xi32, #tpu.memory_space<vmem>>
        %dma_start3A_208 = tpu.memref_squeeze %dma_start3A_207 : memref<1x128xi32, #tpu.memory_space<vmem>> -> memref<128xi32, #tpu.memory_space<vmem>>
        %dma_start3A_209 = arith.constant 0 : i32
        %dma_start3A_210 = tpu.memref_slice %arg7[%dma_start3A_209] : memref<163840xf32, #tpu.memory_space<hbm>> -> memref<163840xf32, #tpu.memory_space<hbm>>
        tpu.enqueue_indirect_dma source(%dma_start3A_210 : memref<163840xf32, #tpu.memory_space<hbm>>) target(%dma_start3A_205 : memref<128xf32, #tpu.memory_space<vmem>>) offsets(%dma_start3A_208 : memref<128xi32, #tpu.memory_space<vmem>>) semaphore(%arg36 : memref<!tpu.dma_semaphore, #tpu.memory_space<semaphore_mem>>)
        %dma_wait3A_211 = arith.constant 0 : i32
        %dma_wait3A_212 = arith.constant 0 : i32
        %dma_wait3A_213 = tpu.memref_slice %arg33[%dma_wait3A_212] : memref<384xf32, #tpu.memory_space<vmem>> -> memref<128xf32, #tpu.memory_space<vmem>>
        %dma_wait3A_214 = arith.constant 0 : i32
        %dma_wait3A_215 = tpu.memref_slice %arg30[%dma_wait3A_211, %dma_wait3A_214] : memref<3x128xi32, #tpu.memory_space<vmem>> -> memref<1x128xi32, #tpu.memory_space<vmem>>
        %dma_wait3A_216 = tpu.memref_squeeze %dma_wait3A_215 : memref<1x128xi32, #tpu.memory_space<vmem>> -> memref<128xi32, #tpu.memory_space<vmem>>
        %dma_wait3A_217 = arith.constant 0 : i32
        %dma_wait3A_218 = tpu.memref_slice %arg7[%dma_wait3A_217] : memref<163840xf32, #tpu.memory_space<hbm>> -> memref<163840xf32, #tpu.memory_space<hbm>>
        tpu.wait_indirect_dma semaphore(%arg36 : memref<!tpu.dma_semaphore, #tpu.memory_space<semaphore_mem>>) src(%dma_wait3A_218 : memref<163840xf32, #tpu.memory_space<hbm>>) dst(%dma_wait3A_213 : memref<128xf32, #tpu.memory_space<vmem>>)
        "tpu.region"() ({
          %run_scoped3A = tpu.sem_alloc : memref<!tpu.dma_semaphore, #tpu.memory_space<semaphore_mem>>
          %dma_start3A_299 = arith.constant 0 : i32
          %dma_start3A_300 = tpu.memref_slice %arg33[%dma_start3A_299] : memref<384xf32, #tpu.memory_space<vmem>> -> memref<128xf32, #tpu.memory_space<vmem>>
          %dma_start3A_301 = tpu.memref_slice %arg16[%add3A_129] : memref<4096xf32, #tpu.memory_space<hbm>> -> memref<128xf32, #tpu.memory_space<hbm>>
          %dma_start3A_302 = tpu.memref_slice %arg16[%add3A_129] : memref<4096xf32, #tpu.memory_space<hbm>> -> memref<128xf32, #tpu.memory_space<hbm>>
          %dma_start3A_303 = arith.constant 0 : i32
          %dma_start3A_304 = tpu.memref_slice %arg33[%dma_start3A_303] : memref<384xf32, #tpu.memory_space<vmem>> -> memref<128xf32, #tpu.memory_space<vmem>>
          tpu.enqueue_dma source(%dma_start3A_304 : memref<128xf32, #tpu.memory_space<vmem>>) target(%dma_start3A_302 : memref<128xf32, #tpu.memory_space<hbm>>) target_semaphore(%run_scoped3A : memref<!tpu.dma_semaphore, #tpu.memory_space<semaphore_mem>>)
          %dma_wait3A_305 = arith.constant 0 : i32
          %dma_wait3A_306 = tpu.memref_slice %arg33[%dma_wait3A_305] : memref<384xf32, #tpu.memory_space<vmem>> -> memref<128xf32, #tpu.memory_space<vmem>>
          %dma_wait3A_307 = tpu.memref_slice %arg16[%add3A_129] : memref<4096xf32, #tpu.memory_space<hbm>> -> memref<128xf32, #tpu.memory_space<hbm>>
          %dma_wait3A_308 = tpu.memref_slice %arg16[%add3A_129] : memref<4096xf32, #tpu.memory_space<hbm>> -> memref<128xf32, #tpu.memory_space<hbm>>
          %dma_wait3A_309 = arith.constant 0 : i32
          %dma_wait3A_310 = tpu.memref_slice %arg33[%dma_wait3A_309] : memref<384xf32, #tpu.memory_space<vmem>> -> memref<128xf32, #tpu.memory_space<vmem>>
          tpu.wait_dma2 semaphore(%run_scoped3A : memref<!tpu.dma_semaphore, #tpu.memory_space<semaphore_mem>>) src(%dma_wait3A_310 : memref<128xf32, #tpu.memory_space<vmem>>) dst(%dma_wait3A_308 : memref<128xf32, #tpu.memory_space<hbm>>)
          tpu.yield
        }) : () -> ()
        %dma_start3A_219 = arith.constant 0 : i32
        %dma_start3A_220 = arith.constant 0 : i32
        %dma_start3A_221 = tpu.memref_slice %arg33[%dma_start3A_220] : memref<384xf32, #tpu.memory_space<vmem>> -> memref<128xf32, #tpu.memory_space<vmem>>
        %dma_start3A_222 = arith.constant 0 : i32
        %dma_start3A_223 = tpu.memref_slice %arg32[%dma_start3A_219, %dma_start3A_222] : memref<3x128xi32, #tpu.memory_space<vmem>> -> memref<1x128xi32, #tpu.memory_space<vmem>>
        %dma_start3A_224 = tpu.memref_squeeze %dma_start3A_223 : memref<1x128xi32, #tpu.memory_space<vmem>> -> memref<128xi32, #tpu.memory_space<vmem>>
        %dma_start3A_225 = arith.constant 0 : i32
        %dma_start3A_226 = tpu.memref_slice %arg8[%dma_start3A_225] : memref<800xf32, #tpu.memory_space<hbm>> -> memref<800xf32, #tpu.memory_space<hbm>>
        tpu.enqueue_indirect_dma source(%dma_start3A_226 : memref<800xf32, #tpu.memory_space<hbm>>) target(%dma_start3A_221 : memref<128xf32, #tpu.memory_space<vmem>>) offsets(%dma_start3A_224 : memref<128xi32, #tpu.memory_space<vmem>>) semaphore(%arg36 : memref<!tpu.dma_semaphore, #tpu.memory_space<semaphore_mem>>)
        %dma_wait3A_227 = arith.constant 0 : i32
        %dma_wait3A_228 = arith.constant 0 : i32
        %dma_wait3A_229 = tpu.memref_slice %arg33[%dma_wait3A_228] : memref<384xf32, #tpu.memory_space<vmem>> -> memref<128xf32, #tpu.memory_space<vmem>>
        %dma_wait3A_230 = arith.constant 0 : i32
        %dma_wait3A_231 = tpu.memref_slice %arg32[%dma_wait3A_227, %dma_wait3A_230] : memref<3x128xi32, #tpu.memory_space<vmem>> -> memref<1x128xi32, #tpu.memory_space<vmem>>
        %dma_wait3A_232 = tpu.memref_squeeze %dma_wait3A_231 : memref<1x128xi32, #tpu.memory_space<vmem>> -> memref<128xi32, #tpu.memory_space<vmem>>
        %dma_wait3A_233 = arith.constant 0 : i32
        %dma_wait3A_234 = tpu.memref_slice %arg8[%dma_wait3A_233] : memref<800xf32, #tpu.memory_space<hbm>> -> memref<800xf32, #tpu.memory_space<hbm>>
        tpu.wait_indirect_dma semaphore(%arg36 : memref<!tpu.dma_semaphore, #tpu.memory_space<semaphore_mem>>) src(%dma_wait3A_234 : memref<800xf32, #tpu.memory_space<hbm>>) dst(%dma_wait3A_229 : memref<128xf32, #tpu.memory_space<vmem>>)
        "tpu.region"() ({
          %run_scoped3A = tpu.sem_alloc : memref<!tpu.dma_semaphore, #tpu.memory_space<semaphore_mem>>
          %dma_start3A_299 = arith.constant 0 : i32
          %dma_start3A_300 = tpu.memref_slice %arg33[%dma_start3A_299] : memref<384xf32, #tpu.memory_space<vmem>> -> memref<128xf32, #tpu.memory_space<vmem>>
          %dma_start3A_301 = tpu.memref_slice %arg17[%add3A_129] : memref<4096xf32, #tpu.memory_space<hbm>> -> memref<128xf32, #tpu.memory_space<hbm>>
          %dma_start3A_302 = tpu.memref_slice %arg17[%add3A_129] : memref<4096xf32, #tpu.memory_space<hbm>> -> memref<128xf32, #tpu.memory_space<hbm>>
          %dma_start3A_303 = arith.constant 0 : i32
          %dma_start3A_304 = tpu.memref_slice %arg33[%dma_start3A_303] : memref<384xf32, #tpu.memory_space<vmem>> -> memref<128xf32, #tpu.memory_space<vmem>>
          tpu.enqueue_dma source(%dma_start3A_304 : memref<128xf32, #tpu.memory_space<vmem>>) target(%dma_start3A_302 : memref<128xf32, #tpu.memory_space<hbm>>) target_semaphore(%run_scoped3A : memref<!tpu.dma_semaphore, #tpu.memory_space<semaphore_mem>>)
          %dma_wait3A_305 = arith.constant 0 : i32
          %dma_wait3A_306 = tpu.memref_slice %arg33[%dma_wait3A_305] : memref<384xf32, #tpu.memory_space<vmem>> -> memref<128xf32, #tpu.memory_space<vmem>>
          %dma_wait3A_307 = tpu.memref_slice %arg17[%add3A_129] : memref<4096xf32, #tpu.memory_space<hbm>> -> memref<128xf32, #tpu.memory_space<hbm>>
          %dma_wait3A_308 = tpu.memref_slice %arg17[%add3A_129] : memref<4096xf32, #tpu.memory_space<hbm>> -> memref<128xf32, #tpu.memory_space<hbm>>
          %dma_wait3A_309 = arith.constant 0 : i32
          %dma_wait3A_310 = tpu.memref_slice %arg33[%dma_wait3A_309] : memref<384xf32, #tpu.memory_space<vmem>> -> memref<128xf32, #tpu.memory_space<vmem>>
          tpu.wait_dma2 semaphore(%run_scoped3A : memref<!tpu.dma_semaphore, #tpu.memory_space<semaphore_mem>>) src(%dma_wait3A_310 : memref<128xf32, #tpu.memory_space<vmem>>) dst(%dma_wait3A_308 : memref<128xf32, #tpu.memory_space<hbm>>)
          tpu.yield
        }) : () -> ()
        %dma_start3A_235 = arith.constant 0 : i32
        %dma_start3A_236 = arith.constant 0 : i32
        %dma_start3A_237 = tpu.memref_slice %arg33[%dma_start3A_236] : memref<384xf32, #tpu.memory_space<vmem>> -> memref<128xf32, #tpu.memory_space<vmem>>
        %dma_start3A_238 = arith.constant 0 : i32
        %dma_start3A_239 = tpu.memref_slice %arg32[%dma_start3A_235, %dma_start3A_238] : memref<3x128xi32, #tpu.memory_space<vmem>> -> memref<1x128xi32, #tpu.memory_space<vmem>>
        %dma_start3A_240 = tpu.memref_squeeze %dma_start3A_239 : memref<1x128xi32, #tpu.memory_space<vmem>> -> memref<128xi32, #tpu.memory_space<vmem>>
        %dma_start3A_241 = arith.constant 0 : i32
        %dma_start3A_242 = tpu.memref_slice %arg9[%dma_start3A_241] : memref<800xf32, #tpu.memory_space<hbm>> -> memref<800xf32, #tpu.memory_space<hbm>>
        tpu.enqueue_indirect_dma source(%dma_start3A_242 : memref<800xf32, #tpu.memory_space<hbm>>) target(%dma_start3A_237 : memref<128xf32, #tpu.memory_space<vmem>>) offsets(%dma_start3A_240 : memref<128xi32, #tpu.memory_space<vmem>>) semaphore(%arg36 : memref<!tpu.dma_semaphore, #tpu.memory_space<semaphore_mem>>)
        %dma_wait3A_243 = arith.constant 0 : i32
        %dma_wait3A_244 = arith.constant 0 : i32
        %dma_wait3A_245 = tpu.memref_slice %arg33[%dma_wait3A_244] : memref<384xf32, #tpu.memory_space<vmem>> -> memref<128xf32, #tpu.memory_space<vmem>>
        %dma_wait3A_246 = arith.constant 0 : i32
        %dma_wait3A_247 = tpu.memref_slice %arg32[%dma_wait3A_243, %dma_wait3A_246] : memref<3x128xi32, #tpu.memory_space<vmem>> -> memref<1x128xi32, #tpu.memory_space<vmem>>
        %dma_wait3A_248 = tpu.memref_squeeze %dma_wait3A_247 : memref<1x128xi32, #tpu.memory_space<vmem>> -> memref<128xi32, #tpu.memory_space<vmem>>
        %dma_wait3A_249 = arith.constant 0 : i32
        %dma_wait3A_250 = tpu.memref_slice %arg9[%dma_wait3A_249] : memref<800xf32, #tpu.memory_space<hbm>> -> memref<800xf32, #tpu.memory_space<hbm>>
        tpu.wait_indirect_dma semaphore(%arg36 : memref<!tpu.dma_semaphore, #tpu.memory_space<semaphore_mem>>) src(%dma_wait3A_250 : memref<800xf32, #tpu.memory_space<hbm>>) dst(%dma_wait3A_245 : memref<128xf32, #tpu.memory_space<vmem>>)
        "tpu.region"() ({
          %run_scoped3A = tpu.sem_alloc : memref<!tpu.dma_semaphore, #tpu.memory_space<semaphore_mem>>
          %dma_start3A_299 = arith.constant 0 : i32
          %dma_start3A_300 = tpu.memref_slice %arg33[%dma_start3A_299] : memref<384xf32, #tpu.memory_space<vmem>> -> memref<128xf32, #tpu.memory_space<vmem>>
          %dma_start3A_301 = tpu.memref_slice %arg18[%add3A_129] : memref<4096xf32, #tpu.memory_space<hbm>> -> memref<128xf32, #tpu.memory_space<hbm>>
          %dma_start3A_302 = tpu.memref_slice %arg18[%add3A_129] : memref<4096xf32, #tpu.memory_space<hbm>> -> memref<128xf32, #tpu.memory_space<hbm>>
          %dma_start3A_303 = arith.constant 0 : i32
          %dma_start3A_304 = tpu.memref_slice %arg33[%dma_start3A_303] : memref<384xf32, #tpu.memory_space<vmem>> -> memref<128xf32, #tpu.memory_space<vmem>>
          tpu.enqueue_dma source(%dma_start3A_304 : memref<128xf32, #tpu.memory_space<vmem>>) target(%dma_start3A_302 : memref<128xf32, #tpu.memory_space<hbm>>) target_semaphore(%run_scoped3A : memref<!tpu.dma_semaphore, #tpu.memory_space<semaphore_mem>>)
          %dma_wait3A_305 = arith.constant 0 : i32
          %dma_wait3A_306 = tpu.memref_slice %arg33[%dma_wait3A_305] : memref<384xf32, #tpu.memory_space<vmem>> -> memref<128xf32, #tpu.memory_space<vmem>>
          %dma_wait3A_307 = tpu.memref_slice %arg18[%add3A_129] : memref<4096xf32, #tpu.memory_space<hbm>> -> memref<128xf32, #tpu.memory_space<hbm>>
          %dma_wait3A_308 = tpu.memref_slice %arg18[%add3A_129] : memref<4096xf32, #tpu.memory_space<hbm>> -> memref<128xf32, #tpu.memory_space<hbm>>
          %dma_wait3A_309 = arith.constant 0 : i32
          %dma_wait3A_310 = tpu.memref_slice %arg33[%dma_wait3A_309] : memref<384xf32, #tpu.memory_space<vmem>> -> memref<128xf32, #tpu.memory_space<vmem>>
          tpu.wait_dma2 semaphore(%run_scoped3A : memref<!tpu.dma_semaphore, #tpu.memory_space<semaphore_mem>>) src(%dma_wait3A_310 : memref<128xf32, #tpu.memory_space<vmem>>) dst(%dma_wait3A_308 : memref<128xf32, #tpu.memory_space<hbm>>)
          tpu.yield
        }) : () -> ()
        %dma_start3A_251 = arith.constant 0 : i32
        %dma_start3A_252 = arith.constant 0 : i32
        %dma_start3A_253 = tpu.memref_slice %arg33[%dma_start3A_252] : memref<384xf32, #tpu.memory_space<vmem>> -> memref<128xf32, #tpu.memory_space<vmem>>
        %dma_start3A_254 = arith.constant 0 : i32
        %dma_start3A_255 = tpu.memref_slice %arg32[%dma_start3A_251, %dma_start3A_254] : memref<3x128xi32, #tpu.memory_space<vmem>> -> memref<1x128xi32, #tpu.memory_space<vmem>>
        %dma_start3A_256 = tpu.memref_squeeze %dma_start3A_255 : memref<1x128xi32, #tpu.memory_space<vmem>> -> memref<128xi32, #tpu.memory_space<vmem>>
        %dma_start3A_257 = arith.constant 0 : i32
        %dma_start3A_258 = tpu.memref_slice %arg10[%dma_start3A_257] : memref<800xf32, #tpu.memory_space<hbm>> -> memref<800xf32, #tpu.memory_space<hbm>>
        tpu.enqueue_indirect_dma source(%dma_start3A_258 : memref<800xf32, #tpu.memory_space<hbm>>) target(%dma_start3A_253 : memref<128xf32, #tpu.memory_space<vmem>>) offsets(%dma_start3A_256 : memref<128xi32, #tpu.memory_space<vmem>>) semaphore(%arg36 : memref<!tpu.dma_semaphore, #tpu.memory_space<semaphore_mem>>)
        %dma_wait3A_259 = arith.constant 0 : i32
        %dma_wait3A_260 = arith.constant 0 : i32
        %dma_wait3A_261 = tpu.memref_slice %arg33[%dma_wait3A_260] : memref<384xf32, #tpu.memory_space<vmem>> -> memref<128xf32, #tpu.memory_space<vmem>>
        %dma_wait3A_262 = arith.constant 0 : i32
        %dma_wait3A_263 = tpu.memref_slice %arg32[%dma_wait3A_259, %dma_wait3A_262] : memref<3x128xi32, #tpu.memory_space<vmem>> -> memref<1x128xi32, #tpu.memory_space<vmem>>
        %dma_wait3A_264 = tpu.memref_squeeze %dma_wait3A_263 : memref<1x128xi32, #tpu.memory_space<vmem>> -> memref<128xi32, #tpu.memory_space<vmem>>
        %dma_wait3A_265 = arith.constant 0 : i32
        %dma_wait3A_266 = tpu.memref_slice %arg10[%dma_wait3A_265] : memref<800xf32, #tpu.memory_space<hbm>> -> memref<800xf32, #tpu.memory_space<hbm>>
        tpu.wait_indirect_dma semaphore(%arg36 : memref<!tpu.dma_semaphore, #tpu.memory_space<semaphore_mem>>) src(%dma_wait3A_266 : memref<800xf32, #tpu.memory_space<hbm>>) dst(%dma_wait3A_261 : memref<128xf32, #tpu.memory_space<vmem>>)
        "tpu.region"() ({
          %run_scoped3A = tpu.sem_alloc : memref<!tpu.dma_semaphore, #tpu.memory_space<semaphore_mem>>
          %dma_start3A_299 = arith.constant 0 : i32
          %dma_start3A_300 = tpu.memref_slice %arg33[%dma_start3A_299] : memref<384xf32, #tpu.memory_space<vmem>> -> memref<128xf32, #tpu.memory_space<vmem>>
          %dma_start3A_301 = tpu.memref_slice %arg19[%add3A_129] : memref<4096xf32, #tpu.memory_space<hbm>> -> memref<128xf32, #tpu.memory_space<hbm>>
          %dma_start3A_302 = tpu.memref_slice %arg19[%add3A_129] : memref<4096xf32, #tpu.memory_space<hbm>> -> memref<128xf32, #tpu.memory_space<hbm>>
          %dma_start3A_303 = arith.constant 0 : i32
          %dma_start3A_304 = tpu.memref_slice %arg33[%dma_start3A_303] : memref<384xf32, #tpu.memory_space<vmem>> -> memref<128xf32, #tpu.memory_space<vmem>>
          tpu.enqueue_dma source(%dma_start3A_304 : memref<128xf32, #tpu.memory_space<vmem>>) target(%dma_start3A_302 : memref<128xf32, #tpu.memory_space<hbm>>) target_semaphore(%run_scoped3A : memref<!tpu.dma_semaphore, #tpu.memory_space<semaphore_mem>>)
          %dma_wait3A_305 = arith.constant 0 : i32
          %dma_wait3A_306 = tpu.memref_slice %arg33[%dma_wait3A_305] : memref<384xf32, #tpu.memory_space<vmem>> -> memref<128xf32, #tpu.memory_space<vmem>>
          %dma_wait3A_307 = tpu.memref_slice %arg19[%add3A_129] : memref<4096xf32, #tpu.memory_space<hbm>> -> memref<128xf32, #tpu.memory_space<hbm>>
          %dma_wait3A_308 = tpu.memref_slice %arg19[%add3A_129] : memref<4096xf32, #tpu.memory_space<hbm>> -> memref<128xf32, #tpu.memory_space<hbm>>
          %dma_wait3A_309 = arith.constant 0 : i32
          %dma_wait3A_310 = tpu.memref_slice %arg33[%dma_wait3A_309] : memref<384xf32, #tpu.memory_space<vmem>> -> memref<128xf32, #tpu.memory_space<vmem>>
          tpu.wait_dma2 semaphore(%run_scoped3A : memref<!tpu.dma_semaphore, #tpu.memory_space<semaphore_mem>>) src(%dma_wait3A_310 : memref<128xf32, #tpu.memory_space<vmem>>) dst(%dma_wait3A_308 : memref<128xf32, #tpu.memory_space<hbm>>)
          tpu.yield
        }) : () -> ()
        %dma_start3A_267 = arith.constant 0 : i32
        %dma_start3A_268 = arith.constant 0 : i32
        %dma_start3A_269 = tpu.memref_slice %arg33[%dma_start3A_268] : memref<384xf32, #tpu.memory_space<vmem>> -> memref<128xf32, #tpu.memory_space<vmem>>
        %dma_start3A_270 = arith.constant 0 : i32
        %dma_start3A_271 = tpu.memref_slice %arg32[%dma_start3A_267, %dma_start3A_270] : memref<3x128xi32, #tpu.memory_space<vmem>> -> memref<1x128xi32, #tpu.memory_space<vmem>>
        %dma_start3A_272 = tpu.memref_squeeze %dma_start3A_271 : memref<1x128xi32, #tpu.memory_space<vmem>> -> memref<128xi32, #tpu.memory_space<vmem>>
        %dma_start3A_273 = arith.constant 0 : i32
        %dma_start3A_274 = tpu.memref_slice %arg11[%dma_start3A_273] : memref<800xf32, #tpu.memory_space<hbm>> -> memref<800xf32, #tpu.memory_space<hbm>>
        tpu.enqueue_indirect_dma source(%dma_start3A_274 : memref<800xf32, #tpu.memory_space<hbm>>) target(%dma_start3A_269 : memref<128xf32, #tpu.memory_space<vmem>>) offsets(%dma_start3A_272 : memref<128xi32, #tpu.memory_space<vmem>>) semaphore(%arg36 : memref<!tpu.dma_semaphore, #tpu.memory_space<semaphore_mem>>)
        %dma_wait3A_275 = arith.constant 0 : i32
        %dma_wait3A_276 = arith.constant 0 : i32
        %dma_wait3A_277 = tpu.memref_slice %arg33[%dma_wait3A_276] : memref<384xf32, #tpu.memory_space<vmem>> -> memref<128xf32, #tpu.memory_space<vmem>>
        %dma_wait3A_278 = arith.constant 0 : i32
        %dma_wait3A_279 = tpu.memref_slice %arg32[%dma_wait3A_275, %dma_wait3A_278] : memref<3x128xi32, #tpu.memory_space<vmem>> -> memref<1x128xi32, #tpu.memory_space<vmem>>
        %dma_wait3A_280 = tpu.memref_squeeze %dma_wait3A_279 : memref<1x128xi32, #tpu.memory_space<vmem>> -> memref<128xi32, #tpu.memory_space<vmem>>
        %dma_wait3A_281 = arith.constant 0 : i32
        %dma_wait3A_282 = tpu.memref_slice %arg11[%dma_wait3A_281] : memref<800xf32, #tpu.memory_space<hbm>> -> memref<800xf32, #tpu.memory_space<hbm>>
        tpu.wait_indirect_dma semaphore(%arg36 : memref<!tpu.dma_semaphore, #tpu.memory_space<semaphore_mem>>) src(%dma_wait3A_282 : memref<800xf32, #tpu.memory_space<hbm>>) dst(%dma_wait3A_277 : memref<128xf32, #tpu.memory_space<vmem>>)
        "tpu.region"() ({
          %run_scoped3A = tpu.sem_alloc : memref<!tpu.dma_semaphore, #tpu.memory_space<semaphore_mem>>
          %dma_start3A_299 = arith.constant 0 : i32
          %dma_start3A_300 = tpu.memref_slice %arg33[%dma_start3A_299] : memref<384xf32, #tpu.memory_space<vmem>> -> memref<128xf32, #tpu.memory_space<vmem>>
          %dma_start3A_301 = tpu.memref_slice %arg20[%add3A_129] : memref<4096xf32, #tpu.memory_space<hbm>> -> memref<128xf32, #tpu.memory_space<hbm>>
          %dma_start3A_302 = tpu.memref_slice %arg20[%add3A_129] : memref<4096xf32, #tpu.memory_space<hbm>> -> memref<128xf32, #tpu.memory_space<hbm>>
          %dma_start3A_303 = arith.constant 0 : i32
          %dma_start3A_304 = tpu.memref_slice %arg33[%dma_start3A_303] : memref<384xf32, #tpu.memory_space<vmem>> -> memref<128xf32, #tpu.memory_space<vmem>>
          tpu.enqueue_dma source(%dma_start3A_304 : memref<128xf32, #tpu.memory_space<vmem>>) target(%dma_start3A_302 : memref<128xf32, #tpu.memory_space<hbm>>) target_semaphore(%run_scoped3A : memref<!tpu.dma_semaphore, #tpu.memory_space<semaphore_mem>>)
          %dma_wait3A_305 = arith.constant 0 : i32
          %dma_wait3A_306 = tpu.memref_slice %arg33[%dma_wait3A_305] : memref<384xf32, #tpu.memory_space<vmem>> -> memref<128xf32, #tpu.memory_space<vmem>>
          %dma_wait3A_307 = tpu.memref_slice %arg20[%add3A_129] : memref<4096xf32, #tpu.memory_space<hbm>> -> memref<128xf32, #tpu.memory_space<hbm>>
          %dma_wait3A_308 = tpu.memref_slice %arg20[%add3A_129] : memref<4096xf32, #tpu.memory_space<hbm>> -> memref<128xf32, #tpu.memory_space<hbm>>
          %dma_wait3A_309 = arith.constant 0 : i32
          %dma_wait3A_310 = tpu.memref_slice %arg33[%dma_wait3A_309] : memref<384xf32, #tpu.memory_space<vmem>> -> memref<128xf32, #tpu.memory_space<vmem>>
          tpu.wait_dma2 semaphore(%run_scoped3A : memref<!tpu.dma_semaphore, #tpu.memory_space<semaphore_mem>>) src(%dma_wait3A_310 : memref<128xf32, #tpu.memory_space<vmem>>) dst(%dma_wait3A_308 : memref<128xf32, #tpu.memory_space<hbm>>)
          tpu.yield
        }) : () -> ()
        %dma_start3A_283 = arith.constant 0 : i32
        %dma_start3A_284 = arith.constant 0 : i32
        %dma_start3A_285 = tpu.memref_slice %arg34[%dma_start3A_284] : memref<384xi32, #tpu.memory_space<vmem>> -> memref<128xi32, #tpu.memory_space<vmem>>
        %dma_start3A_286 = arith.constant 0 : i32
        %dma_start3A_287 = tpu.memref_slice %arg32[%dma_start3A_283, %dma_start3A_286] : memref<3x128xi32, #tpu.memory_space<vmem>> -> memref<1x128xi32, #tpu.memory_space<vmem>>
        %dma_start3A_288 = tpu.memref_squeeze %dma_start3A_287 : memref<1x128xi32, #tpu.memory_space<vmem>> -> memref<128xi32, #tpu.memory_space<vmem>>
        %dma_start3A_289 = arith.constant 0 : i32
        %dma_start3A_290 = tpu.memref_slice %arg12[%dma_start3A_289] : memref<800xi32, #tpu.memory_space<hbm>> -> memref<800xi32, #tpu.memory_space<hbm>>
        tpu.enqueue_indirect_dma source(%dma_start3A_290 : memref<800xi32, #tpu.memory_space<hbm>>) target(%dma_start3A_285 : memref<128xi32, #tpu.memory_space<vmem>>) offsets(%dma_start3A_288 : memref<128xi32, #tpu.memory_space<vmem>>) semaphore(%arg36 : memref<!tpu.dma_semaphore, #tpu.memory_space<semaphore_mem>>)
        %dma_wait3A_291 = arith.constant 0 : i32
        %dma_wait3A_292 = arith.constant 0 : i32
        %dma_wait3A_293 = tpu.memref_slice %arg34[%dma_wait3A_292] : memref<384xi32, #tpu.memory_space<vmem>> -> memref<128xi32, #tpu.memory_space<vmem>>
        %dma_wait3A_294 = arith.constant 0 : i32
        %dma_wait3A_295 = tpu.memref_slice %arg32[%dma_wait3A_291, %dma_wait3A_294] : memref<3x128xi32, #tpu.memory_space<vmem>> -> memref<1x128xi32, #tpu.memory_space<vmem>>
        %dma_wait3A_296 = tpu.memref_squeeze %dma_wait3A_295 : memref<1x128xi32, #tpu.memory_space<vmem>> -> memref<128xi32, #tpu.memory_space<vmem>>
        %dma_wait3A_297 = arith.constant 0 : i32
        %dma_wait3A_298 = tpu.memref_slice %arg12[%dma_wait3A_297] : memref<800xi32, #tpu.memory_space<hbm>> -> memref<800xi32, #tpu.memory_space<hbm>>
        tpu.wait_indirect_dma semaphore(%arg36 : memref<!tpu.dma_semaphore, #tpu.memory_space<semaphore_mem>>) src(%dma_wait3A_298 : memref<800xi32, #tpu.memory_space<hbm>>) dst(%dma_wait3A_293 : memref<128xi32, #tpu.memory_space<vmem>>)
        "tpu.region"() ({
          %run_scoped3A = tpu.sem_alloc : memref<!tpu.dma_semaphore, #tpu.memory_space<semaphore_mem>>
          %dma_start3A_299 = arith.constant 0 : i32
          %dma_start3A_300 = tpu.memref_slice %arg34[%dma_start3A_299] : memref<384xi32, #tpu.memory_space<vmem>> -> memref<128xi32, #tpu.memory_space<vmem>>
          %dma_start3A_301 = tpu.memref_slice %arg21[%add3A_129] : memref<4096xi32, #tpu.memory_space<hbm>> -> memref<128xi32, #tpu.memory_space<hbm>>
          %dma_start3A_302 = tpu.memref_slice %arg21[%add3A_129] : memref<4096xi32, #tpu.memory_space<hbm>> -> memref<128xi32, #tpu.memory_space<hbm>>
          %dma_start3A_303 = arith.constant 0 : i32
          %dma_start3A_304 = tpu.memref_slice %arg34[%dma_start3A_303] : memref<384xi32, #tpu.memory_space<vmem>> -> memref<128xi32, #tpu.memory_space<vmem>>
          tpu.enqueue_dma source(%dma_start3A_304 : memref<128xi32, #tpu.memory_space<vmem>>) target(%dma_start3A_302 : memref<128xi32, #tpu.memory_space<hbm>>) target_semaphore(%run_scoped3A : memref<!tpu.dma_semaphore, #tpu.memory_space<semaphore_mem>>)
          %dma_wait3A_305 = arith.constant 0 : i32
          %dma_wait3A_306 = tpu.memref_slice %arg34[%dma_wait3A_305] : memref<384xi32, #tpu.memory_space<vmem>> -> memref<128xi32, #tpu.memory_space<vmem>>
          %dma_wait3A_307 = tpu.memref_slice %arg21[%add3A_129] : memref<4096xi32, #tpu.memory_space<hbm>> -> memref<128xi32, #tpu.memory_space<hbm>>
          %dma_wait3A_308 = tpu.memref_slice %arg21[%add3A_129] : memref<4096xi32, #tpu.memory_space<hbm>> -> memref<128xi32, #tpu.memory_space<hbm>>
          %dma_wait3A_309 = arith.constant 0 : i32
          %dma_wait3A_310 = tpu.memref_slice %arg34[%dma_wait3A_309] : memref<384xi32, #tpu.memory_space<vmem>> -> memref<128xi32, #tpu.memory_space<vmem>>
          tpu.wait_dma2 semaphore(%run_scoped3A : memref<!tpu.dma_semaphore, #tpu.memory_space<semaphore_mem>>) src(%dma_wait3A_310 : memref<128xi32, #tpu.memory_space<vmem>>) dst(%dma_wait3A_308 : memref<128xi32, #tpu.memory_space<hbm>>)
          tpu.yield
        }) : () -> ()
        "tpu.region"() ({
          %run_scoped3A = tpu.sem_alloc : memref<!tpu.dma_semaphore, #tpu.memory_space<semaphore_mem>>
          %dma_start3A_299 = arith.constant 0 : i32
          %dma_start3A_300 = tpu.memref_slice %arg35[%dma_start3A_299] : memref<384xi32, #tpu.memory_space<vmem>> -> memref<128xi32, #tpu.memory_space<vmem>>
          %dma_start3A_301 = tpu.memref_slice %arg22[%add3A_129] : memref<4096xi32, #tpu.memory_space<hbm>> -> memref<128xi32, #tpu.memory_space<hbm>>
          %dma_start3A_302 = tpu.memref_slice %arg22[%add3A_129] : memref<4096xi32, #tpu.memory_space<hbm>> -> memref<128xi32, #tpu.memory_space<hbm>>
          %dma_start3A_303 = arith.constant 0 : i32
          %dma_start3A_304 = tpu.memref_slice %arg35[%dma_start3A_303] : memref<384xi32, #tpu.memory_space<vmem>> -> memref<128xi32, #tpu.memory_space<vmem>>
          tpu.enqueue_dma source(%dma_start3A_304 : memref<128xi32, #tpu.memory_space<vmem>>) target(%dma_start3A_302 : memref<128xi32, #tpu.memory_space<hbm>>) target_semaphore(%run_scoped3A : memref<!tpu.dma_semaphore, #tpu.memory_space<semaphore_mem>>)
          %dma_wait3A_305 = arith.constant 0 : i32
          %dma_wait3A_306 = tpu.memref_slice %arg35[%dma_wait3A_305] : memref<384xi32, #tpu.memory_space<vmem>> -> memref<128xi32, #tpu.memory_space<vmem>>
          %dma_wait3A_307 = tpu.memref_slice %arg22[%add3A_129] : memref<4096xi32, #tpu.memory_space<hbm>> -> memref<128xi32, #tpu.memory_space<hbm>>
          %dma_wait3A_308 = tpu.memref_slice %arg22[%add3A_129] : memref<4096xi32, #tpu.memory_space<hbm>> -> memref<128xi32, #tpu.memory_space<hbm>>
          %dma_wait3A_309 = arith.constant 0 : i32
          %dma_wait3A_310 = tpu.memref_slice %arg35[%dma_wait3A_309] : memref<384xi32, #tpu.memory_space<vmem>> -> memref<128xi32, #tpu.memory_space<vmem>>
          tpu.wait_dma2 semaphore(%run_scoped3A : memref<!tpu.dma_semaphore, #tpu.memory_space<semaphore_mem>>) src(%dma_wait3A_310 : memref<128xi32, #tpu.memory_space<vmem>>) dst(%dma_wait3A_308 : memref<128xi32, #tpu.memory_space<hbm>>)
          tpu.yield
        }) : () -> ()
      } else {
      }
      %eq3A_114 = arith.constant 1 : i32
      %eq3A_115 = arith.cmpi eq, %select_n3A_32, %eq3A_114 : i32
      %convert_element_type3A_116 = arith.extui %eq3A_115 : i1 to i32
      %cond3A_117 = arith.constant 0 : i32
      %cond3A_118 = arith.cmpi ne, %convert_element_type3A_116, %cond3A_117 : i32
      scf.if %cond3A_118 {
        %scan3A_119 = arith.constant 0 : i32
        %scan3A_120 = arith.constant 0 : i32
        %scan3A_121 = arith.constant 24 : i32
        %scan3A_122 = arith.addi %scan3A_120, %scan3A_121 : i32
        %scan3A_123 = arith.constant 1 : i32
        %scan3A_124 = scf.for %scan3A_627 = %scan3A_120 to %scan3A_122 step %scan3A_123 iter_args(%scan3A_628 = %scan3A_119) -> (i32)  : i32 {
          %mul3A_629 = arith.constant 16 : i32
          %mul3A_630 = arith.muli %scan3A_627, %mul3A_629 : i32
          %get3A = arith.index_cast %mul3A_630 : i32 to index
          %get3A_631 = tpu.vector_load %arg25[%get3A] {strides = array<i32>} : memref<20480xi32, #tpu.memory_space<vmem>>, vector<16xi32>,
          %shift_right_arithmetic3A = arith.constant 3 : i32
          %shift_right_arithmetic3A_632 = arith.shrsi %scan3A_627, %shift_right_arithmetic3A : i32
          %and3A_633 = arith.constant 7 : i32
          %and3A_634 = arith.andi %scan3A_627, %and3A_633 : i32
          %mul3A_635 = arith.constant 16 : i32
          %mul3A_636 = arith.muli %and3A_634, %mul3A_635 : i32
          %mul3A_637 = arith.constant 20480 : i32
          %mul3A_638 = arith.muli %select_n3A, %mul3A_637 : i32
          %add3A_639 = vector.broadcast %mul3A_638 : i32 to vector<16xi32>
          %add3A_640 = arith.addi %get3A_631, %add3A_639 : vector<16xi32>
          %swap3A = arith.index_cast %shift_right_arithmetic3A_632 : i32 to index
          %swap3A_641 = arith.index_cast %mul3A_636 : i32 to index
          %swap3A_642 = tpu.vector_load %arg30[%swap3A, %swap3A_641] {strides = array<i32>} : memref<3x128xi32, #tpu.memory_space<vmem>>, vector<16xi32>,
          tpu.vector_store %arg30[%swap3A, %swap3A_641], %add3A_640 {strides = array<i32>} : memref<3x128xi32, #tpu.memory_space<vmem>>, vector<16xi32>,
          %broadcast_in_dim3A_643 = arith.constant 0 : i32
          %broadcast_in_dim3A_644 = vector.broadcast %broadcast_in_dim3A_643 : i32 to vector<16xi32>
          %mul3A_645 = arith.constant 16 : i32
          %mul3A_646 = arith.muli %scan3A_627, %mul3A_645 : i32
          %swap3A_647 = arith.index_cast %mul3A_646 : i32 to index
          %swap3A_648 = tpu.vector_load %arg35[%swap3A_647] {strides = array<i32>} : memref<384xi32, #tpu.memory_space<vmem>>, vector<16xi32>,
          tpu.vector_store %arg35[%swap3A_647], %broadcast_in_dim3A_644 {strides = array<i32>} : memref<384xi32, #tpu.memory_space<vmem>>, vector<16xi32>,
          %scan3A_649 = arith.constant 0 : i32
          scf.yield %scan3A_649 : i32
        }
        %scan3A_125 = arith.constant 24 : i32
        %mul3A_126 = arith.constant 512 : i32
        %mul3A_127 = arith.muli %select_n3A, %mul3A_126 : i32
        %add3A_128 = arith.constant 128 : i32
        %add3A_129 = arith.addi %mul3A_127, %add3A_128 : i32
        %dma_start3A = arith.constant 0 : i32
        %dma_start3A_130 = arith.constant 0 : i32
        %dma_start3A_131 = arith.constant 0 : i32
        %dma_start3A_132 = tpu.memref_slice %arg31[%dma_start3A_130, %dma_start3A_131] : memref<3x128xi32, #tpu.memory_space<vmem>> -> memref<1x128xi32, #tpu.memory_space<vmem>>
        %dma_start3A_133 = tpu.memref_squeeze %dma_start3A_132 : memref<1x128xi32, #tpu.memory_space<vmem>> -> memref<128xi32, #tpu.memory_space<vmem>>
        %dma_start3A_134 = arith.constant 0 : i32
        %dma_start3A_135 = tpu.memref_slice %arg30[%dma_start3A, %dma_start3A_134] : memref<3x128xi32, #tpu.memory_space<vmem>> -> memref<1x128xi32, #tpu.memory_space<vmem>>
        %dma_start3A_136 = tpu.memref_squeeze %dma_start3A_135 : memref<1x128xi32, #tpu.memory_space<vmem>> -> memref<128xi32, #tpu.memory_space<vmem>>
        %dma_start3A_137 = arith.constant 0 : i32
        %dma_start3A_138 = tpu.memref_slice %arg3[%dma_start3A_137] : memref<163840xi32, #tpu.memory_space<hbm>> -> memref<163840xi32, #tpu.memory_space<hbm>>
        tpu.enqueue_indirect_dma source(%dma_start3A_138 : memref<163840xi32, #tpu.memory_space<hbm>>) target(%dma_start3A_133 : memref<128xi32, #tpu.memory_space<vmem>>) offsets(%dma_start3A_136 : memref<128xi32, #tpu.memory_space<vmem>>) semaphore(%arg36 : memref<!tpu.dma_semaphore, #tpu.memory_space<semaphore_mem>>)
        %dma_wait3A = arith.constant 0 : i32
        %dma_wait3A_139 = arith.constant 0 : i32
        %dma_wait3A_140 = arith.constant 0 : i32
        %dma_wait3A_141 = tpu.memref_slice %arg31[%dma_wait3A_139, %dma_wait3A_140] : memref<3x128xi32, #tpu.memory_space<vmem>> -> memref<1x128xi32, #tpu.memory_space<vmem>>
        %dma_wait3A_142 = tpu.memref_squeeze %dma_wait3A_141 : memref<1x128xi32, #tpu.memory_space<vmem>> -> memref<128xi32, #tpu.memory_space<vmem>>
        %dma_wait3A_143 = arith.constant 0 : i32
        %dma_wait3A_144 = tpu.memref_slice %arg30[%dma_wait3A, %dma_wait3A_143] : memref<3x128xi32, #tpu.memory_space<vmem>> -> memref<1x128xi32, #tpu.memory_space<vmem>>
        %dma_wait3A_145 = tpu.memref_squeeze %dma_wait3A_144 : memref<1x128xi32, #tpu.memory_space<vmem>> -> memref<128xi32, #tpu.memory_space<vmem>>
        %dma_wait3A_146 = arith.constant 0 : i32
        %dma_wait3A_147 = tpu.memref_slice %arg3[%dma_wait3A_146] : memref<163840xi32, #tpu.memory_space<hbm>> -> memref<163840xi32, #tpu.memory_space<hbm>>
        tpu.wait_indirect_dma semaphore(%arg36 : memref<!tpu.dma_semaphore, #tpu.memory_space<semaphore_mem>>) src(%dma_wait3A_147 : memref<163840xi32, #tpu.memory_space<hbm>>) dst(%dma_wait3A_142 : memref<128xi32, #tpu.memory_space<vmem>>)
        %dma_start3A_148 = arith.constant 1 : i32
        %dma_start3A_149 = arith.constant 1 : i32
        %dma_start3A_150 = arith.constant 0 : i32
        %dma_start3A_151 = tpu.memref_slice %arg31[%dma_start3A_149, %dma_start3A_150] : memref<3x128xi32, #tpu.memory_space<vmem>> -> memref<1x128xi32, #tpu.memory_space<vmem>>
        %dma_start3A_152 = tpu.memref_squeeze %dma_start3A_151 : memref<1x128xi32, #tpu.memory_space<vmem>> -> memref<128xi32, #tpu.memory_space<vmem>>
        %dma_start3A_153 = arith.constant 0 : i32
        %dma_start3A_154 = tpu.memref_slice %arg30[%dma_start3A_148, %dma_start3A_153] : memref<3x128xi32, #tpu.memory_space<vmem>> -> memref<1x128xi32, #tpu.memory_space<vmem>>
        %dma_start3A_155 = tpu.memref_squeeze %dma_start3A_154 : memref<1x128xi32, #tpu.memory_space<vmem>> -> memref<128xi32, #tpu.memory_space<vmem>>
        %dma_start3A_156 = arith.constant 0 : i32
        %dma_start3A_157 = tpu.memref_slice %arg3[%dma_start3A_156] : memref<163840xi32, #tpu.memory_space<hbm>> -> memref<163840xi32, #tpu.memory_space<hbm>>
        tpu.enqueue_indirect_dma source(%dma_start3A_157 : memref<163840xi32, #tpu.memory_space<hbm>>) target(%dma_start3A_152 : memref<128xi32, #tpu.memory_space<vmem>>) offsets(%dma_start3A_155 : memref<128xi32, #tpu.memory_space<vmem>>) semaphore(%arg36 : memref<!tpu.dma_semaphore, #tpu.memory_space<semaphore_mem>>)
        %dma_wait3A_158 = arith.constant 1 : i32
        %dma_wait3A_159 = arith.constant 1 : i32
        %dma_wait3A_160 = arith.constant 0 : i32
        %dma_wait3A_161 = tpu.memref_slice %arg31[%dma_wait3A_159, %dma_wait3A_160] : memref<3x128xi32, #tpu.memory_space<vmem>> -> memref<1x128xi32, #tpu.memory_space<vmem>>
        %dma_wait3A_162 = tpu.memref_squeeze %dma_wait3A_161 : memref<1x128xi32, #tpu.memory_space<vmem>> -> memref<128xi32, #tpu.memory_space<vmem>>
        %dma_wait3A_163 = arith.constant 0 : i32
        %dma_wait3A_164 = tpu.memref_slice %arg30[%dma_wait3A_158, %dma_wait3A_163] : memref<3x128xi32, #tpu.memory_space<vmem>> -> memref<1x128xi32, #tpu.memory_space<vmem>>
        %dma_wait3A_165 = tpu.memref_squeeze %dma_wait3A_164 : memref<1x128xi32, #tpu.memory_space<vmem>> -> memref<128xi32, #tpu.memory_space<vmem>>
        %dma_wait3A_166 = arith.constant 0 : i32
        %dma_wait3A_167 = tpu.memref_slice %arg3[%dma_wait3A_166] : memref<163840xi32, #tpu.memory_space<hbm>> -> memref<163840xi32, #tpu.memory_space<hbm>>
        tpu.wait_indirect_dma semaphore(%arg36 : memref<!tpu.dma_semaphore, #tpu.memory_space<semaphore_mem>>) src(%dma_wait3A_167 : memref<163840xi32, #tpu.memory_space<hbm>>) dst(%dma_wait3A_162 : memref<128xi32, #tpu.memory_space<vmem>>)
        %dma_start3A_168 = arith.constant 2 : i32
        %dma_start3A_169 = arith.constant 2 : i32
        %dma_start3A_170 = arith.constant 0 : i32
        %dma_start3A_171 = tpu.memref_slice %arg31[%dma_start3A_169, %dma_start3A_170] : memref<3x128xi32, #tpu.memory_space<vmem>> -> memref<1x128xi32, #tpu.memory_space<vmem>>
        %dma_start3A_172 = tpu.memref_squeeze %dma_start3A_171 : memref<1x128xi32, #tpu.memory_space<vmem>> -> memref<128xi32, #tpu.memory_space<vmem>>
        %dma_start3A_173 = arith.constant 0 : i32
        %dma_start3A_174 = tpu.memref_slice %arg30[%dma_start3A_168, %dma_start3A_173] : memref<3x128xi32, #tpu.memory_space<vmem>> -> memref<1x128xi32, #tpu.memory_space<vmem>>
        %dma_start3A_175 = tpu.memref_squeeze %dma_start3A_174 : memref<1x128xi32, #tpu.memory_space<vmem>> -> memref<128xi32, #tpu.memory_space<vmem>>
        %dma_start3A_176 = arith.constant 0 : i32
        %dma_start3A_177 = tpu.memref_slice %arg3[%dma_start3A_176] : memref<163840xi32, #tpu.memory_space<hbm>> -> memref<163840xi32, #tpu.memory_space<hbm>>
        tpu.enqueue_indirect_dma source(%dma_start3A_177 : memref<163840xi32, #tpu.memory_space<hbm>>) target(%dma_start3A_172 : memref<128xi32, #tpu.memory_space<vmem>>) offsets(%dma_start3A_175 : memref<128xi32, #tpu.memory_space<vmem>>) semaphore(%arg36 : memref<!tpu.dma_semaphore, #tpu.memory_space<semaphore_mem>>)
        %dma_wait3A_178 = arith.constant 2 : i32
        %dma_wait3A_179 = arith.constant 2 : i32
        %dma_wait3A_180 = arith.constant 0 : i32
        %dma_wait3A_181 = tpu.memref_slice %arg31[%dma_wait3A_179, %dma_wait3A_180] : memref<3x128xi32, #tpu.memory_space<vmem>> -> memref<1x128xi32, #tpu.memory_space<vmem>>
        %dma_wait3A_182 = tpu.memref_squeeze %dma_wait3A_181 : memref<1x128xi32, #tpu.memory_space<vmem>> -> memref<128xi32, #tpu.memory_space<vmem>>
        %dma_wait3A_183 = arith.constant 0 : i32
        %dma_wait3A_184 = tpu.memref_slice %arg30[%dma_wait3A_178, %dma_wait3A_183] : memref<3x128xi32, #tpu.memory_space<vmem>> -> memref<1x128xi32, #tpu.memory_space<vmem>>
        %dma_wait3A_185 = tpu.memref_squeeze %dma_wait3A_184 : memref<1x128xi32, #tpu.memory_space<vmem>> -> memref<128xi32, #tpu.memory_space<vmem>>
        %dma_wait3A_186 = arith.constant 0 : i32
        %dma_wait3A_187 = tpu.memref_slice %arg3[%dma_wait3A_186] : memref<163840xi32, #tpu.memory_space<hbm>> -> memref<163840xi32, #tpu.memory_space<hbm>>
        tpu.wait_indirect_dma semaphore(%arg36 : memref<!tpu.dma_semaphore, #tpu.memory_space<semaphore_mem>>) src(%dma_wait3A_187 : memref<163840xi32, #tpu.memory_space<hbm>>) dst(%dma_wait3A_182 : memref<128xi32, #tpu.memory_space<vmem>>)
        %scan3A_188 = arith.constant 0 : i32
        %scan3A_189 = arith.constant 0 : i32
        %scan3A_190 = arith.constant 24 : i32
        %scan3A_191 = arith.addi %scan3A_189, %scan3A_190 : i32
        %scan3A_192 = arith.constant 1 : i32
        %scan3A_193 = scf.for %scan3A_627 = %scan3A_189 to %scan3A_191 step %scan3A_192 iter_args(%scan3A_628 = %scan3A_188) -> (i32)  : i32 {
          %shift_right_arithmetic3A = arith.constant 3 : i32
          %shift_right_arithmetic3A_629 = arith.shrsi %scan3A_627, %shift_right_arithmetic3A : i32
          %and3A_630 = arith.constant 7 : i32
          %and3A_631 = arith.andi %scan3A_627, %and3A_630 : i32
          %mul3A_632 = arith.constant 16 : i32
          %mul3A_633 = arith.muli %and3A_631, %mul3A_632 : i32
          %get3A = arith.index_cast %shift_right_arithmetic3A_629 : i32 to index
          %get3A_634 = arith.index_cast %mul3A_633 : i32 to index
          %get3A_635 = tpu.vector_load %arg31[%get3A, %get3A_634] {strides = array<i32>} : memref<3x128xi32, #tpu.memory_space<vmem>>, vector<16xi32>,
          %mul3A_636 = arith.constant 100 : i32
          %mul3A_637 = arith.muli %select_n3A, %mul3A_636 : i32
          %add3A_638 = vector.broadcast %mul3A_637 : i32 to vector<16xi32>
          %add3A_639 = arith.addi %get3A_635, %add3A_638 : vector<16xi32>
          %swap3A = arith.index_cast %shift_right_arithmetic3A_629 : i32 to index
          %swap3A_640 = arith.index_cast %mul3A_633 : i32 to index
          %swap3A_641 = tpu.vector_load %arg32[%swap3A, %swap3A_640] {strides = array<i32>} : memref<3x128xi32, #tpu.memory_space<vmem>>, vector<16xi32>,
          tpu.vector_store %arg32[%swap3A, %swap3A_640], %add3A_639 {strides = array<i32>} : memref<3x128xi32, #tpu.memory_space<vmem>>, vector<16xi32>,
          %scan3A_642 = arith.constant 0 : i32
          scf.yield %scan3A_642 : i32
        }
        %scan3A_194 = arith.constant 24 : i32
        %dma_start3A_195 = arith.constant 0 : i32
        %dma_start3A_196 = arith.constant 0 : i32
        %dma_start3A_197 = tpu.memref_slice %arg33[%dma_start3A_196] : memref<384xf32, #tpu.memory_space<vmem>> -> memref<128xf32, #tpu.memory_space<vmem>>
        %dma_start3A_198 = arith.constant 0 : i32
        %dma_start3A_199 = tpu.memref_slice %arg30[%dma_start3A_195, %dma_start3A_198] : memref<3x128xi32, #tpu.memory_space<vmem>> -> memref<1x128xi32, #tpu.memory_space<vmem>>
        %dma_start3A_200 = tpu.memref_squeeze %dma_start3A_199 : memref<1x128xi32, #tpu.memory_space<vmem>> -> memref<128xi32, #tpu.memory_space<vmem>>
        %dma_start3A_201 = arith.constant 0 : i32
        %dma_start3A_202 = tpu.memref_slice %arg4[%dma_start3A_201] : memref<163840xf32, #tpu.memory_space<hbm>> -> memref<163840xf32, #tpu.memory_space<hbm>>
        tpu.enqueue_indirect_dma source(%dma_start3A_202 : memref<163840xf32, #tpu.memory_space<hbm>>) target(%dma_start3A_197 : memref<128xf32, #tpu.memory_space<vmem>>) offsets(%dma_start3A_200 : memref<128xi32, #tpu.memory_space<vmem>>) semaphore(%arg36 : memref<!tpu.dma_semaphore, #tpu.memory_space<semaphore_mem>>)
        %dma_wait3A_203 = arith.constant 0 : i32
        %dma_wait3A_204 = arith.constant 0 : i32
        %dma_wait3A_205 = tpu.memref_slice %arg33[%dma_wait3A_204] : memref<384xf32, #tpu.memory_space<vmem>> -> memref<128xf32, #tpu.memory_space<vmem>>
        %dma_wait3A_206 = arith.constant 0 : i32
        %dma_wait3A_207 = tpu.memref_slice %arg30[%dma_wait3A_203, %dma_wait3A_206] : memref<3x128xi32, #tpu.memory_space<vmem>> -> memref<1x128xi32, #tpu.memory_space<vmem>>
        %dma_wait3A_208 = tpu.memref_squeeze %dma_wait3A_207 : memref<1x128xi32, #tpu.memory_space<vmem>> -> memref<128xi32, #tpu.memory_space<vmem>>
        %dma_wait3A_209 = arith.constant 0 : i32
        %dma_wait3A_210 = tpu.memref_slice %arg4[%dma_wait3A_209] : memref<163840xf32, #tpu.memory_space<hbm>> -> memref<163840xf32, #tpu.memory_space<hbm>>
        tpu.wait_indirect_dma semaphore(%arg36 : memref<!tpu.dma_semaphore, #tpu.memory_space<semaphore_mem>>) src(%dma_wait3A_210 : memref<163840xf32, #tpu.memory_space<hbm>>) dst(%dma_wait3A_205 : memref<128xf32, #tpu.memory_space<vmem>>)
        %dma_start3A_211 = arith.constant 1 : i32
        %dma_start3A_212 = arith.constant 128 : i32
        %dma_start3A_213 = tpu.memref_slice %arg33[%dma_start3A_212] : memref<384xf32, #tpu.memory_space<vmem>> -> memref<128xf32, #tpu.memory_space<vmem>>
        %dma_start3A_214 = arith.constant 0 : i32
        %dma_start3A_215 = tpu.memref_slice %arg30[%dma_start3A_211, %dma_start3A_214] : memref<3x128xi32, #tpu.memory_space<vmem>> -> memref<1x128xi32, #tpu.memory_space<vmem>>
        %dma_start3A_216 = tpu.memref_squeeze %dma_start3A_215 : memref<1x128xi32, #tpu.memory_space<vmem>> -> memref<128xi32, #tpu.memory_space<vmem>>
        %dma_start3A_217 = arith.constant 0 : i32
        %dma_start3A_218 = tpu.memref_slice %arg4[%dma_start3A_217] : memref<163840xf32, #tpu.memory_space<hbm>> -> memref<163840xf32, #tpu.memory_space<hbm>>
        tpu.enqueue_indirect_dma source(%dma_start3A_218 : memref<163840xf32, #tpu.memory_space<hbm>>) target(%dma_start3A_213 : memref<128xf32, #tpu.memory_space<vmem>>) offsets(%dma_start3A_216 : memref<128xi32, #tpu.memory_space<vmem>>) semaphore(%arg36 : memref<!tpu.dma_semaphore, #tpu.memory_space<semaphore_mem>>)
        %dma_wait3A_219 = arith.constant 1 : i32
        %dma_wait3A_220 = arith.constant 128 : i32
        %dma_wait3A_221 = tpu.memref_slice %arg33[%dma_wait3A_220] : memref<384xf32, #tpu.memory_space<vmem>> -> memref<128xf32, #tpu.memory_space<vmem>>
        %dma_wait3A_222 = arith.constant 0 : i32
        %dma_wait3A_223 = tpu.memref_slice %arg30[%dma_wait3A_219, %dma_wait3A_222] : memref<3x128xi32, #tpu.memory_space<vmem>> -> memref<1x128xi32, #tpu.memory_space<vmem>>
        %dma_wait3A_224 = tpu.memref_squeeze %dma_wait3A_223 : memref<1x128xi32, #tpu.memory_space<vmem>> -> memref<128xi32, #tpu.memory_space<vmem>>
        %dma_wait3A_225 = arith.constant 0 : i32
        %dma_wait3A_226 = tpu.memref_slice %arg4[%dma_wait3A_225] : memref<163840xf32, #tpu.memory_space<hbm>> -> memref<163840xf32, #tpu.memory_space<hbm>>
        tpu.wait_indirect_dma semaphore(%arg36 : memref<!tpu.dma_semaphore, #tpu.memory_space<semaphore_mem>>) src(%dma_wait3A_226 : memref<163840xf32, #tpu.memory_space<hbm>>) dst(%dma_wait3A_221 : memref<128xf32, #tpu.memory_space<vmem>>)
        %dma_start3A_227 = arith.constant 2 : i32
        %dma_start3A_228 = arith.constant 256 : i32
        %dma_start3A_229 = tpu.memref_slice %arg33[%dma_start3A_228] : memref<384xf32, #tpu.memory_space<vmem>> -> memref<128xf32, #tpu.memory_space<vmem>>
        %dma_start3A_230 = arith.constant 0 : i32
        %dma_start3A_231 = tpu.memref_slice %arg30[%dma_start3A_227, %dma_start3A_230] : memref<3x128xi32, #tpu.memory_space<vmem>> -> memref<1x128xi32, #tpu.memory_space<vmem>>
        %dma_start3A_232 = tpu.memref_squeeze %dma_start3A_231 : memref<1x128xi32, #tpu.memory_space<vmem>> -> memref<128xi32, #tpu.memory_space<vmem>>
        %dma_start3A_233 = arith.constant 0 : i32
        %dma_start3A_234 = tpu.memref_slice %arg4[%dma_start3A_233] : memref<163840xf32, #tpu.memory_space<hbm>> -> memref<163840xf32, #tpu.memory_space<hbm>>
        tpu.enqueue_indirect_dma source(%dma_start3A_234 : memref<163840xf32, #tpu.memory_space<hbm>>) target(%dma_start3A_229 : memref<128xf32, #tpu.memory_space<vmem>>) offsets(%dma_start3A_232 : memref<128xi32, #tpu.memory_space<vmem>>) semaphore(%arg36 : memref<!tpu.dma_semaphore, #tpu.memory_space<semaphore_mem>>)
        %dma_wait3A_235 = arith.constant 2 : i32
        %dma_wait3A_236 = arith.constant 256 : i32
        %dma_wait3A_237 = tpu.memref_slice %arg33[%dma_wait3A_236] : memref<384xf32, #tpu.memory_space<vmem>> -> memref<128xf32, #tpu.memory_space<vmem>>
        %dma_wait3A_238 = arith.constant 0 : i32
        %dma_wait3A_239 = tpu.memref_slice %arg30[%dma_wait3A_235, %dma_wait3A_238] : memref<3x128xi32, #tpu.memory_space<vmem>> -> memref<1x128xi32, #tpu.memory_space<vmem>>
        %dma_wait3A_240 = tpu.memref_squeeze %dma_wait3A_239 : memref<1x128xi32, #tpu.memory_space<vmem>> -> memref<128xi32, #tpu.memory_space<vmem>>
        %dma_wait3A_241 = arith.constant 0 : i32
        %dma_wait3A_242 = tpu.memref_slice %arg4[%dma_wait3A_241] : memref<163840xf32, #tpu.memory_space<hbm>> -> memref<163840xf32, #tpu.memory_space<hbm>>
        tpu.wait_indirect_dma semaphore(%arg36 : memref<!tpu.dma_semaphore, #tpu.memory_space<semaphore_mem>>) src(%dma_wait3A_242 : memref<163840xf32, #tpu.memory_space<hbm>>) dst(%dma_wait3A_237 : memref<128xf32, #tpu.memory_space<vmem>>)
        "tpu.region"() ({
          %run_scoped3A = tpu.sem_alloc : memref<!tpu.dma_semaphore, #tpu.memory_space<semaphore_mem>>
          %dma_start3A_627 = arith.constant 0 : i32
          %dma_start3A_628 = tpu.memref_slice %arg33[%dma_start3A_627] : memref<384xf32, #tpu.memory_space<vmem>> -> memref<384xf32, #tpu.memory_space<vmem>>
          %dma_start3A_629 = tpu.memref_slice %arg13[%add3A_129] : memref<4096xf32, #tpu.memory_space<hbm>> -> memref<384xf32, #tpu.memory_space<hbm>>
          %dma_start3A_630 = tpu.memref_slice %arg13[%add3A_129] : memref<4096xf32, #tpu.memory_space<hbm>> -> memref<384xf32, #tpu.memory_space<hbm>>
          %dma_start3A_631 = arith.constant 0 : i32
          %dma_start3A_632 = tpu.memref_slice %arg33[%dma_start3A_631] : memref<384xf32, #tpu.memory_space<vmem>> -> memref<384xf32, #tpu.memory_space<vmem>>
          tpu.enqueue_dma source(%dma_start3A_632 : memref<384xf32, #tpu.memory_space<vmem>>) target(%dma_start3A_630 : memref<384xf32, #tpu.memory_space<hbm>>) target_semaphore(%run_scoped3A : memref<!tpu.dma_semaphore, #tpu.memory_space<semaphore_mem>>)
          %dma_wait3A_633 = arith.constant 0 : i32
          %dma_wait3A_634 = tpu.memref_slice %arg33[%dma_wait3A_633] : memref<384xf32, #tpu.memory_space<vmem>> -> memref<384xf32, #tpu.memory_space<vmem>>
          %dma_wait3A_635 = tpu.memref_slice %arg13[%add3A_129] : memref<4096xf32, #tpu.memory_space<hbm>> -> memref<384xf32, #tpu.memory_space<hbm>>
          %dma_wait3A_636 = tpu.memref_slice %arg13[%add3A_129] : memref<4096xf32, #tpu.memory_space<hbm>> -> memref<384xf32, #tpu.memory_space<hbm>>
          %dma_wait3A_637 = arith.constant 0 : i32
          %dma_wait3A_638 = tpu.memref_slice %arg33[%dma_wait3A_637] : memref<384xf32, #tpu.memory_space<vmem>> -> memref<384xf32, #tpu.memory_space<vmem>>
          tpu.wait_dma2 semaphore(%run_scoped3A : memref<!tpu.dma_semaphore, #tpu.memory_space<semaphore_mem>>) src(%dma_wait3A_638 : memref<384xf32, #tpu.memory_space<vmem>>) dst(%dma_wait3A_636 : memref<384xf32, #tpu.memory_space<hbm>>)
          tpu.yield
        }) : () -> ()
        %dma_start3A_243 = arith.constant 0 : i32
        %dma_start3A_244 = arith.constant 0 : i32
        %dma_start3A_245 = tpu.memref_slice %arg33[%dma_start3A_244] : memref<384xf32, #tpu.memory_space<vmem>> -> memref<128xf32, #tpu.memory_space<vmem>>
        %dma_start3A_246 = arith.constant 0 : i32
        %dma_start3A_247 = tpu.memref_slice %arg30[%dma_start3A_243, %dma_start3A_246] : memref<3x128xi32, #tpu.memory_space<vmem>> -> memref<1x128xi32, #tpu.memory_space<vmem>>
        %dma_start3A_248 = tpu.memref_squeeze %dma_start3A_247 : memref<1x128xi32, #tpu.memory_space<vmem>> -> memref<128xi32, #tpu.memory_space<vmem>>
        %dma_start3A_249 = arith.constant 0 : i32
        %dma_start3A_250 = tpu.memref_slice %arg5[%dma_start3A_249] : memref<163840xf32, #tpu.memory_space<hbm>> -> memref<163840xf32, #tpu.memory_space<hbm>>
        tpu.enqueue_indirect_dma source(%dma_start3A_250 : memref<163840xf32, #tpu.memory_space<hbm>>) target(%dma_start3A_245 : memref<128xf32, #tpu.memory_space<vmem>>) offsets(%dma_start3A_248 : memref<128xi32, #tpu.memory_space<vmem>>) semaphore(%arg36 : memref<!tpu.dma_semaphore, #tpu.memory_space<semaphore_mem>>)
        %dma_wait3A_251 = arith.constant 0 : i32
        %dma_wait3A_252 = arith.constant 0 : i32
        %dma_wait3A_253 = tpu.memref_slice %arg33[%dma_wait3A_252] : memref<384xf32, #tpu.memory_space<vmem>> -> memref<128xf32, #tpu.memory_space<vmem>>
        %dma_wait3A_254 = arith.constant 0 : i32
        %dma_wait3A_255 = tpu.memref_slice %arg30[%dma_wait3A_251, %dma_wait3A_254] : memref<3x128xi32, #tpu.memory_space<vmem>> -> memref<1x128xi32, #tpu.memory_space<vmem>>
        %dma_wait3A_256 = tpu.memref_squeeze %dma_wait3A_255 : memref<1x128xi32, #tpu.memory_space<vmem>> -> memref<128xi32, #tpu.memory_space<vmem>>
        %dma_wait3A_257 = arith.constant 0 : i32
        %dma_wait3A_258 = tpu.memref_slice %arg5[%dma_wait3A_257] : memref<163840xf32, #tpu.memory_space<hbm>> -> memref<163840xf32, #tpu.memory_space<hbm>>
        tpu.wait_indirect_dma semaphore(%arg36 : memref<!tpu.dma_semaphore, #tpu.memory_space<semaphore_mem>>) src(%dma_wait3A_258 : memref<163840xf32, #tpu.memory_space<hbm>>) dst(%dma_wait3A_253 : memref<128xf32, #tpu.memory_space<vmem>>)
        %dma_start3A_259 = arith.constant 1 : i32
        %dma_start3A_260 = arith.constant 128 : i32
        %dma_start3A_261 = tpu.memref_slice %arg33[%dma_start3A_260] : memref<384xf32, #tpu.memory_space<vmem>> -> memref<128xf32, #tpu.memory_space<vmem>>
        %dma_start3A_262 = arith.constant 0 : i32
        %dma_start3A_263 = tpu.memref_slice %arg30[%dma_start3A_259, %dma_start3A_262] : memref<3x128xi32, #tpu.memory_space<vmem>> -> memref<1x128xi32, #tpu.memory_space<vmem>>
        %dma_start3A_264 = tpu.memref_squeeze %dma_start3A_263 : memref<1x128xi32, #tpu.memory_space<vmem>> -> memref<128xi32, #tpu.memory_space<vmem>>
        %dma_start3A_265 = arith.constant 0 : i32
        %dma_start3A_266 = tpu.memref_slice %arg5[%dma_start3A_265] : memref<163840xf32, #tpu.memory_space<hbm>> -> memref<163840xf32, #tpu.memory_space<hbm>>
        tpu.enqueue_indirect_dma source(%dma_start3A_266 : memref<163840xf32, #tpu.memory_space<hbm>>) target(%dma_start3A_261 : memref<128xf32, #tpu.memory_space<vmem>>) offsets(%dma_start3A_264 : memref<128xi32, #tpu.memory_space<vmem>>) semaphore(%arg36 : memref<!tpu.dma_semaphore, #tpu.memory_space<semaphore_mem>>)
        %dma_wait3A_267 = arith.constant 1 : i32
        %dma_wait3A_268 = arith.constant 128 : i32
        %dma_wait3A_269 = tpu.memref_slice %arg33[%dma_wait3A_268] : memref<384xf32, #tpu.memory_space<vmem>> -> memref<128xf32, #tpu.memory_space<vmem>>
        %dma_wait3A_270 = arith.constant 0 : i32
        %dma_wait3A_271 = tpu.memref_slice %arg30[%dma_wait3A_267, %dma_wait3A_270] : memref<3x128xi32, #tpu.memory_space<vmem>> -> memref<1x128xi32, #tpu.memory_space<vmem>>
        %dma_wait3A_272 = tpu.memref_squeeze %dma_wait3A_271 : memref<1x128xi32, #tpu.memory_space<vmem>> -> memref<128xi32, #tpu.memory_space<vmem>>
        %dma_wait3A_273 = arith.constant 0 : i32
        %dma_wait3A_274 = tpu.memref_slice %arg5[%dma_wait3A_273] : memref<163840xf32, #tpu.memory_space<hbm>> -> memref<163840xf32, #tpu.memory_space<hbm>>
        tpu.wait_indirect_dma semaphore(%arg36 : memref<!tpu.dma_semaphore, #tpu.memory_space<semaphore_mem>>) src(%dma_wait3A_274 : memref<163840xf32, #tpu.memory_space<hbm>>) dst(%dma_wait3A_269 : memref<128xf32, #tpu.memory_space<vmem>>)
        %dma_start3A_275 = arith.constant 2 : i32
        %dma_start3A_276 = arith.constant 256 : i32
        %dma_start3A_277 = tpu.memref_slice %arg33[%dma_start3A_276] : memref<384xf32, #tpu.memory_space<vmem>> -> memref<128xf32, #tpu.memory_space<vmem>>
        %dma_start3A_278 = arith.constant 0 : i32
        %dma_start3A_279 = tpu.memref_slice %arg30[%dma_start3A_275, %dma_start3A_278] : memref<3x128xi32, #tpu.memory_space<vmem>> -> memref<1x128xi32, #tpu.memory_space<vmem>>
        %dma_start3A_280 = tpu.memref_squeeze %dma_start3A_279 : memref<1x128xi32, #tpu.memory_space<vmem>> -> memref<128xi32, #tpu.memory_space<vmem>>
        %dma_start3A_281 = arith.constant 0 : i32
        %dma_start3A_282 = tpu.memref_slice %arg5[%dma_start3A_281] : memref<163840xf32, #tpu.memory_space<hbm>> -> memref<163840xf32, #tpu.memory_space<hbm>>
        tpu.enqueue_indirect_dma source(%dma_start3A_282 : memref<163840xf32, #tpu.memory_space<hbm>>) target(%dma_start3A_277 : memref<128xf32, #tpu.memory_space<vmem>>) offsets(%dma_start3A_280 : memref<128xi32, #tpu.memory_space<vmem>>) semaphore(%arg36 : memref<!tpu.dma_semaphore, #tpu.memory_space<semaphore_mem>>)
        %dma_wait3A_283 = arith.constant 2 : i32
        %dma_wait3A_284 = arith.constant 256 : i32
        %dma_wait3A_285 = tpu.memref_slice %arg33[%dma_wait3A_284] : memref<384xf32, #tpu.memory_space<vmem>> -> memref<128xf32, #tpu.memory_space<vmem>>
        %dma_wait3A_286 = arith.constant 0 : i32
        %dma_wait3A_287 = tpu.memref_slice %arg30[%dma_wait3A_283, %dma_wait3A_286] : memref<3x128xi32, #tpu.memory_space<vmem>> -> memref<1x128xi32, #tpu.memory_space<vmem>>
        %dma_wait3A_288 = tpu.memref_squeeze %dma_wait3A_287 : memref<1x128xi32, #tpu.memory_space<vmem>> -> memref<128xi32, #tpu.memory_space<vmem>>
        %dma_wait3A_289 = arith.constant 0 : i32
        %dma_wait3A_290 = tpu.memref_slice %arg5[%dma_wait3A_289] : memref<163840xf32, #tpu.memory_space<hbm>> -> memref<163840xf32, #tpu.memory_space<hbm>>
        tpu.wait_indirect_dma semaphore(%arg36 : memref<!tpu.dma_semaphore, #tpu.memory_space<semaphore_mem>>) src(%dma_wait3A_290 : memref<163840xf32, #tpu.memory_space<hbm>>) dst(%dma_wait3A_285 : memref<128xf32, #tpu.memory_space<vmem>>)
        "tpu.region"() ({
          %run_scoped3A = tpu.sem_alloc : memref<!tpu.dma_semaphore, #tpu.memory_space<semaphore_mem>>
          %dma_start3A_627 = arith.constant 0 : i32
          %dma_start3A_628 = tpu.memref_slice %arg33[%dma_start3A_627] : memref<384xf32, #tpu.memory_space<vmem>> -> memref<384xf32, #tpu.memory_space<vmem>>
          %dma_start3A_629 = tpu.memref_slice %arg14[%add3A_129] : memref<4096xf32, #tpu.memory_space<hbm>> -> memref<384xf32, #tpu.memory_space<hbm>>
          %dma_start3A_630 = tpu.memref_slice %arg14[%add3A_129] : memref<4096xf32, #tpu.memory_space<hbm>> -> memref<384xf32, #tpu.memory_space<hbm>>
          %dma_start3A_631 = arith.constant 0 : i32
          %dma_start3A_632 = tpu.memref_slice %arg33[%dma_start3A_631] : memref<384xf32, #tpu.memory_space<vmem>> -> memref<384xf32, #tpu.memory_space<vmem>>
          tpu.enqueue_dma source(%dma_start3A_632 : memref<384xf32, #tpu.memory_space<vmem>>) target(%dma_start3A_630 : memref<384xf32, #tpu.memory_space<hbm>>) target_semaphore(%run_scoped3A : memref<!tpu.dma_semaphore, #tpu.memory_space<semaphore_mem>>)
          %dma_wait3A_633 = arith.constant 0 : i32
          %dma_wait3A_634 = tpu.memref_slice %arg33[%dma_wait3A_633] : memref<384xf32, #tpu.memory_space<vmem>> -> memref<384xf32, #tpu.memory_space<vmem>>
          %dma_wait3A_635 = tpu.memref_slice %arg14[%add3A_129] : memref<4096xf32, #tpu.memory_space<hbm>> -> memref<384xf32, #tpu.memory_space<hbm>>
          %dma_wait3A_636 = tpu.memref_slice %arg14[%add3A_129] : memref<4096xf32, #tpu.memory_space<hbm>> -> memref<384xf32, #tpu.memory_space<hbm>>
          %dma_wait3A_637 = arith.constant 0 : i32
          %dma_wait3A_638 = tpu.memref_slice %arg33[%dma_wait3A_637] : memref<384xf32, #tpu.memory_space<vmem>> -> memref<384xf32, #tpu.memory_space<vmem>>
          tpu.wait_dma2 semaphore(%run_scoped3A : memref<!tpu.dma_semaphore, #tpu.memory_space<semaphore_mem>>) src(%dma_wait3A_638 : memref<384xf32, #tpu.memory_space<vmem>>) dst(%dma_wait3A_636 : memref<384xf32, #tpu.memory_space<hbm>>)
          tpu.yield
        }) : () -> ()
        %dma_start3A_291 = arith.constant 0 : i32
        %dma_start3A_292 = arith.constant 0 : i32
        %dma_start3A_293 = tpu.memref_slice %arg33[%dma_start3A_292] : memref<384xf32, #tpu.memory_space<vmem>> -> memref<128xf32, #tpu.memory_space<vmem>>
        %dma_start3A_294 = arith.constant 0 : i32
        %dma_start3A_295 = tpu.memref_slice %arg30[%dma_start3A_291, %dma_start3A_294] : memref<3x128xi32, #tpu.memory_space<vmem>> -> memref<1x128xi32, #tpu.memory_space<vmem>>
        %dma_start3A_296 = tpu.memref_squeeze %dma_start3A_295 : memref<1x128xi32, #tpu.memory_space<vmem>> -> memref<128xi32, #tpu.memory_space<vmem>>
        %dma_start3A_297 = arith.constant 0 : i32
        %dma_start3A_298 = tpu.memref_slice %arg6[%dma_start3A_297] : memref<163840xf32, #tpu.memory_space<hbm>> -> memref<163840xf32, #tpu.memory_space<hbm>>
        tpu.enqueue_indirect_dma source(%dma_start3A_298 : memref<163840xf32, #tpu.memory_space<hbm>>) target(%dma_start3A_293 : memref<128xf32, #tpu.memory_space<vmem>>) offsets(%dma_start3A_296 : memref<128xi32, #tpu.memory_space<vmem>>) semaphore(%arg36 : memref<!tpu.dma_semaphore, #tpu.memory_space<semaphore_mem>>)
        %dma_wait3A_299 = arith.constant 0 : i32
        %dma_wait3A_300 = arith.constant 0 : i32
        %dma_wait3A_301 = tpu.memref_slice %arg33[%dma_wait3A_300] : memref<384xf32, #tpu.memory_space<vmem>> -> memref<128xf32, #tpu.memory_space<vmem>>
        %dma_wait3A_302 = arith.constant 0 : i32
        %dma_wait3A_303 = tpu.memref_slice %arg30[%dma_wait3A_299, %dma_wait3A_302] : memref<3x128xi32, #tpu.memory_space<vmem>> -> memref<1x128xi32, #tpu.memory_space<vmem>>
        %dma_wait3A_304 = tpu.memref_squeeze %dma_wait3A_303 : memref<1x128xi32, #tpu.memory_space<vmem>> -> memref<128xi32, #tpu.memory_space<vmem>>
        %dma_wait3A_305 = arith.constant 0 : i32
        %dma_wait3A_306 = tpu.memref_slice %arg6[%dma_wait3A_305] : memref<163840xf32, #tpu.memory_space<hbm>> -> memref<163840xf32, #tpu.memory_space<hbm>>
        tpu.wait_indirect_dma semaphore(%arg36 : memref<!tpu.dma_semaphore, #tpu.memory_space<semaphore_mem>>) src(%dma_wait3A_306 : memref<163840xf32, #tpu.memory_space<hbm>>) dst(%dma_wait3A_301 : memref<128xf32, #tpu.memory_space<vmem>>)
        %dma_start3A_307 = arith.constant 1 : i32
        %dma_start3A_308 = arith.constant 128 : i32
        %dma_start3A_309 = tpu.memref_slice %arg33[%dma_start3A_308] : memref<384xf32, #tpu.memory_space<vmem>> -> memref<128xf32, #tpu.memory_space<vmem>>
        %dma_start3A_310 = arith.constant 0 : i32
        %dma_start3A_311 = tpu.memref_slice %arg30[%dma_start3A_307, %dma_start3A_310] : memref<3x128xi32, #tpu.memory_space<vmem>> -> memref<1x128xi32, #tpu.memory_space<vmem>>
        %dma_start3A_312 = tpu.memref_squeeze %dma_start3A_311 : memref<1x128xi32, #tpu.memory_space<vmem>> -> memref<128xi32, #tpu.memory_space<vmem>>
        %dma_start3A_313 = arith.constant 0 : i32
        %dma_start3A_314 = tpu.memref_slice %arg6[%dma_start3A_313] : memref<163840xf32, #tpu.memory_space<hbm>> -> memref<163840xf32, #tpu.memory_space<hbm>>
        tpu.enqueue_indirect_dma source(%dma_start3A_314 : memref<163840xf32, #tpu.memory_space<hbm>>) target(%dma_start3A_309 : memref<128xf32, #tpu.memory_space<vmem>>) offsets(%dma_start3A_312 : memref<128xi32, #tpu.memory_space<vmem>>) semaphore(%arg36 : memref<!tpu.dma_semaphore, #tpu.memory_space<semaphore_mem>>)
        %dma_wait3A_315 = arith.constant 1 : i32
        %dma_wait3A_316 = arith.constant 128 : i32
        %dma_wait3A_317 = tpu.memref_slice %arg33[%dma_wait3A_316] : memref<384xf32, #tpu.memory_space<vmem>> -> memref<128xf32, #tpu.memory_space<vmem>>
        %dma_wait3A_318 = arith.constant 0 : i32
        %dma_wait3A_319 = tpu.memref_slice %arg30[%dma_wait3A_315, %dma_wait3A_318] : memref<3x128xi32, #tpu.memory_space<vmem>> -> memref<1x128xi32, #tpu.memory_space<vmem>>
        %dma_wait3A_320 = tpu.memref_squeeze %dma_wait3A_319 : memref<1x128xi32, #tpu.memory_space<vmem>> -> memref<128xi32, #tpu.memory_space<vmem>>
        %dma_wait3A_321 = arith.constant 0 : i32
        %dma_wait3A_322 = tpu.memref_slice %arg6[%dma_wait3A_321] : memref<163840xf32, #tpu.memory_space<hbm>> -> memref<163840xf32, #tpu.memory_space<hbm>>
        tpu.wait_indirect_dma semaphore(%arg36 : memref<!tpu.dma_semaphore, #tpu.memory_space<semaphore_mem>>) src(%dma_wait3A_322 : memref<163840xf32, #tpu.memory_space<hbm>>) dst(%dma_wait3A_317 : memref<128xf32, #tpu.memory_space<vmem>>)
        %dma_start3A_323 = arith.constant 2 : i32
        %dma_start3A_324 = arith.constant 256 : i32
        %dma_start3A_325 = tpu.memref_slice %arg33[%dma_start3A_324] : memref<384xf32, #tpu.memory_space<vmem>> -> memref<128xf32, #tpu.memory_space<vmem>>
        %dma_start3A_326 = arith.constant 0 : i32
        %dma_start3A_327 = tpu.memref_slice %arg30[%dma_start3A_323, %dma_start3A_326] : memref<3x128xi32, #tpu.memory_space<vmem>> -> memref<1x128xi32, #tpu.memory_space<vmem>>
        %dma_start3A_328 = tpu.memref_squeeze %dma_start3A_327 : memref<1x128xi32, #tpu.memory_space<vmem>> -> memref<128xi32, #tpu.memory_space<vmem>>
        %dma_start3A_329 = arith.constant 0 : i32
        %dma_start3A_330 = tpu.memref_slice %arg6[%dma_start3A_329] : memref<163840xf32, #tpu.memory_space<hbm>> -> memref<163840xf32, #tpu.memory_space<hbm>>
        tpu.enqueue_indirect_dma source(%dma_start3A_330 : memref<163840xf32, #tpu.memory_space<hbm>>) target(%dma_start3A_325 : memref<128xf32, #tpu.memory_space<vmem>>) offsets(%dma_start3A_328 : memref<128xi32, #tpu.memory_space<vmem>>) semaphore(%arg36 : memref<!tpu.dma_semaphore, #tpu.memory_space<semaphore_mem>>)
        %dma_wait3A_331 = arith.constant 2 : i32
        %dma_wait3A_332 = arith.constant 256 : i32
        %dma_wait3A_333 = tpu.memref_slice %arg33[%dma_wait3A_332] : memref<384xf32, #tpu.memory_space<vmem>> -> memref<128xf32, #tpu.memory_space<vmem>>
        %dma_wait3A_334 = arith.constant 0 : i32
        %dma_wait3A_335 = tpu.memref_slice %arg30[%dma_wait3A_331, %dma_wait3A_334] : memref<3x128xi32, #tpu.memory_space<vmem>> -> memref<1x128xi32, #tpu.memory_space<vmem>>
        %dma_wait3A_336 = tpu.memref_squeeze %dma_wait3A_335 : memref<1x128xi32, #tpu.memory_space<vmem>> -> memref<128xi32, #tpu.memory_space<vmem>>
        %dma_wait3A_337 = arith.constant 0 : i32
        %dma_wait3A_338 = tpu.memref_slice %arg6[%dma_wait3A_337] : memref<163840xf32, #tpu.memory_space<hbm>> -> memref<163840xf32, #tpu.memory_space<hbm>>
        tpu.wait_indirect_dma semaphore(%arg36 : memref<!tpu.dma_semaphore, #tpu.memory_space<semaphore_mem>>) src(%dma_wait3A_338 : memref<163840xf32, #tpu.memory_space<hbm>>) dst(%dma_wait3A_333 : memref<128xf32, #tpu.memory_space<vmem>>)
        "tpu.region"() ({
          %run_scoped3A = tpu.sem_alloc : memref<!tpu.dma_semaphore, #tpu.memory_space<semaphore_mem>>
          %dma_start3A_627 = arith.constant 0 : i32
          %dma_start3A_628 = tpu.memref_slice %arg33[%dma_start3A_627] : memref<384xf32, #tpu.memory_space<vmem>> -> memref<384xf32, #tpu.memory_space<vmem>>
          %dma_start3A_629 = tpu.memref_slice %arg15[%add3A_129] : memref<4096xf32, #tpu.memory_space<hbm>> -> memref<384xf32, #tpu.memory_space<hbm>>
          %dma_start3A_630 = tpu.memref_slice %arg15[%add3A_129] : memref<4096xf32, #tpu.memory_space<hbm>> -> memref<384xf32, #tpu.memory_space<hbm>>
          %dma_start3A_631 = arith.constant 0 : i32
          %dma_start3A_632 = tpu.memref_slice %arg33[%dma_start3A_631] : memref<384xf32, #tpu.memory_space<vmem>> -> memref<384xf32, #tpu.memory_space<vmem>>
          tpu.enqueue_dma source(%dma_start3A_632 : memref<384xf32, #tpu.memory_space<vmem>>) target(%dma_start3A_630 : memref<384xf32, #tpu.memory_space<hbm>>) target_semaphore(%run_scoped3A : memref<!tpu.dma_semaphore, #tpu.memory_space<semaphore_mem>>)
          %dma_wait3A_633 = arith.constant 0 : i32
          %dma_wait3A_634 = tpu.memref_slice %arg33[%dma_wait3A_633] : memref<384xf32, #tpu.memory_space<vmem>> -> memref<384xf32, #tpu.memory_space<vmem>>
          %dma_wait3A_635 = tpu.memref_slice %arg15[%add3A_129] : memref<4096xf32, #tpu.memory_space<hbm>> -> memref<384xf32, #tpu.memory_space<hbm>>
          %dma_wait3A_636 = tpu.memref_slice %arg15[%add3A_129] : memref<4096xf32, #tpu.memory_space<hbm>> -> memref<384xf32, #tpu.memory_space<hbm>>
          %dma_wait3A_637 = arith.constant 0 : i32
          %dma_wait3A_638 = tpu.memref_slice %arg33[%dma_wait3A_637] : memref<384xf32, #tpu.memory_space<vmem>> -> memref<384xf32, #tpu.memory_space<vmem>>
          tpu.wait_dma2 semaphore(%run_scoped3A : memref<!tpu.dma_semaphore, #tpu.memory_space<semaphore_mem>>) src(%dma_wait3A_638 : memref<384xf32, #tpu.memory_space<vmem>>) dst(%dma_wait3A_636 : memref<384xf32, #tpu.memory_space<hbm>>)
          tpu.yield
        }) : () -> ()
        %dma_start3A_339 = arith.constant 0 : i32
        %dma_start3A_340 = arith.constant 0 : i32
        %dma_start3A_341 = tpu.memref_slice %arg33[%dma_start3A_340] : memref<384xf32, #tpu.memory_space<vmem>> -> memref<128xf32, #tpu.memory_space<vmem>>
        %dma_start3A_342 = arith.constant 0 : i32
        %dma_start3A_343 = tpu.memref_slice %arg30[%dma_start3A_339, %dma_start3A_342] : memref<3x128xi32, #tpu.memory_space<vmem>> -> memref<1x128xi32, #tpu.memory_space<vmem>>
        %dma_start3A_344 = tpu.memref_squeeze %dma_start3A_343 : memref<1x128xi32, #tpu.memory_space<vmem>> -> memref<128xi32, #tpu.memory_space<vmem>>
        %dma_start3A_345 = arith.constant 0 : i32
        %dma_start3A_346 = tpu.memref_slice %arg7[%dma_start3A_345] : memref<163840xf32, #tpu.memory_space<hbm>> -> memref<163840xf32, #tpu.memory_space<hbm>>
        tpu.enqueue_indirect_dma source(%dma_start3A_346 : memref<163840xf32, #tpu.memory_space<hbm>>) target(%dma_start3A_341 : memref<128xf32, #tpu.memory_space<vmem>>) offsets(%dma_start3A_344 : memref<128xi32, #tpu.memory_space<vmem>>) semaphore(%arg36 : memref<!tpu.dma_semaphore, #tpu.memory_space<semaphore_mem>>)
        %dma_wait3A_347 = arith.constant 0 : i32
        %dma_wait3A_348 = arith.constant 0 : i32
        %dma_wait3A_349 = tpu.memref_slice %arg33[%dma_wait3A_348] : memref<384xf32, #tpu.memory_space<vmem>> -> memref<128xf32, #tpu.memory_space<vmem>>
        %dma_wait3A_350 = arith.constant 0 : i32
        %dma_wait3A_351 = tpu.memref_slice %arg30[%dma_wait3A_347, %dma_wait3A_350] : memref<3x128xi32, #tpu.memory_space<vmem>> -> memref<1x128xi32, #tpu.memory_space<vmem>>
        %dma_wait3A_352 = tpu.memref_squeeze %dma_wait3A_351 : memref<1x128xi32, #tpu.memory_space<vmem>> -> memref<128xi32, #tpu.memory_space<vmem>>
        %dma_wait3A_353 = arith.constant 0 : i32
        %dma_wait3A_354 = tpu.memref_slice %arg7[%dma_wait3A_353] : memref<163840xf32, #tpu.memory_space<hbm>> -> memref<163840xf32, #tpu.memory_space<hbm>>
        tpu.wait_indirect_dma semaphore(%arg36 : memref<!tpu.dma_semaphore, #tpu.memory_space<semaphore_mem>>) src(%dma_wait3A_354 : memref<163840xf32, #tpu.memory_space<hbm>>) dst(%dma_wait3A_349 : memref<128xf32, #tpu.memory_space<vmem>>)
        %dma_start3A_355 = arith.constant 1 : i32
        %dma_start3A_356 = arith.constant 128 : i32
        %dma_start3A_357 = tpu.memref_slice %arg33[%dma_start3A_356] : memref<384xf32, #tpu.memory_space<vmem>> -> memref<128xf32, #tpu.memory_space<vmem>>
        %dma_start3A_358 = arith.constant 0 : i32
        %dma_start3A_359 = tpu.memref_slice %arg30[%dma_start3A_355, %dma_start3A_358] : memref<3x128xi32, #tpu.memory_space<vmem>> -> memref<1x128xi32, #tpu.memory_space<vmem>>
        %dma_start3A_360 = tpu.memref_squeeze %dma_start3A_359 : memref<1x128xi32, #tpu.memory_space<vmem>> -> memref<128xi32, #tpu.memory_space<vmem>>
        %dma_start3A_361 = arith.constant 0 : i32
        %dma_start3A_362 = tpu.memref_slice %arg7[%dma_start3A_361] : memref<163840xf32, #tpu.memory_space<hbm>> -> memref<163840xf32, #tpu.memory_space<hbm>>
        tpu.enqueue_indirect_dma source(%dma_start3A_362 : memref<163840xf32, #tpu.memory_space<hbm>>) target(%dma_start3A_357 : memref<128xf32, #tpu.memory_space<vmem>>) offsets(%dma_start3A_360 : memref<128xi32, #tpu.memory_space<vmem>>) semaphore(%arg36 : memref<!tpu.dma_semaphore, #tpu.memory_space<semaphore_mem>>)
        %dma_wait3A_363 = arith.constant 1 : i32
        %dma_wait3A_364 = arith.constant 128 : i32
        %dma_wait3A_365 = tpu.memref_slice %arg33[%dma_wait3A_364] : memref<384xf32, #tpu.memory_space<vmem>> -> memref<128xf32, #tpu.memory_space<vmem>>
        %dma_wait3A_366 = arith.constant 0 : i32
        %dma_wait3A_367 = tpu.memref_slice %arg30[%dma_wait3A_363, %dma_wait3A_366] : memref<3x128xi32, #tpu.memory_space<vmem>> -> memref<1x128xi32, #tpu.memory_space<vmem>>
        %dma_wait3A_368 = tpu.memref_squeeze %dma_wait3A_367 : memref<1x128xi32, #tpu.memory_space<vmem>> -> memref<128xi32, #tpu.memory_space<vmem>>
        %dma_wait3A_369 = arith.constant 0 : i32
        %dma_wait3A_370 = tpu.memref_slice %arg7[%dma_wait3A_369] : memref<163840xf32, #tpu.memory_space<hbm>> -> memref<163840xf32, #tpu.memory_space<hbm>>
        tpu.wait_indirect_dma semaphore(%arg36 : memref<!tpu.dma_semaphore, #tpu.memory_space<semaphore_mem>>) src(%dma_wait3A_370 : memref<163840xf32, #tpu.memory_space<hbm>>) dst(%dma_wait3A_365 : memref<128xf32, #tpu.memory_space<vmem>>)
        %dma_start3A_371 = arith.constant 2 : i32
        %dma_start3A_372 = arith.constant 256 : i32
        %dma_start3A_373 = tpu.memref_slice %arg33[%dma_start3A_372] : memref<384xf32, #tpu.memory_space<vmem>> -> memref<128xf32, #tpu.memory_space<vmem>>
        %dma_start3A_374 = arith.constant 0 : i32
        %dma_start3A_375 = tpu.memref_slice %arg30[%dma_start3A_371, %dma_start3A_374] : memref<3x128xi32, #tpu.memory_space<vmem>> -> memref<1x128xi32, #tpu.memory_space<vmem>>
        %dma_start3A_376 = tpu.memref_squeeze %dma_start3A_375 : memref<1x128xi32, #tpu.memory_space<vmem>> -> memref<128xi32, #tpu.memory_space<vmem>>
        %dma_start3A_377 = arith.constant 0 : i32
        %dma_start3A_378 = tpu.memref_slice %arg7[%dma_start3A_377] : memref<163840xf32, #tpu.memory_space<hbm>> -> memref<163840xf32, #tpu.memory_space<hbm>>
        tpu.enqueue_indirect_dma source(%dma_start3A_378 : memref<163840xf32, #tpu.memory_space<hbm>>) target(%dma_start3A_373 : memref<128xf32, #tpu.memory_space<vmem>>) offsets(%dma_start3A_376 : memref<128xi32, #tpu.memory_space<vmem>>) semaphore(%arg36 : memref<!tpu.dma_semaphore, #tpu.memory_space<semaphore_mem>>)
        %dma_wait3A_379 = arith.constant 2 : i32
        %dma_wait3A_380 = arith.constant 256 : i32
        %dma_wait3A_381 = tpu.memref_slice %arg33[%dma_wait3A_380] : memref<384xf32, #tpu.memory_space<vmem>> -> memref<128xf32, #tpu.memory_space<vmem>>
        %dma_wait3A_382 = arith.constant 0 : i32
        %dma_wait3A_383 = tpu.memref_slice %arg30[%dma_wait3A_379, %dma_wait3A_382] : memref<3x128xi32, #tpu.memory_space<vmem>> -> memref<1x128xi32, #tpu.memory_space<vmem>>
        %dma_wait3A_384 = tpu.memref_squeeze %dma_wait3A_383 : memref<1x128xi32, #tpu.memory_space<vmem>> -> memref<128xi32, #tpu.memory_space<vmem>>
        %dma_wait3A_385 = arith.constant 0 : i32
        %dma_wait3A_386 = tpu.memref_slice %arg7[%dma_wait3A_385] : memref<163840xf32, #tpu.memory_space<hbm>> -> memref<163840xf32, #tpu.memory_space<hbm>>
        tpu.wait_indirect_dma semaphore(%arg36 : memref<!tpu.dma_semaphore, #tpu.memory_space<semaphore_mem>>) src(%dma_wait3A_386 : memref<163840xf32, #tpu.memory_space<hbm>>) dst(%dma_wait3A_381 : memref<128xf32, #tpu.memory_space<vmem>>)
        "tpu.region"() ({
          %run_scoped3A = tpu.sem_alloc : memref<!tpu.dma_semaphore, #tpu.memory_space<semaphore_mem>>
          %dma_start3A_627 = arith.constant 0 : i32
          %dma_start3A_628 = tpu.memref_slice %arg33[%dma_start3A_627] : memref<384xf32, #tpu.memory_space<vmem>> -> memref<384xf32, #tpu.memory_space<vmem>>
          %dma_start3A_629 = tpu.memref_slice %arg16[%add3A_129] : memref<4096xf32, #tpu.memory_space<hbm>> -> memref<384xf32, #tpu.memory_space<hbm>>
          %dma_start3A_630 = tpu.memref_slice %arg16[%add3A_129] : memref<4096xf32, #tpu.memory_space<hbm>> -> memref<384xf32, #tpu.memory_space<hbm>>
          %dma_start3A_631 = arith.constant 0 : i32
          %dma_start3A_632 = tpu.memref_slice %arg33[%dma_start3A_631] : memref<384xf32, #tpu.memory_space<vmem>> -> memref<384xf32, #tpu.memory_space<vmem>>
          tpu.enqueue_dma source(%dma_start3A_632 : memref<384xf32, #tpu.memory_space<vmem>>) target(%dma_start3A_630 : memref<384xf32, #tpu.memory_space<hbm>>) target_semaphore(%run_scoped3A : memref<!tpu.dma_semaphore, #tpu.memory_space<semaphore_mem>>)
          %dma_wait3A_633 = arith.constant 0 : i32
          %dma_wait3A_634 = tpu.memref_slice %arg33[%dma_wait3A_633] : memref<384xf32, #tpu.memory_space<vmem>> -> memref<384xf32, #tpu.memory_space<vmem>>
          %dma_wait3A_635 = tpu.memref_slice %arg16[%add3A_129] : memref<4096xf32, #tpu.memory_space<hbm>> -> memref<384xf32, #tpu.memory_space<hbm>>
          %dma_wait3A_636 = tpu.memref_slice %arg16[%add3A_129] : memref<4096xf32, #tpu.memory_space<hbm>> -> memref<384xf32, #tpu.memory_space<hbm>>
          %dma_wait3A_637 = arith.constant 0 : i32
          %dma_wait3A_638 = tpu.memref_slice %arg33[%dma_wait3A_637] : memref<384xf32, #tpu.memory_space<vmem>> -> memref<384xf32, #tpu.memory_space<vmem>>
          tpu.wait_dma2 semaphore(%run_scoped3A : memref<!tpu.dma_semaphore, #tpu.memory_space<semaphore_mem>>) src(%dma_wait3A_638 : memref<384xf32, #tpu.memory_space<vmem>>) dst(%dma_wait3A_636 : memref<384xf32, #tpu.memory_space<hbm>>)
          tpu.yield
        }) : () -> ()
        %dma_start3A_387 = arith.constant 0 : i32
        %dma_start3A_388 = arith.constant 0 : i32
        %dma_start3A_389 = tpu.memref_slice %arg33[%dma_start3A_388] : memref<384xf32, #tpu.memory_space<vmem>> -> memref<128xf32, #tpu.memory_space<vmem>>
        %dma_start3A_390 = arith.constant 0 : i32
        %dma_start3A_391 = tpu.memref_slice %arg32[%dma_start3A_387, %dma_start3A_390] : memref<3x128xi32, #tpu.memory_space<vmem>> -> memref<1x128xi32, #tpu.memory_space<vmem>>
        %dma_start3A_392 = tpu.memref_squeeze %dma_start3A_391 : memref<1x128xi32, #tpu.memory_space<vmem>> -> memref<128xi32, #tpu.memory_space<vmem>>
        %dma_start3A_393 = arith.constant 0 : i32
        %dma_start3A_394 = tpu.memref_slice %arg8[%dma_start3A_393] : memref<800xf32, #tpu.memory_space<hbm>> -> memref<800xf32, #tpu.memory_space<hbm>>
        tpu.enqueue_indirect_dma source(%dma_start3A_394 : memref<800xf32, #tpu.memory_space<hbm>>) target(%dma_start3A_389 : memref<128xf32, #tpu.memory_space<vmem>>) offsets(%dma_start3A_392 : memref<128xi32, #tpu.memory_space<vmem>>) semaphore(%arg36 : memref<!tpu.dma_semaphore, #tpu.memory_space<semaphore_mem>>)
        %dma_wait3A_395 = arith.constant 0 : i32
        %dma_wait3A_396 = arith.constant 0 : i32
        %dma_wait3A_397 = tpu.memref_slice %arg33[%dma_wait3A_396] : memref<384xf32, #tpu.memory_space<vmem>> -> memref<128xf32, #tpu.memory_space<vmem>>
        %dma_wait3A_398 = arith.constant 0 : i32
        %dma_wait3A_399 = tpu.memref_slice %arg32[%dma_wait3A_395, %dma_wait3A_398] : memref<3x128xi32, #tpu.memory_space<vmem>> -> memref<1x128xi32, #tpu.memory_space<vmem>>
        %dma_wait3A_400 = tpu.memref_squeeze %dma_wait3A_399 : memref<1x128xi32, #tpu.memory_space<vmem>> -> memref<128xi32, #tpu.memory_space<vmem>>
        %dma_wait3A_401 = arith.constant 0 : i32
        %dma_wait3A_402 = tpu.memref_slice %arg8[%dma_wait3A_401] : memref<800xf32, #tpu.memory_space<hbm>> -> memref<800xf32, #tpu.memory_space<hbm>>
        tpu.wait_indirect_dma semaphore(%arg36 : memref<!tpu.dma_semaphore, #tpu.memory_space<semaphore_mem>>) src(%dma_wait3A_402 : memref<800xf32, #tpu.memory_space<hbm>>) dst(%dma_wait3A_397 : memref<128xf32, #tpu.memory_space<vmem>>)
        %dma_start3A_403 = arith.constant 1 : i32
        %dma_start3A_404 = arith.constant 128 : i32
        %dma_start3A_405 = tpu.memref_slice %arg33[%dma_start3A_404] : memref<384xf32, #tpu.memory_space<vmem>> -> memref<128xf32, #tpu.memory_space<vmem>>
        %dma_start3A_406 = arith.constant 0 : i32
        %dma_start3A_407 = tpu.memref_slice %arg32[%dma_start3A_403, %dma_start3A_406] : memref<3x128xi32, #tpu.memory_space<vmem>> -> memref<1x128xi32, #tpu.memory_space<vmem>>
        %dma_start3A_408 = tpu.memref_squeeze %dma_start3A_407 : memref<1x128xi32, #tpu.memory_space<vmem>> -> memref<128xi32, #tpu.memory_space<vmem>>
        %dma_start3A_409 = arith.constant 0 : i32
        %dma_start3A_410 = tpu.memref_slice %arg8[%dma_start3A_409] : memref<800xf32, #tpu.memory_space<hbm>> -> memref<800xf32, #tpu.memory_space<hbm>>
        tpu.enqueue_indirect_dma source(%dma_start3A_410 : memref<800xf32, #tpu.memory_space<hbm>>) target(%dma_start3A_405 : memref<128xf32, #tpu.memory_space<vmem>>) offsets(%dma_start3A_408 : memref<128xi32, #tpu.memory_space<vmem>>) semaphore(%arg36 : memref<!tpu.dma_semaphore, #tpu.memory_space<semaphore_mem>>)
        %dma_wait3A_411 = arith.constant 1 : i32
        %dma_wait3A_412 = arith.constant 128 : i32
        %dma_wait3A_413 = tpu.memref_slice %arg33[%dma_wait3A_412] : memref<384xf32, #tpu.memory_space<vmem>> -> memref<128xf32, #tpu.memory_space<vmem>>
        %dma_wait3A_414 = arith.constant 0 : i32
        %dma_wait3A_415 = tpu.memref_slice %arg32[%dma_wait3A_411, %dma_wait3A_414] : memref<3x128xi32, #tpu.memory_space<vmem>> -> memref<1x128xi32, #tpu.memory_space<vmem>>
        %dma_wait3A_416 = tpu.memref_squeeze %dma_wait3A_415 : memref<1x128xi32, #tpu.memory_space<vmem>> -> memref<128xi32, #tpu.memory_space<vmem>>
        %dma_wait3A_417 = arith.constant 0 : i32
        %dma_wait3A_418 = tpu.memref_slice %arg8[%dma_wait3A_417] : memref<800xf32, #tpu.memory_space<hbm>> -> memref<800xf32, #tpu.memory_space<hbm>>
        tpu.wait_indirect_dma semaphore(%arg36 : memref<!tpu.dma_semaphore, #tpu.memory_space<semaphore_mem>>) src(%dma_wait3A_418 : memref<800xf32, #tpu.memory_space<hbm>>) dst(%dma_wait3A_413 : memref<128xf32, #tpu.memory_space<vmem>>)
        %dma_start3A_419 = arith.constant 2 : i32
        %dma_start3A_420 = arith.constant 256 : i32
        %dma_start3A_421 = tpu.memref_slice %arg33[%dma_start3A_420] : memref<384xf32, #tpu.memory_space<vmem>> -> memref<128xf32, #tpu.memory_space<vmem>>
        %dma_start3A_422 = arith.constant 0 : i32
        %dma_start3A_423 = tpu.memref_slice %arg32[%dma_start3A_419, %dma_start3A_422] : memref<3x128xi32, #tpu.memory_space<vmem>> -> memref<1x128xi32, #tpu.memory_space<vmem>>
        %dma_start3A_424 = tpu.memref_squeeze %dma_start3A_423 : memref<1x128xi32, #tpu.memory_space<vmem>> -> memref<128xi32, #tpu.memory_space<vmem>>
        %dma_start3A_425 = arith.constant 0 : i32
        %dma_start3A_426 = tpu.memref_slice %arg8[%dma_start3A_425] : memref<800xf32, #tpu.memory_space<hbm>> -> memref<800xf32, #tpu.memory_space<hbm>>
        tpu.enqueue_indirect_dma source(%dma_start3A_426 : memref<800xf32, #tpu.memory_space<hbm>>) target(%dma_start3A_421 : memref<128xf32, #tpu.memory_space<vmem>>) offsets(%dma_start3A_424 : memref<128xi32, #tpu.memory_space<vmem>>) semaphore(%arg36 : memref<!tpu.dma_semaphore, #tpu.memory_space<semaphore_mem>>)
        %dma_wait3A_427 = arith.constant 2 : i32
        %dma_wait3A_428 = arith.constant 256 : i32
        %dma_wait3A_429 = tpu.memref_slice %arg33[%dma_wait3A_428] : memref<384xf32, #tpu.memory_space<vmem>> -> memref<128xf32, #tpu.memory_space<vmem>>
        %dma_wait3A_430 = arith.constant 0 : i32
        %dma_wait3A_431 = tpu.memref_slice %arg32[%dma_wait3A_427, %dma_wait3A_430] : memref<3x128xi32, #tpu.memory_space<vmem>> -> memref<1x128xi32, #tpu.memory_space<vmem>>
        %dma_wait3A_432 = tpu.memref_squeeze %dma_wait3A_431 : memref<1x128xi32, #tpu.memory_space<vmem>> -> memref<128xi32, #tpu.memory_space<vmem>>
        %dma_wait3A_433 = arith.constant 0 : i32
        %dma_wait3A_434 = tpu.memref_slice %arg8[%dma_wait3A_433] : memref<800xf32, #tpu.memory_space<hbm>> -> memref<800xf32, #tpu.memory_space<hbm>>
        tpu.wait_indirect_dma semaphore(%arg36 : memref<!tpu.dma_semaphore, #tpu.memory_space<semaphore_mem>>) src(%dma_wait3A_434 : memref<800xf32, #tpu.memory_space<hbm>>) dst(%dma_wait3A_429 : memref<128xf32, #tpu.memory_space<vmem>>)
        "tpu.region"() ({
          %run_scoped3A = tpu.sem_alloc : memref<!tpu.dma_semaphore, #tpu.memory_space<semaphore_mem>>
          %dma_start3A_627 = arith.constant 0 : i32
          %dma_start3A_628 = tpu.memref_slice %arg33[%dma_start3A_627] : memref<384xf32, #tpu.memory_space<vmem>> -> memref<384xf32, #tpu.memory_space<vmem>>
          %dma_start3A_629 = tpu.memref_slice %arg17[%add3A_129] : memref<4096xf32, #tpu.memory_space<hbm>> -> memref<384xf32, #tpu.memory_space<hbm>>
          %dma_start3A_630 = tpu.memref_slice %arg17[%add3A_129] : memref<4096xf32, #tpu.memory_space<hbm>> -> memref<384xf32, #tpu.memory_space<hbm>>
          %dma_start3A_631 = arith.constant 0 : i32
          %dma_start3A_632 = tpu.memref_slice %arg33[%dma_start3A_631] : memref<384xf32, #tpu.memory_space<vmem>> -> memref<384xf32, #tpu.memory_space<vmem>>
          tpu.enqueue_dma source(%dma_start3A_632 : memref<384xf32, #tpu.memory_space<vmem>>) target(%dma_start3A_630 : memref<384xf32, #tpu.memory_space<hbm>>) target_semaphore(%run_scoped3A : memref<!tpu.dma_semaphore, #tpu.memory_space<semaphore_mem>>)
          %dma_wait3A_633 = arith.constant 0 : i32
          %dma_wait3A_634 = tpu.memref_slice %arg33[%dma_wait3A_633] : memref<384xf32, #tpu.memory_space<vmem>> -> memref<384xf32, #tpu.memory_space<vmem>>
          %dma_wait3A_635 = tpu.memref_slice %arg17[%add3A_129] : memref<4096xf32, #tpu.memory_space<hbm>> -> memref<384xf32, #tpu.memory_space<hbm>>
          %dma_wait3A_636 = tpu.memref_slice %arg17[%add3A_129] : memref<4096xf32, #tpu.memory_space<hbm>> -> memref<384xf32, #tpu.memory_space<hbm>>
          %dma_wait3A_637 = arith.constant 0 : i32
          %dma_wait3A_638 = tpu.memref_slice %arg33[%dma_wait3A_637] : memref<384xf32, #tpu.memory_space<vmem>> -> memref<384xf32, #tpu.memory_space<vmem>>
          tpu.wait_dma2 semaphore(%run_scoped3A : memref<!tpu.dma_semaphore, #tpu.memory_space<semaphore_mem>>) src(%dma_wait3A_638 : memref<384xf32, #tpu.memory_space<vmem>>) dst(%dma_wait3A_636 : memref<384xf32, #tpu.memory_space<hbm>>)
          tpu.yield
        }) : () -> ()
        %dma_start3A_435 = arith.constant 0 : i32
        %dma_start3A_436 = arith.constant 0 : i32
        %dma_start3A_437 = tpu.memref_slice %arg33[%dma_start3A_436] : memref<384xf32, #tpu.memory_space<vmem>> -> memref<128xf32, #tpu.memory_space<vmem>>
        %dma_start3A_438 = arith.constant 0 : i32
        %dma_start3A_439 = tpu.memref_slice %arg32[%dma_start3A_435, %dma_start3A_438] : memref<3x128xi32, #tpu.memory_space<vmem>> -> memref<1x128xi32, #tpu.memory_space<vmem>>
        %dma_start3A_440 = tpu.memref_squeeze %dma_start3A_439 : memref<1x128xi32, #tpu.memory_space<vmem>> -> memref<128xi32, #tpu.memory_space<vmem>>
        %dma_start3A_441 = arith.constant 0 : i32
        %dma_start3A_442 = tpu.memref_slice %arg9[%dma_start3A_441] : memref<800xf32, #tpu.memory_space<hbm>> -> memref<800xf32, #tpu.memory_space<hbm>>
        tpu.enqueue_indirect_dma source(%dma_start3A_442 : memref<800xf32, #tpu.memory_space<hbm>>) target(%dma_start3A_437 : memref<128xf32, #tpu.memory_space<vmem>>) offsets(%dma_start3A_440 : memref<128xi32, #tpu.memory_space<vmem>>) semaphore(%arg36 : memref<!tpu.dma_semaphore, #tpu.memory_space<semaphore_mem>>)
        %dma_wait3A_443 = arith.constant 0 : i32
        %dma_wait3A_444 = arith.constant 0 : i32
        %dma_wait3A_445 = tpu.memref_slice %arg33[%dma_wait3A_444] : memref<384xf32, #tpu.memory_space<vmem>> -> memref<128xf32, #tpu.memory_space<vmem>>
        %dma_wait3A_446 = arith.constant 0 : i32
        %dma_wait3A_447 = tpu.memref_slice %arg32[%dma_wait3A_443, %dma_wait3A_446] : memref<3x128xi32, #tpu.memory_space<vmem>> -> memref<1x128xi32, #tpu.memory_space<vmem>>
        %dma_wait3A_448 = tpu.memref_squeeze %dma_wait3A_447 : memref<1x128xi32, #tpu.memory_space<vmem>> -> memref<128xi32, #tpu.memory_space<vmem>>
        %dma_wait3A_449 = arith.constant 0 : i32
        %dma_wait3A_450 = tpu.memref_slice %arg9[%dma_wait3A_449] : memref<800xf32, #tpu.memory_space<hbm>> -> memref<800xf32, #tpu.memory_space<hbm>>
        tpu.wait_indirect_dma semaphore(%arg36 : memref<!tpu.dma_semaphore, #tpu.memory_space<semaphore_mem>>) src(%dma_wait3A_450 : memref<800xf32, #tpu.memory_space<hbm>>) dst(%dma_wait3A_445 : memref<128xf32, #tpu.memory_space<vmem>>)
        %dma_start3A_451 = arith.constant 1 : i32
        %dma_start3A_452 = arith.constant 128 : i32
        %dma_start3A_453 = tpu.memref_slice %arg33[%dma_start3A_452] : memref<384xf32, #tpu.memory_space<vmem>> -> memref<128xf32, #tpu.memory_space<vmem>>
        %dma_start3A_454 = arith.constant 0 : i32
        %dma_start3A_455 = tpu.memref_slice %arg32[%dma_start3A_451, %dma_start3A_454] : memref<3x128xi32, #tpu.memory_space<vmem>> -> memref<1x128xi32, #tpu.memory_space<vmem>>
        %dma_start3A_456 = tpu.memref_squeeze %dma_start3A_455 : memref<1x128xi32, #tpu.memory_space<vmem>> -> memref<128xi32, #tpu.memory_space<vmem>>
        %dma_start3A_457 = arith.constant 0 : i32
        %dma_start3A_458 = tpu.memref_slice %arg9[%dma_start3A_457] : memref<800xf32, #tpu.memory_space<hbm>> -> memref<800xf32, #tpu.memory_space<hbm>>
        tpu.enqueue_indirect_dma source(%dma_start3A_458 : memref<800xf32, #tpu.memory_space<hbm>>) target(%dma_start3A_453 : memref<128xf32, #tpu.memory_space<vmem>>) offsets(%dma_start3A_456 : memref<128xi32, #tpu.memory_space<vmem>>) semaphore(%arg36 : memref<!tpu.dma_semaphore, #tpu.memory_space<semaphore_mem>>)
        %dma_wait3A_459 = arith.constant 1 : i32
        %dma_wait3A_460 = arith.constant 128 : i32
        %dma_wait3A_461 = tpu.memref_slice %arg33[%dma_wait3A_460] : memref<384xf32, #tpu.memory_space<vmem>> -> memref<128xf32, #tpu.memory_space<vmem>>
        %dma_wait3A_462 = arith.constant 0 : i32
        %dma_wait3A_463 = tpu.memref_slice %arg32[%dma_wait3A_459, %dma_wait3A_462] : memref<3x128xi32, #tpu.memory_space<vmem>> -> memref<1x128xi32, #tpu.memory_space<vmem>>
        %dma_wait3A_464 = tpu.memref_squeeze %dma_wait3A_463 : memref<1x128xi32, #tpu.memory_space<vmem>> -> memref<128xi32, #tpu.memory_space<vmem>>
        %dma_wait3A_465 = arith.constant 0 : i32
        %dma_wait3A_466 = tpu.memref_slice %arg9[%dma_wait3A_465] : memref<800xf32, #tpu.memory_space<hbm>> -> memref<800xf32, #tpu.memory_space<hbm>>
        tpu.wait_indirect_dma semaphore(%arg36 : memref<!tpu.dma_semaphore, #tpu.memory_space<semaphore_mem>>) src(%dma_wait3A_466 : memref<800xf32, #tpu.memory_space<hbm>>) dst(%dma_wait3A_461 : memref<128xf32, #tpu.memory_space<vmem>>)
        %dma_start3A_467 = arith.constant 2 : i32
        %dma_start3A_468 = arith.constant 256 : i32
        %dma_start3A_469 = tpu.memref_slice %arg33[%dma_start3A_468] : memref<384xf32, #tpu.memory_space<vmem>> -> memref<128xf32, #tpu.memory_space<vmem>>
        %dma_start3A_470 = arith.constant 0 : i32
        %dma_start3A_471 = tpu.memref_slice %arg32[%dma_start3A_467, %dma_start3A_470] : memref<3x128xi32, #tpu.memory_space<vmem>> -> memref<1x128xi32, #tpu.memory_space<vmem>>
        %dma_start3A_472 = tpu.memref_squeeze %dma_start3A_471 : memref<1x128xi32, #tpu.memory_space<vmem>> -> memref<128xi32, #tpu.memory_space<vmem>>
        %dma_start3A_473 = arith.constant 0 : i32
        %dma_start3A_474 = tpu.memref_slice %arg9[%dma_start3A_473] : memref<800xf32, #tpu.memory_space<hbm>> -> memref<800xf32, #tpu.memory_space<hbm>>
        tpu.enqueue_indirect_dma source(%dma_start3A_474 : memref<800xf32, #tpu.memory_space<hbm>>) target(%dma_start3A_469 : memref<128xf32, #tpu.memory_space<vmem>>) offsets(%dma_start3A_472 : memref<128xi32, #tpu.memory_space<vmem>>) semaphore(%arg36 : memref<!tpu.dma_semaphore, #tpu.memory_space<semaphore_mem>>)
        %dma_wait3A_475 = arith.constant 2 : i32
        %dma_wait3A_476 = arith.constant 256 : i32
        %dma_wait3A_477 = tpu.memref_slice %arg33[%dma_wait3A_476] : memref<384xf32, #tpu.memory_space<vmem>> -> memref<128xf32, #tpu.memory_space<vmem>>
        %dma_wait3A_478 = arith.constant 0 : i32
        %dma_wait3A_479 = tpu.memref_slice %arg32[%dma_wait3A_475, %dma_wait3A_478] : memref<3x128xi32, #tpu.memory_space<vmem>> -> memref<1x128xi32, #tpu.memory_space<vmem>>
        %dma_wait3A_480 = tpu.memref_squeeze %dma_wait3A_479 : memref<1x128xi32, #tpu.memory_space<vmem>> -> memref<128xi32, #tpu.memory_space<vmem>>
        %dma_wait3A_481 = arith.constant 0 : i32
        %dma_wait3A_482 = tpu.memref_slice %arg9[%dma_wait3A_481] : memref<800xf32, #tpu.memory_space<hbm>> -> memref<800xf32, #tpu.memory_space<hbm>>
        tpu.wait_indirect_dma semaphore(%arg36 : memref<!tpu.dma_semaphore, #tpu.memory_space<semaphore_mem>>) src(%dma_wait3A_482 : memref<800xf32, #tpu.memory_space<hbm>>) dst(%dma_wait3A_477 : memref<128xf32, #tpu.memory_space<vmem>>)
        "tpu.region"() ({
          %run_scoped3A = tpu.sem_alloc : memref<!tpu.dma_semaphore, #tpu.memory_space<semaphore_mem>>
          %dma_start3A_627 = arith.constant 0 : i32
          %dma_start3A_628 = tpu.memref_slice %arg33[%dma_start3A_627] : memref<384xf32, #tpu.memory_space<vmem>> -> memref<384xf32, #tpu.memory_space<vmem>>
          %dma_start3A_629 = tpu.memref_slice %arg18[%add3A_129] : memref<4096xf32, #tpu.memory_space<hbm>> -> memref<384xf32, #tpu.memory_space<hbm>>
          %dma_start3A_630 = tpu.memref_slice %arg18[%add3A_129] : memref<4096xf32, #tpu.memory_space<hbm>> -> memref<384xf32, #tpu.memory_space<hbm>>
          %dma_start3A_631 = arith.constant 0 : i32
          %dma_start3A_632 = tpu.memref_slice %arg33[%dma_start3A_631] : memref<384xf32, #tpu.memory_space<vmem>> -> memref<384xf32, #tpu.memory_space<vmem>>
          tpu.enqueue_dma source(%dma_start3A_632 : memref<384xf32, #tpu.memory_space<vmem>>) target(%dma_start3A_630 : memref<384xf32, #tpu.memory_space<hbm>>) target_semaphore(%run_scoped3A : memref<!tpu.dma_semaphore, #tpu.memory_space<semaphore_mem>>)
          %dma_wait3A_633 = arith.constant 0 : i32
          %dma_wait3A_634 = tpu.memref_slice %arg33[%dma_wait3A_633] : memref<384xf32, #tpu.memory_space<vmem>> -> memref<384xf32, #tpu.memory_space<vmem>>
          %dma_wait3A_635 = tpu.memref_slice %arg18[%add3A_129] : memref<4096xf32, #tpu.memory_space<hbm>> -> memref<384xf32, #tpu.memory_space<hbm>>
          %dma_wait3A_636 = tpu.memref_slice %arg18[%add3A_129] : memref<4096xf32, #tpu.memory_space<hbm>> -> memref<384xf32, #tpu.memory_space<hbm>>
          %dma_wait3A_637 = arith.constant 0 : i32
          %dma_wait3A_638 = tpu.memref_slice %arg33[%dma_wait3A_637] : memref<384xf32, #tpu.memory_space<vmem>> -> memref<384xf32, #tpu.memory_space<vmem>>
          tpu.wait_dma2 semaphore(%run_scoped3A : memref<!tpu.dma_semaphore, #tpu.memory_space<semaphore_mem>>) src(%dma_wait3A_638 : memref<384xf32, #tpu.memory_space<vmem>>) dst(%dma_wait3A_636 : memref<384xf32, #tpu.memory_space<hbm>>)
          tpu.yield
        }) : () -> ()
        %dma_start3A_483 = arith.constant 0 : i32
        %dma_start3A_484 = arith.constant 0 : i32
        %dma_start3A_485 = tpu.memref_slice %arg33[%dma_start3A_484] : memref<384xf32, #tpu.memory_space<vmem>> -> memref<128xf32, #tpu.memory_space<vmem>>
        %dma_start3A_486 = arith.constant 0 : i32
        %dma_start3A_487 = tpu.memref_slice %arg32[%dma_start3A_483, %dma_start3A_486] : memref<3x128xi32, #tpu.memory_space<vmem>> -> memref<1x128xi32, #tpu.memory_space<vmem>>
        %dma_start3A_488 = tpu.memref_squeeze %dma_start3A_487 : memref<1x128xi32, #tpu.memory_space<vmem>> -> memref<128xi32, #tpu.memory_space<vmem>>
        %dma_start3A_489 = arith.constant 0 : i32
        %dma_start3A_490 = tpu.memref_slice %arg10[%dma_start3A_489] : memref<800xf32, #tpu.memory_space<hbm>> -> memref<800xf32, #tpu.memory_space<hbm>>
        tpu.enqueue_indirect_dma source(%dma_start3A_490 : memref<800xf32, #tpu.memory_space<hbm>>) target(%dma_start3A_485 : memref<128xf32, #tpu.memory_space<vmem>>) offsets(%dma_start3A_488 : memref<128xi32, #tpu.memory_space<vmem>>) semaphore(%arg36 : memref<!tpu.dma_semaphore, #tpu.memory_space<semaphore_mem>>)
        %dma_wait3A_491 = arith.constant 0 : i32
        %dma_wait3A_492 = arith.constant 0 : i32
        %dma_wait3A_493 = tpu.memref_slice %arg33[%dma_wait3A_492] : memref<384xf32, #tpu.memory_space<vmem>> -> memref<128xf32, #tpu.memory_space<vmem>>
        %dma_wait3A_494 = arith.constant 0 : i32
        %dma_wait3A_495 = tpu.memref_slice %arg32[%dma_wait3A_491, %dma_wait3A_494] : memref<3x128xi32, #tpu.memory_space<vmem>> -> memref<1x128xi32, #tpu.memory_space<vmem>>
        %dma_wait3A_496 = tpu.memref_squeeze %dma_wait3A_495 : memref<1x128xi32, #tpu.memory_space<vmem>> -> memref<128xi32, #tpu.memory_space<vmem>>
        %dma_wait3A_497 = arith.constant 0 : i32
        %dma_wait3A_498 = tpu.memref_slice %arg10[%dma_wait3A_497] : memref<800xf32, #tpu.memory_space<hbm>> -> memref<800xf32, #tpu.memory_space<hbm>>
        tpu.wait_indirect_dma semaphore(%arg36 : memref<!tpu.dma_semaphore, #tpu.memory_space<semaphore_mem>>) src(%dma_wait3A_498 : memref<800xf32, #tpu.memory_space<hbm>>) dst(%dma_wait3A_493 : memref<128xf32, #tpu.memory_space<vmem>>)
        %dma_start3A_499 = arith.constant 1 : i32
        %dma_start3A_500 = arith.constant 128 : i32
        %dma_start3A_501 = tpu.memref_slice %arg33[%dma_start3A_500] : memref<384xf32, #tpu.memory_space<vmem>> -> memref<128xf32, #tpu.memory_space<vmem>>
        %dma_start3A_502 = arith.constant 0 : i32
        %dma_start3A_503 = tpu.memref_slice %arg32[%dma_start3A_499, %dma_start3A_502] : memref<3x128xi32, #tpu.memory_space<vmem>> -> memref<1x128xi32, #tpu.memory_space<vmem>>
        %dma_start3A_504 = tpu.memref_squeeze %dma_start3A_503 : memref<1x128xi32, #tpu.memory_space<vmem>> -> memref<128xi32, #tpu.memory_space<vmem>>
        %dma_start3A_505 = arith.constant 0 : i32
        %dma_start3A_506 = tpu.memref_slice %arg10[%dma_start3A_505] : memref<800xf32, #tpu.memory_space<hbm>> -> memref<800xf32, #tpu.memory_space<hbm>>
        tpu.enqueue_indirect_dma source(%dma_start3A_506 : memref<800xf32, #tpu.memory_space<hbm>>) target(%dma_start3A_501 : memref<128xf32, #tpu.memory_space<vmem>>) offsets(%dma_start3A_504 : memref<128xi32, #tpu.memory_space<vmem>>) semaphore(%arg36 : memref<!tpu.dma_semaphore, #tpu.memory_space<semaphore_mem>>)
        %dma_wait3A_507 = arith.constant 1 : i32
        %dma_wait3A_508 = arith.constant 128 : i32
        %dma_wait3A_509 = tpu.memref_slice %arg33[%dma_wait3A_508] : memref<384xf32, #tpu.memory_space<vmem>> -> memref<128xf32, #tpu.memory_space<vmem>>
        %dma_wait3A_510 = arith.constant 0 : i32
        %dma_wait3A_511 = tpu.memref_slice %arg32[%dma_wait3A_507, %dma_wait3A_510] : memref<3x128xi32, #tpu.memory_space<vmem>> -> memref<1x128xi32, #tpu.memory_space<vmem>>
        %dma_wait3A_512 = tpu.memref_squeeze %dma_wait3A_511 : memref<1x128xi32, #tpu.memory_space<vmem>> -> memref<128xi32, #tpu.memory_space<vmem>>
        %dma_wait3A_513 = arith.constant 0 : i32
        %dma_wait3A_514 = tpu.memref_slice %arg10[%dma_wait3A_513] : memref<800xf32, #tpu.memory_space<hbm>> -> memref<800xf32, #tpu.memory_space<hbm>>
        tpu.wait_indirect_dma semaphore(%arg36 : memref<!tpu.dma_semaphore, #tpu.memory_space<semaphore_mem>>) src(%dma_wait3A_514 : memref<800xf32, #tpu.memory_space<hbm>>) dst(%dma_wait3A_509 : memref<128xf32, #tpu.memory_space<vmem>>)
        %dma_start3A_515 = arith.constant 2 : i32
        %dma_start3A_516 = arith.constant 256 : i32
        %dma_start3A_517 = tpu.memref_slice %arg33[%dma_start3A_516] : memref<384xf32, #tpu.memory_space<vmem>> -> memref<128xf32, #tpu.memory_space<vmem>>
        %dma_start3A_518 = arith.constant 0 : i32
        %dma_start3A_519 = tpu.memref_slice %arg32[%dma_start3A_515, %dma_start3A_518] : memref<3x128xi32, #tpu.memory_space<vmem>> -> memref<1x128xi32, #tpu.memory_space<vmem>>
        %dma_start3A_520 = tpu.memref_squeeze %dma_start3A_519 : memref<1x128xi32, #tpu.memory_space<vmem>> -> memref<128xi32, #tpu.memory_space<vmem>>
        %dma_start3A_521 = arith.constant 0 : i32
        %dma_start3A_522 = tpu.memref_slice %arg10[%dma_start3A_521] : memref<800xf32, #tpu.memory_space<hbm>> -> memref<800xf32, #tpu.memory_space<hbm>>
        tpu.enqueue_indirect_dma source(%dma_start3A_522 : memref<800xf32, #tpu.memory_space<hbm>>) target(%dma_start3A_517 : memref<128xf32, #tpu.memory_space<vmem>>) offsets(%dma_start3A_520 : memref<128xi32, #tpu.memory_space<vmem>>) semaphore(%arg36 : memref<!tpu.dma_semaphore, #tpu.memory_space<semaphore_mem>>)
        %dma_wait3A_523 = arith.constant 2 : i32
        %dma_wait3A_524 = arith.constant 256 : i32
        %dma_wait3A_525 = tpu.memref_slice %arg33[%dma_wait3A_524] : memref<384xf32, #tpu.memory_space<vmem>> -> memref<128xf32, #tpu.memory_space<vmem>>
        %dma_wait3A_526 = arith.constant 0 : i32
        %dma_wait3A_527 = tpu.memref_slice %arg32[%dma_wait3A_523, %dma_wait3A_526] : memref<3x128xi32, #tpu.memory_space<vmem>> -> memref<1x128xi32, #tpu.memory_space<vmem>>
        %dma_wait3A_528 = tpu.memref_squeeze %dma_wait3A_527 : memref<1x128xi32, #tpu.memory_space<vmem>> -> memref<128xi32, #tpu.memory_space<vmem>>
        %dma_wait3A_529 = arith.constant 0 : i32
        %dma_wait3A_530 = tpu.memref_slice %arg10[%dma_wait3A_529] : memref<800xf32, #tpu.memory_space<hbm>> -> memref<800xf32, #tpu.memory_space<hbm>>
        tpu.wait_indirect_dma semaphore(%arg36 : memref<!tpu.dma_semaphore, #tpu.memory_space<semaphore_mem>>) src(%dma_wait3A_530 : memref<800xf32, #tpu.memory_space<hbm>>) dst(%dma_wait3A_525 : memref<128xf32, #tpu.memory_space<vmem>>)
        "tpu.region"() ({
          %run_scoped3A = tpu.sem_alloc : memref<!tpu.dma_semaphore, #tpu.memory_space<semaphore_mem>>
          %dma_start3A_627 = arith.constant 0 : i32
          %dma_start3A_628 = tpu.memref_slice %arg33[%dma_start3A_627] : memref<384xf32, #tpu.memory_space<vmem>> -> memref<384xf32, #tpu.memory_space<vmem>>
          %dma_start3A_629 = tpu.memref_slice %arg19[%add3A_129] : memref<4096xf32, #tpu.memory_space<hbm>> -> memref<384xf32, #tpu.memory_space<hbm>>
          %dma_start3A_630 = tpu.memref_slice %arg19[%add3A_129] : memref<4096xf32, #tpu.memory_space<hbm>> -> memref<384xf32, #tpu.memory_space<hbm>>
          %dma_start3A_631 = arith.constant 0 : i32
          %dma_start3A_632 = tpu.memref_slice %arg33[%dma_start3A_631] : memref<384xf32, #tpu.memory_space<vmem>> -> memref<384xf32, #tpu.memory_space<vmem>>
          tpu.enqueue_dma source(%dma_start3A_632 : memref<384xf32, #tpu.memory_space<vmem>>) target(%dma_start3A_630 : memref<384xf32, #tpu.memory_space<hbm>>) target_semaphore(%run_scoped3A : memref<!tpu.dma_semaphore, #tpu.memory_space<semaphore_mem>>)
          %dma_wait3A_633 = arith.constant 0 : i32
          %dma_wait3A_634 = tpu.memref_slice %arg33[%dma_wait3A_633] : memref<384xf32, #tpu.memory_space<vmem>> -> memref<384xf32, #tpu.memory_space<vmem>>
          %dma_wait3A_635 = tpu.memref_slice %arg19[%add3A_129] : memref<4096xf32, #tpu.memory_space<hbm>> -> memref<384xf32, #tpu.memory_space<hbm>>
          %dma_wait3A_636 = tpu.memref_slice %arg19[%add3A_129] : memref<4096xf32, #tpu.memory_space<hbm>> -> memref<384xf32, #tpu.memory_space<hbm>>
          %dma_wait3A_637 = arith.constant 0 : i32
          %dma_wait3A_638 = tpu.memref_slice %arg33[%dma_wait3A_637] : memref<384xf32, #tpu.memory_space<vmem>> -> memref<384xf32, #tpu.memory_space<vmem>>
          tpu.wait_dma2 semaphore(%run_scoped3A : memref<!tpu.dma_semaphore, #tpu.memory_space<semaphore_mem>>) src(%dma_wait3A_638 : memref<384xf32, #tpu.memory_space<vmem>>) dst(%dma_wait3A_636 : memref<384xf32, #tpu.memory_space<hbm>>)
          tpu.yield
        }) : () -> ()
        %dma_start3A_531 = arith.constant 0 : i32
        %dma_start3A_532 = arith.constant 0 : i32
        %dma_start3A_533 = tpu.memref_slice %arg33[%dma_start3A_532] : memref<384xf32, #tpu.memory_space<vmem>> -> memref<128xf32, #tpu.memory_space<vmem>>
        %dma_start3A_534 = arith.constant 0 : i32
        %dma_start3A_535 = tpu.memref_slice %arg32[%dma_start3A_531, %dma_start3A_534] : memref<3x128xi32, #tpu.memory_space<vmem>> -> memref<1x128xi32, #tpu.memory_space<vmem>>
        %dma_start3A_536 = tpu.memref_squeeze %dma_start3A_535 : memref<1x128xi32, #tpu.memory_space<vmem>> -> memref<128xi32, #tpu.memory_space<vmem>>
        %dma_start3A_537 = arith.constant 0 : i32
        %dma_start3A_538 = tpu.memref_slice %arg11[%dma_start3A_537] : memref<800xf32, #tpu.memory_space<hbm>> -> memref<800xf32, #tpu.memory_space<hbm>>
        tpu.enqueue_indirect_dma source(%dma_start3A_538 : memref<800xf32, #tpu.memory_space<hbm>>) target(%dma_start3A_533 : memref<128xf32, #tpu.memory_space<vmem>>) offsets(%dma_start3A_536 : memref<128xi32, #tpu.memory_space<vmem>>) semaphore(%arg36 : memref<!tpu.dma_semaphore, #tpu.memory_space<semaphore_mem>>)
        %dma_wait3A_539 = arith.constant 0 : i32
        %dma_wait3A_540 = arith.constant 0 : i32
        %dma_wait3A_541 = tpu.memref_slice %arg33[%dma_wait3A_540] : memref<384xf32, #tpu.memory_space<vmem>> -> memref<128xf32, #tpu.memory_space<vmem>>
        %dma_wait3A_542 = arith.constant 0 : i32
        %dma_wait3A_543 = tpu.memref_slice %arg32[%dma_wait3A_539, %dma_wait3A_542] : memref<3x128xi32, #tpu.memory_space<vmem>> -> memref<1x128xi32, #tpu.memory_space<vmem>>
        %dma_wait3A_544 = tpu.memref_squeeze %dma_wait3A_543 : memref<1x128xi32, #tpu.memory_space<vmem>> -> memref<128xi32, #tpu.memory_space<vmem>>
        %dma_wait3A_545 = arith.constant 0 : i32
        %dma_wait3A_546 = tpu.memref_slice %arg11[%dma_wait3A_545] : memref<800xf32, #tpu.memory_space<hbm>> -> memref<800xf32, #tpu.memory_space<hbm>>
        tpu.wait_indirect_dma semaphore(%arg36 : memref<!tpu.dma_semaphore, #tpu.memory_space<semaphore_mem>>) src(%dma_wait3A_546 : memref<800xf32, #tpu.memory_space<hbm>>) dst(%dma_wait3A_541 : memref<128xf32, #tpu.memory_space<vmem>>)
        %dma_start3A_547 = arith.constant 1 : i32
        %dma_start3A_548 = arith.constant 128 : i32
        %dma_start3A_549 = tpu.memref_slice %arg33[%dma_start3A_548] : memref<384xf32, #tpu.memory_space<vmem>> -> memref<128xf32, #tpu.memory_space<vmem>>
        %dma_start3A_550 = arith.constant 0 : i32
        %dma_start3A_551 = tpu.memref_slice %arg32[%dma_start3A_547, %dma_start3A_550] : memref<3x128xi32, #tpu.memory_space<vmem>> -> memref<1x128xi32, #tpu.memory_space<vmem>>
        %dma_start3A_552 = tpu.memref_squeeze %dma_start3A_551 : memref<1x128xi32, #tpu.memory_space<vmem>> -> memref<128xi32, #tpu.memory_space<vmem>>
        %dma_start3A_553 = arith.constant 0 : i32
        %dma_start3A_554 = tpu.memref_slice %arg11[%dma_start3A_553] : memref<800xf32, #tpu.memory_space<hbm>> -> memref<800xf32, #tpu.memory_space<hbm>>
        tpu.enqueue_indirect_dma source(%dma_start3A_554 : memref<800xf32, #tpu.memory_space<hbm>>) target(%dma_start3A_549 : memref<128xf32, #tpu.memory_space<vmem>>) offsets(%dma_start3A_552 : memref<128xi32, #tpu.memory_space<vmem>>) semaphore(%arg36 : memref<!tpu.dma_semaphore, #tpu.memory_space<semaphore_mem>>)
        %dma_wait3A_555 = arith.constant 1 : i32
        %dma_wait3A_556 = arith.constant 128 : i32
        %dma_wait3A_557 = tpu.memref_slice %arg33[%dma_wait3A_556] : memref<384xf32, #tpu.memory_space<vmem>> -> memref<128xf32, #tpu.memory_space<vmem>>
        %dma_wait3A_558 = arith.constant 0 : i32
        %dma_wait3A_559 = tpu.memref_slice %arg32[%dma_wait3A_555, %dma_wait3A_558] : memref<3x128xi32, #tpu.memory_space<vmem>> -> memref<1x128xi32, #tpu.memory_space<vmem>>
        %dma_wait3A_560 = tpu.memref_squeeze %dma_wait3A_559 : memref<1x128xi32, #tpu.memory_space<vmem>> -> memref<128xi32, #tpu.memory_space<vmem>>
        %dma_wait3A_561 = arith.constant 0 : i32
        %dma_wait3A_562 = tpu.memref_slice %arg11[%dma_wait3A_561] : memref<800xf32, #tpu.memory_space<hbm>> -> memref<800xf32, #tpu.memory_space<hbm>>
        tpu.wait_indirect_dma semaphore(%arg36 : memref<!tpu.dma_semaphore, #tpu.memory_space<semaphore_mem>>) src(%dma_wait3A_562 : memref<800xf32, #tpu.memory_space<hbm>>) dst(%dma_wait3A_557 : memref<128xf32, #tpu.memory_space<vmem>>)
        %dma_start3A_563 = arith.constant 2 : i32
        %dma_start3A_564 = arith.constant 256 : i32
        %dma_start3A_565 = tpu.memref_slice %arg33[%dma_start3A_564] : memref<384xf32, #tpu.memory_space<vmem>> -> memref<128xf32, #tpu.memory_space<vmem>>
        %dma_start3A_566 = arith.constant 0 : i32
        %dma_start3A_567 = tpu.memref_slice %arg32[%dma_start3A_563, %dma_start3A_566] : memref<3x128xi32, #tpu.memory_space<vmem>> -> memref<1x128xi32, #tpu.memory_space<vmem>>
        %dma_start3A_568 = tpu.memref_squeeze %dma_start3A_567 : memref<1x128xi32, #tpu.memory_space<vmem>> -> memref<128xi32, #tpu.memory_space<vmem>>
        %dma_start3A_569 = arith.constant 0 : i32
        %dma_start3A_570 = tpu.memref_slice %arg11[%dma_start3A_569] : memref<800xf32, #tpu.memory_space<hbm>> -> memref<800xf32, #tpu.memory_space<hbm>>
        tpu.enqueue_indirect_dma source(%dma_start3A_570 : memref<800xf32, #tpu.memory_space<hbm>>) target(%dma_start3A_565 : memref<128xf32, #tpu.memory_space<vmem>>) offsets(%dma_start3A_568 : memref<128xi32, #tpu.memory_space<vmem>>) semaphore(%arg36 : memref<!tpu.dma_semaphore, #tpu.memory_space<semaphore_mem>>)
        %dma_wait3A_571 = arith.constant 2 : i32
        %dma_wait3A_572 = arith.constant 256 : i32
        %dma_wait3A_573 = tpu.memref_slice %arg33[%dma_wait3A_572] : memref<384xf32, #tpu.memory_space<vmem>> -> memref<128xf32, #tpu.memory_space<vmem>>
        %dma_wait3A_574 = arith.constant 0 : i32
        %dma_wait3A_575 = tpu.memref_slice %arg32[%dma_wait3A_571, %dma_wait3A_574] : memref<3x128xi32, #tpu.memory_space<vmem>> -> memref<1x128xi32, #tpu.memory_space<vmem>>
        %dma_wait3A_576 = tpu.memref_squeeze %dma_wait3A_575 : memref<1x128xi32, #tpu.memory_space<vmem>> -> memref<128xi32, #tpu.memory_space<vmem>>
        %dma_wait3A_577 = arith.constant 0 : i32
        %dma_wait3A_578 = tpu.memref_slice %arg11[%dma_wait3A_577] : memref<800xf32, #tpu.memory_space<hbm>> -> memref<800xf32, #tpu.memory_space<hbm>>
        tpu.wait_indirect_dma semaphore(%arg36 : memref<!tpu.dma_semaphore, #tpu.memory_space<semaphore_mem>>) src(%dma_wait3A_578 : memref<800xf32, #tpu.memory_space<hbm>>) dst(%dma_wait3A_573 : memref<128xf32, #tpu.memory_space<vmem>>)
        "tpu.region"() ({
          %run_scoped3A = tpu.sem_alloc : memref<!tpu.dma_semaphore, #tpu.memory_space<semaphore_mem>>
          %dma_start3A_627 = arith.constant 0 : i32
          %dma_start3A_628 = tpu.memref_slice %arg33[%dma_start3A_627] : memref<384xf32, #tpu.memory_space<vmem>> -> memref<384xf32, #tpu.memory_space<vmem>>
          %dma_start3A_629 = tpu.memref_slice %arg20[%add3A_129] : memref<4096xf32, #tpu.memory_space<hbm>> -> memref<384xf32, #tpu.memory_space<hbm>>
          %dma_start3A_630 = tpu.memref_slice %arg20[%add3A_129] : memref<4096xf32, #tpu.memory_space<hbm>> -> memref<384xf32, #tpu.memory_space<hbm>>
          %dma_start3A_631 = arith.constant 0 : i32
          %dma_start3A_632 = tpu.memref_slice %arg33[%dma_start3A_631] : memref<384xf32, #tpu.memory_space<vmem>> -> memref<384xf32, #tpu.memory_space<vmem>>
          tpu.enqueue_dma source(%dma_start3A_632 : memref<384xf32, #tpu.memory_space<vmem>>) target(%dma_start3A_630 : memref<384xf32, #tpu.memory_space<hbm>>) target_semaphore(%run_scoped3A : memref<!tpu.dma_semaphore, #tpu.memory_space<semaphore_mem>>)
          %dma_wait3A_633 = arith.constant 0 : i32
          %dma_wait3A_634 = tpu.memref_slice %arg33[%dma_wait3A_633] : memref<384xf32, #tpu.memory_space<vmem>> -> memref<384xf32, #tpu.memory_space<vmem>>
          %dma_wait3A_635 = tpu.memref_slice %arg20[%add3A_129] : memref<4096xf32, #tpu.memory_space<hbm>> -> memref<384xf32, #tpu.memory_space<hbm>>
          %dma_wait3A_636 = tpu.memref_slice %arg20[%add3A_129] : memref<4096xf32, #tpu.memory_space<hbm>> -> memref<384xf32, #tpu.memory_space<hbm>>
          %dma_wait3A_637 = arith.constant 0 : i32
          %dma_wait3A_638 = tpu.memref_slice %arg33[%dma_wait3A_637] : memref<384xf32, #tpu.memory_space<vmem>> -> memref<384xf32, #tpu.memory_space<vmem>>
          tpu.wait_dma2 semaphore(%run_scoped3A : memref<!tpu.dma_semaphore, #tpu.memory_space<semaphore_mem>>) src(%dma_wait3A_638 : memref<384xf32, #tpu.memory_space<vmem>>) dst(%dma_wait3A_636 : memref<384xf32, #tpu.memory_space<hbm>>)
          tpu.yield
        }) : () -> ()
        %dma_start3A_579 = arith.constant 0 : i32
        %dma_start3A_580 = arith.constant 0 : i32
        %dma_start3A_581 = tpu.memref_slice %arg34[%dma_start3A_580] : memref<384xi32, #tpu.memory_space<vmem>> -> memref<128xi32, #tpu.memory_space<vmem>>
        %dma_start3A_582 = arith.constant 0 : i32
        %dma_start3A_583 = tpu.memref_slice %arg32[%dma_start3A_579, %dma_start3A_582] : memref<3x128xi32, #tpu.memory_space<vmem>> -> memref<1x128xi32, #tpu.memory_space<vmem>>
        %dma_start3A_584 = tpu.memref_squeeze %dma_start3A_583 : memref<1x128xi32, #tpu.memory_space<vmem>> -> memref<128xi32, #tpu.memory_space<vmem>>
        %dma_start3A_585 = arith.constant 0 : i32
        %dma_start3A_586 = tpu.memref_slice %arg12[%dma_start3A_585] : memref<800xi32, #tpu.memory_space<hbm>> -> memref<800xi32, #tpu.memory_space<hbm>>
        tpu.enqueue_indirect_dma source(%dma_start3A_586 : memref<800xi32, #tpu.memory_space<hbm>>) target(%dma_start3A_581 : memref<128xi32, #tpu.memory_space<vmem>>) offsets(%dma_start3A_584 : memref<128xi32, #tpu.memory_space<vmem>>) semaphore(%arg36 : memref<!tpu.dma_semaphore, #tpu.memory_space<semaphore_mem>>)
        %dma_wait3A_587 = arith.constant 0 : i32
        %dma_wait3A_588 = arith.constant 0 : i32
        %dma_wait3A_589 = tpu.memref_slice %arg34[%dma_wait3A_588] : memref<384xi32, #tpu.memory_space<vmem>> -> memref<128xi32, #tpu.memory_space<vmem>>
        %dma_wait3A_590 = arith.constant 0 : i32
        %dma_wait3A_591 = tpu.memref_slice %arg32[%dma_wait3A_587, %dma_wait3A_590] : memref<3x128xi32, #tpu.memory_space<vmem>> -> memref<1x128xi32, #tpu.memory_space<vmem>>
        %dma_wait3A_592 = tpu.memref_squeeze %dma_wait3A_591 : memref<1x128xi32, #tpu.memory_space<vmem>> -> memref<128xi32, #tpu.memory_space<vmem>>
        %dma_wait3A_593 = arith.constant 0 : i32
        %dma_wait3A_594 = tpu.memref_slice %arg12[%dma_wait3A_593] : memref<800xi32, #tpu.memory_space<hbm>> -> memref<800xi32, #tpu.memory_space<hbm>>
        tpu.wait_indirect_dma semaphore(%arg36 : memref<!tpu.dma_semaphore, #tpu.memory_space<semaphore_mem>>) src(%dma_wait3A_594 : memref<800xi32, #tpu.memory_space<hbm>>) dst(%dma_wait3A_589 : memref<128xi32, #tpu.memory_space<vmem>>)
        %dma_start3A_595 = arith.constant 1 : i32
        %dma_start3A_596 = arith.constant 128 : i32
        %dma_start3A_597 = tpu.memref_slice %arg34[%dma_start3A_596] : memref<384xi32, #tpu.memory_space<vmem>> -> memref<128xi32, #tpu.memory_space<vmem>>
        %dma_start3A_598 = arith.constant 0 : i32
        %dma_start3A_599 = tpu.memref_slice %arg32[%dma_start3A_595, %dma_start3A_598] : memref<3x128xi32, #tpu.memory_space<vmem>> -> memref<1x128xi32, #tpu.memory_space<vmem>>
        %dma_start3A_600 = tpu.memref_squeeze %dma_start3A_599 : memref<1x128xi32, #tpu.memory_space<vmem>> -> memref<128xi32, #tpu.memory_space<vmem>>
        %dma_start3A_601 = arith.constant 0 : i32
        %dma_start3A_602 = tpu.memref_slice %arg12[%dma_start3A_601] : memref<800xi32, #tpu.memory_space<hbm>> -> memref<800xi32, #tpu.memory_space<hbm>>
        tpu.enqueue_indirect_dma source(%dma_start3A_602 : memref<800xi32, #tpu.memory_space<hbm>>) target(%dma_start3A_597 : memref<128xi32, #tpu.memory_space<vmem>>) offsets(%dma_start3A_600 : memref<128xi32, #tpu.memory_space<vmem>>) semaphore(%arg36 : memref<!tpu.dma_semaphore, #tpu.memory_space<semaphore_mem>>)
        %dma_wait3A_603 = arith.constant 1 : i32
        %dma_wait3A_604 = arith.constant 128 : i32
        %dma_wait3A_605 = tpu.memref_slice %arg34[%dma_wait3A_604] : memref<384xi32, #tpu.memory_space<vmem>> -> memref<128xi32, #tpu.memory_space<vmem>>
        %dma_wait3A_606 = arith.constant 0 : i32
        %dma_wait3A_607 = tpu.memref_slice %arg32[%dma_wait3A_603, %dma_wait3A_606] : memref<3x128xi32, #tpu.memory_space<vmem>> -> memref<1x128xi32, #tpu.memory_space<vmem>>
        %dma_wait3A_608 = tpu.memref_squeeze %dma_wait3A_607 : memref<1x128xi32, #tpu.memory_space<vmem>> -> memref<128xi32, #tpu.memory_space<vmem>>
        %dma_wait3A_609 = arith.constant 0 : i32
        %dma_wait3A_610 = tpu.memref_slice %arg12[%dma_wait3A_609] : memref<800xi32, #tpu.memory_space<hbm>> -> memref<800xi32, #tpu.memory_space<hbm>>
        tpu.wait_indirect_dma semaphore(%arg36 : memref<!tpu.dma_semaphore, #tpu.memory_space<semaphore_mem>>) src(%dma_wait3A_610 : memref<800xi32, #tpu.memory_space<hbm>>) dst(%dma_wait3A_605 : memref<128xi32, #tpu.memory_space<vmem>>)
        %dma_start3A_611 = arith.constant 2 : i32
        %dma_start3A_612 = arith.constant 256 : i32
        %dma_start3A_613 = tpu.memref_slice %arg34[%dma_start3A_612] : memref<384xi32, #tpu.memory_space<vmem>> -> memref<128xi32, #tpu.memory_space<vmem>>
        %dma_start3A_614 = arith.constant 0 : i32
        %dma_start3A_615 = tpu.memref_slice %arg32[%dma_start3A_611, %dma_start3A_614] : memref<3x128xi32, #tpu.memory_space<vmem>> -> memref<1x128xi32, #tpu.memory_space<vmem>>
        %dma_start3A_616 = tpu.memref_squeeze %dma_start3A_615 : memref<1x128xi32, #tpu.memory_space<vmem>> -> memref<128xi32, #tpu.memory_space<vmem>>
        %dma_start3A_617 = arith.constant 0 : i32
        %dma_start3A_618 = tpu.memref_slice %arg12[%dma_start3A_617] : memref<800xi32, #tpu.memory_space<hbm>> -> memref<800xi32, #tpu.memory_space<hbm>>
        tpu.enqueue_indirect_dma source(%dma_start3A_618 : memref<800xi32, #tpu.memory_space<hbm>>) target(%dma_start3A_613 : memref<128xi32, #tpu.memory_space<vmem>>) offsets(%dma_start3A_616 : memref<128xi32, #tpu.memory_space<vmem>>) semaphore(%arg36 : memref<!tpu.dma_semaphore, #tpu.memory_space<semaphore_mem>>)
        %dma_wait3A_619 = arith.constant 2 : i32
        %dma_wait3A_620 = arith.constant 256 : i32
        %dma_wait3A_621 = tpu.memref_slice %arg34[%dma_wait3A_620] : memref<384xi32, #tpu.memory_space<vmem>> -> memref<128xi32, #tpu.memory_space<vmem>>
        %dma_wait3A_622 = arith.constant 0 : i32
        %dma_wait3A_623 = tpu.memref_slice %arg32[%dma_wait3A_619, %dma_wait3A_622] : memref<3x128xi32, #tpu.memory_space<vmem>> -> memref<1x128xi32, #tpu.memory_space<vmem>>
        %dma_wait3A_624 = tpu.memref_squeeze %dma_wait3A_623 : memref<1x128xi32, #tpu.memory_space<vmem>> -> memref<128xi32, #tpu.memory_space<vmem>>
        %dma_wait3A_625 = arith.constant 0 : i32
        %dma_wait3A_626 = tpu.memref_slice %arg12[%dma_wait3A_625] : memref<800xi32, #tpu.memory_space<hbm>> -> memref<800xi32, #tpu.memory_space<hbm>>
        tpu.wait_indirect_dma semaphore(%arg36 : memref<!tpu.dma_semaphore, #tpu.memory_space<semaphore_mem>>) src(%dma_wait3A_626 : memref<800xi32, #tpu.memory_space<hbm>>) dst(%dma_wait3A_621 : memref<128xi32, #tpu.memory_space<vmem>>)
        "tpu.region"() ({
          %run_scoped3A = tpu.sem_alloc : memref<!tpu.dma_semaphore, #tpu.memory_space<semaphore_mem>>
          %dma_start3A_627 = arith.constant 0 : i32
          %dma_start3A_628 = tpu.memref_slice %arg34[%dma_start3A_627] : memref<384xi32, #tpu.memory_space<vmem>> -> memref<384xi32, #tpu.memory_space<vmem>>
          %dma_start3A_629 = tpu.memref_slice %arg21[%add3A_129] : memref<4096xi32, #tpu.memory_space<hbm>> -> memref<384xi32, #tpu.memory_space<hbm>>
          %dma_start3A_630 = tpu.memref_slice %arg21[%add3A_129] : memref<4096xi32, #tpu.memory_space<hbm>> -> memref<384xi32, #tpu.memory_space<hbm>>
          %dma_start3A_631 = arith.constant 0 : i32
          %dma_start3A_632 = tpu.memref_slice %arg34[%dma_start3A_631] : memref<384xi32, #tpu.memory_space<vmem>> -> memref<384xi32, #tpu.memory_space<vmem>>
          tpu.enqueue_dma source(%dma_start3A_632 : memref<384xi32, #tpu.memory_space<vmem>>) target(%dma_start3A_630 : memref<384xi32, #tpu.memory_space<hbm>>) target_semaphore(%run_scoped3A : memref<!tpu.dma_semaphore, #tpu.memory_space<semaphore_mem>>)
          %dma_wait3A_633 = arith.constant 0 : i32
          %dma_wait3A_634 = tpu.memref_slice %arg34[%dma_wait3A_633] : memref<384xi32, #tpu.memory_space<vmem>> -> memref<384xi32, #tpu.memory_space<vmem>>
          %dma_wait3A_635 = tpu.memref_slice %arg21[%add3A_129] : memref<4096xi32, #tpu.memory_space<hbm>> -> memref<384xi32, #tpu.memory_space<hbm>>
          %dma_wait3A_636 = tpu.memref_slice %arg21[%add3A_129] : memref<4096xi32, #tpu.memory_space<hbm>> -> memref<384xi32, #tpu.memory_space<hbm>>
          %dma_wait3A_637 = arith.constant 0 : i32
          %dma_wait3A_638 = tpu.memref_slice %arg34[%dma_wait3A_637] : memref<384xi32, #tpu.memory_space<vmem>> -> memref<384xi32, #tpu.memory_space<vmem>>
          tpu.wait_dma2 semaphore(%run_scoped3A : memref<!tpu.dma_semaphore, #tpu.memory_space<semaphore_mem>>) src(%dma_wait3A_638 : memref<384xi32, #tpu.memory_space<vmem>>) dst(%dma_wait3A_636 : memref<384xi32, #tpu.memory_space<hbm>>)
          tpu.yield
        }) : () -> ()
        "tpu.region"() ({
          %run_scoped3A = tpu.sem_alloc : memref<!tpu.dma_semaphore, #tpu.memory_space<semaphore_mem>>
          %dma_start3A_627 = arith.constant 0 : i32
          %dma_start3A_628 = tpu.memref_slice %arg35[%dma_start3A_627] : memref<384xi32, #tpu.memory_space<vmem>> -> memref<384xi32, #tpu.memory_space<vmem>>
          %dma_start3A_629 = tpu.memref_slice %arg22[%add3A_129] : memref<4096xi32, #tpu.memory_space<hbm>> -> memref<384xi32, #tpu.memory_space<hbm>>
          %dma_start3A_630 = tpu.memref_slice %arg22[%add3A_129] : memref<4096xi32, #tpu.memory_space<hbm>> -> memref<384xi32, #tpu.memory_space<hbm>>
          %dma_start3A_631 = arith.constant 0 : i32
          %dma_start3A_632 = tpu.memref_slice %arg35[%dma_start3A_631] : memref<384xi32, #tpu.memory_space<vmem>> -> memref<384xi32, #tpu.memory_space<vmem>>
          tpu.enqueue_dma source(%dma_start3A_632 : memref<384xi32, #tpu.memory_space<vmem>>) target(%dma_start3A_630 : memref<384xi32, #tpu.memory_space<hbm>>) target_semaphore(%run_scoped3A : memref<!tpu.dma_semaphore, #tpu.memory_space<semaphore_mem>>)
          %dma_wait3A_633 = arith.constant 0 : i32
          %dma_wait3A_634 = tpu.memref_slice %arg35[%dma_wait3A_633] : memref<384xi32, #tpu.memory_space<vmem>> -> memref<384xi32, #tpu.memory_space<vmem>>
          %dma_wait3A_635 = tpu.memref_slice %arg22[%add3A_129] : memref<4096xi32, #tpu.memory_space<hbm>> -> memref<384xi32, #tpu.memory_space<hbm>>
          %dma_wait3A_636 = tpu.memref_slice %arg22[%add3A_129] : memref<4096xi32, #tpu.memory_space<hbm>> -> memref<384xi32, #tpu.memory_space<hbm>>
          %dma_wait3A_637 = arith.constant 0 : i32
          %dma_wait3A_638 = tpu.memref_slice %arg35[%dma_wait3A_637] : memref<384xi32, #tpu.memory_space<vmem>> -> memref<384xi32, #tpu.memory_space<vmem>>
          tpu.wait_dma2 semaphore(%run_scoped3A : memref<!tpu.dma_semaphore, #tpu.memory_space<semaphore_mem>>) src(%dma_wait3A_638 : memref<384xi32, #tpu.memory_space<vmem>>) dst(%dma_wait3A_636 : memref<384xi32, #tpu.memory_space<hbm>>)
          tpu.yield
        }) : () -> ()
      } else {
      }
    } else {
    }
    return
  }
}

module attributes {stable_mosaic.version = 14 : i64} {
  func.func @_stage_a_body(%arg0: i32, %arg1: i32, %arg2: memref<1x100x4xf32, #tpu.memory_space<smem>>, %arg3: memref<1x160x128xf32, #tpu.memory_space<vmem>>, %arg4: memref<1x160x128xf32, #tpu.memory_space<vmem>>, %arg5: memref<1x160x128xf32, #tpu.memory_space<vmem>>, %arg6: memref<1x160x128xf32, #tpu.memory_space<vmem>>, %arg7: memref<1x160x128xf32, #tpu.memory_space<vmem>>, %arg8: memref<1x160x128xi32, #tpu.memory_space<vmem>>) attributes {dimension_semantics = [#tpu.dimension_semantics<arbitrary>, #tpu.dimension_semantics<arbitrary>], iteration_bounds = array<i64: 8, 1>, scalar_prefetch = 0 : i64, scratch_operands = 0 : i64, tpu.core_type = #tpu.core_type<tc>, window_params = [{transform_indices = @transform_0, window_bounds = array<i64: 1, 100, 4>}, {transform_indices = @transform_1, window_bounds = array<i64: 1, 160, 128>}, {transform_indices = @transform_2, window_bounds = array<i64: 1, 160, 128>}, {transform_indices = @transform_3, window_bounds = array<i64: 1, 160, 128>}, {transform_indices = @transform_4, window_bounds = array<i64: 1, 160, 128>}, {transform_indices = @transform_5, window_bounds = array<i64: 1, 160, 128>}, {transform_indices = @transform_6, window_bounds = array<i64: 1, 160, 128>}]} {
    %get3A = arith.constant 0 : index
    %get3A_0 = arith.constant 0 : index
    %get3A_1 = arith.constant 0 : index
    %get3A_2 = vector.load %arg3[%get3A, %get3A_0, %get3A_1] : memref<1x160x128xf32, #tpu.memory_space<vmem>>, vector<1x160x128xf32>
    %get3A_3 = vector.shape_cast %get3A_2 : vector<1x160x128xf32> to vector<160x128xf32>
    %get3A_4 = arith.constant 0 : index
    %get3A_5 = arith.constant 0 : index
    %get3A_6 = arith.constant 0 : index
    %get3A_7 = vector.load %arg4[%get3A_4, %get3A_5, %get3A_6] : memref<1x160x128xf32, #tpu.memory_space<vmem>>, vector<1x160x128xf32>
    %get3A_8 = vector.shape_cast %get3A_7 : vector<1x160x128xf32> to vector<160x128xf32>
    %get3A_9 = arith.constant 0 : index
    %get3A_10 = arith.constant 0 : index
    %get3A_11 = arith.constant 0 : index
    %get3A_12 = vector.load %arg5[%get3A_9, %get3A_10, %get3A_11] : memref<1x160x128xf32, #tpu.memory_space<vmem>>, vector<1x160x128xf32>
    %get3A_13 = vector.shape_cast %get3A_12 : vector<1x160x128xf32> to vector<160x128xf32>
    %get3A_14 = arith.constant 0 : index
    %get3A_15 = arith.constant 0 : index
    %get3A_16 = arith.constant 0 : index
    %get3A_17 = vector.load %arg6[%get3A_14, %get3A_15, %get3A_16] : memref<1x160x128xf32, #tpu.memory_space<vmem>>, vector<1x160x128xf32>
    %get3A_18 = vector.shape_cast %get3A_17 : vector<1x160x128xf32> to vector<160x128xf32>
    %sub3A = arith.subf %get3A_13, %get3A_3 : vector<160x128xf32>
    %sub3A_19 = arith.subf %get3A_18, %get3A_8 : vector<160x128xf32>
    %mul3A = arith.mulf %sub3A, %sub3A_19 : vector<160x128xf32>
    %broadcast_in_dim3A = arith.constant 0.000000e+00 : f32
    %broadcast_in_dim3A_20 = vector.broadcast %broadcast_in_dim3A : f32 to vector<160x128xf32>
    %broadcast_in_dim3A_21 = arith.constant 0 : i32
    %broadcast_in_dim3A_22 = vector.broadcast %broadcast_in_dim3A_21 : i32 to vector<160x128xi32>
    %scan3A = arith.constant 0 : i32
    %scan3A_23 = arith.constant 100 : i32
    %scan3A_24 = arith.addi %scan3A, %scan3A_23 : i32
    %scan3A_25 = arith.constant 10 : i32
    %scan3A_26:2 = scf.for %scan3A_39 = %scan3A to %scan3A_24 step %scan3A_25 iter_args(%scan3A_40 = %broadcast_in_dim3A_20, %scan3A_41 = %broadcast_in_dim3A_22) -> (vector<160x128xf32>, vector<160x128xi32>)  : i32 {
      %get3A_42 = arith.constant 0 : index
      %get3A_43 = arith.index_cast %scan3A_39 : i32 to index
      %get3A_44 = arith.constant 0 : index
      %get3A_45 = memref.load %arg2[%get3A_42, %get3A_43, %get3A_44] : memref<1x100x4xf32, #tpu.memory_space<smem>>
      %get3A_46 = arith.constant 0 : index
      %get3A_47 = arith.index_cast %scan3A_39 : i32 to index
      %get3A_48 = arith.constant 1 : index
      %get3A_49 = memref.load %arg2[%get3A_46, %get3A_47, %get3A_48] : memref<1x100x4xf32, #tpu.memory_space<smem>>
      %get3A_50 = arith.constant 0 : index
      %get3A_51 = arith.index_cast %scan3A_39 : i32 to index
      %get3A_52 = arith.constant 2 : index
      %get3A_53 = memref.load %arg2[%get3A_50, %get3A_51, %get3A_52] : memref<1x100x4xf32, #tpu.memory_space<smem>>
      %get3A_54 = arith.constant 0 : index
      %get3A_55 = arith.index_cast %scan3A_39 : i32 to index
      %get3A_56 = arith.constant 3 : index
      %get3A_57 = memref.load %arg2[%get3A_54, %get3A_55, %get3A_56] : memref<1x100x4xf32, #tpu.memory_space<smem>>
      %sub3A_58 = arith.subf %get3A_53, %get3A_45 : f32
      %sub3A_59 = arith.subf %get3A_57, %get3A_49 : f32
      %mul3A_60 = arith.mulf %sub3A_58, %sub3A_59 : f32
      %min3A = vector.broadcast %get3A_53 : f32 to vector<160x128xf32>
      %min3A_61 = arith.minimumf %get3A_13, %min3A : vector<160x128xf32>
      %max3A = vector.broadcast %get3A_45 : f32 to vector<160x128xf32>
      %max3A_62 = arith.maximumf %get3A_3, %max3A : vector<160x128xf32>
      %sub3A_63 = arith.subf %min3A_61, %max3A_62 : vector<160x128xf32>
      %max3A_64 = arith.constant 0.000000e+00 : f32
      %max3A_65 = vector.broadcast %max3A_64 : f32 to vector<160x128xf32>
      %max3A_66 = arith.maximumf %sub3A_63, %max3A_65 : vector<160x128xf32>
      %min3A_67 = vector.broadcast %get3A_57 : f32 to vector<160x128xf32>
      %min3A_68 = arith.minimumf %get3A_18, %min3A_67 : vector<160x128xf32>
      %max3A_69 = vector.broadcast %get3A_49 : f32 to vector<160x128xf32>
      %max3A_70 = arith.maximumf %get3A_8, %max3A_69 : vector<160x128xf32>
      %sub3A_71 = arith.subf %min3A_68, %max3A_70 : vector<160x128xf32>
      %max3A_72 = arith.constant 0.000000e+00 : f32
      %max3A_73 = vector.broadcast %max3A_72 : f32 to vector<160x128xf32>
      %max3A_74 = arith.maximumf %sub3A_71, %max3A_73 : vector<160x128xf32>
      %mul3A_75 = arith.mulf %max3A_66, %max3A_74 : vector<160x128xf32>
      %add3A = vector.broadcast %mul3A_60 : f32 to vector<160x128xf32>
      %add3A_76 = arith.addf %mul3A, %add3A : vector<160x128xf32>
      %sub3A_77 = arith.subf %add3A_76, %mul3A_75 : vector<160x128xf32>
      %max3A_78 = arith.constant 9.99999993E-9 : f32
      %max3A_79 = vector.broadcast %max3A_78 : f32 to vector<160x128xf32>
      %max3A_80 = arith.maximumf %sub3A_77, %max3A_79 : vector<160x128xf32>
      %div3A = arith.divf %mul3A_75, %max3A_80 : vector<160x128xf32>
      %gt3A = arith.cmpf ogt, %div3A, %scan3A_40 : vector<160x128xf32>
      %select_n3A = arith.select %gt3A, %div3A, %scan3A_40 : vector<160x128xi1>, vector<160x128xf32>
      %broadcast_in_dim3A_81 = vector.broadcast %scan3A_39 : i32 to vector<160x128xi32>
      %select_n3A_82 = arith.select %gt3A, %broadcast_in_dim3A_81, %scan3A_41 : vector<160x128xi1>, vector<160x128xi32>
      %scan3A_83 = arith.constant 1 : i32
      %scan3A_84 = arith.addi %scan3A_39, %scan3A_83 : i32
      %get3A_85 = arith.constant 0 : index
      %get3A_86 = arith.index_cast %scan3A_84 : i32 to index
      %get3A_87 = arith.constant 0 : index
      %get3A_88 = memref.load %arg2[%get3A_85, %get3A_86, %get3A_87] : memref<1x100x4xf32, #tpu.memory_space<smem>>
      %get3A_89 = arith.constant 0 : index
      %get3A_90 = arith.index_cast %scan3A_84 : i32 to index
      %get3A_91 = arith.constant 1 : index
      %get3A_92 = memref.load %arg2[%get3A_89, %get3A_90, %get3A_91] : memref<1x100x4xf32, #tpu.memory_space<smem>>
      %get3A_93 = arith.constant 0 : index
      %get3A_94 = arith.index_cast %scan3A_84 : i32 to index
      %get3A_95 = arith.constant 2 : index
      %get3A_96 = memref.load %arg2[%get3A_93, %get3A_94, %get3A_95] : memref<1x100x4xf32, #tpu.memory_space<smem>>
      %get3A_97 = arith.constant 0 : index
      %get3A_98 = arith.index_cast %scan3A_84 : i32 to index
      %get3A_99 = arith.constant 3 : index
      %get3A_100 = memref.load %arg2[%get3A_97, %get3A_98, %get3A_99] : memref<1x100x4xf32, #tpu.memory_space<smem>>
      %sub3A_101 = arith.subf %get3A_96, %get3A_88 : f32
      %sub3A_102 = arith.subf %get3A_100, %get3A_92 : f32
      %mul3A_103 = arith.mulf %sub3A_101, %sub3A_102 : f32
      %min3A_104 = vector.broadcast %get3A_96 : f32 to vector<160x128xf32>
      %min3A_105 = arith.minimumf %get3A_13, %min3A_104 : vector<160x128xf32>
      %max3A_106 = vector.broadcast %get3A_88 : f32 to vector<160x128xf32>
      %max3A_107 = arith.maximumf %get3A_3, %max3A_106 : vector<160x128xf32>
      %sub3A_108 = arith.subf %min3A_105, %max3A_107 : vector<160x128xf32>
      %max3A_109 = arith.constant 0.000000e+00 : f32
      %max3A_110 = vector.broadcast %max3A_109 : f32 to vector<160x128xf32>
      %max3A_111 = arith.maximumf %sub3A_108, %max3A_110 : vector<160x128xf32>
      %min3A_112 = vector.broadcast %get3A_100 : f32 to vector<160x128xf32>
      %min3A_113 = arith.minimumf %get3A_18, %min3A_112 : vector<160x128xf32>
      %max3A_114 = vector.broadcast %get3A_92 : f32 to vector<160x128xf32>
      %max3A_115 = arith.maximumf %get3A_8, %max3A_114 : vector<160x128xf32>
      %sub3A_116 = arith.subf %min3A_113, %max3A_115 : vector<160x128xf32>
      %max3A_117 = arith.constant 0.000000e+00 : f32
      %max3A_118 = vector.broadcast %max3A_117 : f32 to vector<160x128xf32>
      %max3A_119 = arith.maximumf %sub3A_116, %max3A_118 : vector<160x128xf32>
      %mul3A_120 = arith.mulf %max3A_111, %max3A_119 : vector<160x128xf32>
      %add3A_121 = vector.broadcast %mul3A_103 : f32 to vector<160x128xf32>
      %add3A_122 = arith.addf %mul3A, %add3A_121 : vector<160x128xf32>
      %sub3A_123 = arith.subf %add3A_122, %mul3A_120 : vector<160x128xf32>
      %max3A_124 = arith.constant 9.99999993E-9 : f32
      %max3A_125 = vector.broadcast %max3A_124 : f32 to vector<160x128xf32>
      %max3A_126 = arith.maximumf %sub3A_123, %max3A_125 : vector<160x128xf32>
      %div3A_127 = arith.divf %mul3A_120, %max3A_126 : vector<160x128xf32>
      %gt3A_128 = arith.cmpf ogt, %div3A_127, %select_n3A : vector<160x128xf32>
      %select_n3A_129 = arith.select %gt3A_128, %div3A_127, %select_n3A : vector<160x128xi1>, vector<160x128xf32>
      %broadcast_in_dim3A_130 = vector.broadcast %scan3A_84 : i32 to vector<160x128xi32>
      %select_n3A_131 = arith.select %gt3A_128, %broadcast_in_dim3A_130, %select_n3A_82 : vector<160x128xi1>, vector<160x128xi32>
      %scan3A_132 = arith.constant 2 : i32
      %scan3A_133 = arith.addi %scan3A_39, %scan3A_132 : i32
      %get3A_134 = arith.constant 0 : index
      %get3A_135 = arith.index_cast %scan3A_133 : i32 to index
      %get3A_136 = arith.constant 0 : index
      %get3A_137 = memref.load %arg2[%get3A_134, %get3A_135, %get3A_136] : memref<1x100x4xf32, #tpu.memory_space<smem>>
      %get3A_138 = arith.constant 0 : index
      %get3A_139 = arith.index_cast %scan3A_133 : i32 to index
      %get3A_140 = arith.constant 1 : index
      %get3A_141 = memref.load %arg2[%get3A_138, %get3A_139, %get3A_140] : memref<1x100x4xf32, #tpu.memory_space<smem>>
      %get3A_142 = arith.constant 0 : index
      %get3A_143 = arith.index_cast %scan3A_133 : i32 to index
      %get3A_144 = arith.constant 2 : index
      %get3A_145 = memref.load %arg2[%get3A_142, %get3A_143, %get3A_144] : memref<1x100x4xf32, #tpu.memory_space<smem>>
      %get3A_146 = arith.constant 0 : index
      %get3A_147 = arith.index_cast %scan3A_133 : i32 to index
      %get3A_148 = arith.constant 3 : index
      %get3A_149 = memref.load %arg2[%get3A_146, %get3A_147, %get3A_148] : memref<1x100x4xf32, #tpu.memory_space<smem>>
      %sub3A_150 = arith.subf %get3A_145, %get3A_137 : f32
      %sub3A_151 = arith.subf %get3A_149, %get3A_141 : f32
      %mul3A_152 = arith.mulf %sub3A_150, %sub3A_151 : f32
      %min3A_153 = vector.broadcast %get3A_145 : f32 to vector<160x128xf32>
      %min3A_154 = arith.minimumf %get3A_13, %min3A_153 : vector<160x128xf32>
      %max3A_155 = vector.broadcast %get3A_137 : f32 to vector<160x128xf32>
      %max3A_156 = arith.maximumf %get3A_3, %max3A_155 : vector<160x128xf32>
      %sub3A_157 = arith.subf %min3A_154, %max3A_156 : vector<160x128xf32>
      %max3A_158 = arith.constant 0.000000e+00 : f32
      %max3A_159 = vector.broadcast %max3A_158 : f32 to vector<160x128xf32>
      %max3A_160 = arith.maximumf %sub3A_157, %max3A_159 : vector<160x128xf32>
      %min3A_161 = vector.broadcast %get3A_149 : f32 to vector<160x128xf32>
      %min3A_162 = arith.minimumf %get3A_18, %min3A_161 : vector<160x128xf32>
      %max3A_163 = vector.broadcast %get3A_141 : f32 to vector<160x128xf32>
      %max3A_164 = arith.maximumf %get3A_8, %max3A_163 : vector<160x128xf32>
      %sub3A_165 = arith.subf %min3A_162, %max3A_164 : vector<160x128xf32>
      %max3A_166 = arith.constant 0.000000e+00 : f32
      %max3A_167 = vector.broadcast %max3A_166 : f32 to vector<160x128xf32>
      %max3A_168 = arith.maximumf %sub3A_165, %max3A_167 : vector<160x128xf32>
      %mul3A_169 = arith.mulf %max3A_160, %max3A_168 : vector<160x128xf32>
      %add3A_170 = vector.broadcast %mul3A_152 : f32 to vector<160x128xf32>
      %add3A_171 = arith.addf %mul3A, %add3A_170 : vector<160x128xf32>
      %sub3A_172 = arith.subf %add3A_171, %mul3A_169 : vector<160x128xf32>
      %max3A_173 = arith.constant 9.99999993E-9 : f32
      %max3A_174 = vector.broadcast %max3A_173 : f32 to vector<160x128xf32>
      %max3A_175 = arith.maximumf %sub3A_172, %max3A_174 : vector<160x128xf32>
      %div3A_176 = arith.divf %mul3A_169, %max3A_175 : vector<160x128xf32>
      %gt3A_177 = arith.cmpf ogt, %div3A_176, %select_n3A_129 : vector<160x128xf32>
      %select_n3A_178 = arith.select %gt3A_177, %div3A_176, %select_n3A_129 : vector<160x128xi1>, vector<160x128xf32>
      %broadcast_in_dim3A_179 = vector.broadcast %scan3A_133 : i32 to vector<160x128xi32>
      %select_n3A_180 = arith.select %gt3A_177, %broadcast_in_dim3A_179, %select_n3A_131 : vector<160x128xi1>, vector<160x128xi32>
      %scan3A_181 = arith.constant 3 : i32
      %scan3A_182 = arith.addi %scan3A_39, %scan3A_181 : i32
      %get3A_183 = arith.constant 0 : index
      %get3A_184 = arith.index_cast %scan3A_182 : i32 to index
      %get3A_185 = arith.constant 0 : index
      %get3A_186 = memref.load %arg2[%get3A_183, %get3A_184, %get3A_185] : memref<1x100x4xf32, #tpu.memory_space<smem>>
      %get3A_187 = arith.constant 0 : index
      %get3A_188 = arith.index_cast %scan3A_182 : i32 to index
      %get3A_189 = arith.constant 1 : index
      %get3A_190 = memref.load %arg2[%get3A_187, %get3A_188, %get3A_189] : memref<1x100x4xf32, #tpu.memory_space<smem>>
      %get3A_191 = arith.constant 0 : index
      %get3A_192 = arith.index_cast %scan3A_182 : i32 to index
      %get3A_193 = arith.constant 2 : index
      %get3A_194 = memref.load %arg2[%get3A_191, %get3A_192, %get3A_193] : memref<1x100x4xf32, #tpu.memory_space<smem>>
      %get3A_195 = arith.constant 0 : index
      %get3A_196 = arith.index_cast %scan3A_182 : i32 to index
      %get3A_197 = arith.constant 3 : index
      %get3A_198 = memref.load %arg2[%get3A_195, %get3A_196, %get3A_197] : memref<1x100x4xf32, #tpu.memory_space<smem>>
      %sub3A_199 = arith.subf %get3A_194, %get3A_186 : f32
      %sub3A_200 = arith.subf %get3A_198, %get3A_190 : f32
      %mul3A_201 = arith.mulf %sub3A_199, %sub3A_200 : f32
      %min3A_202 = vector.broadcast %get3A_194 : f32 to vector<160x128xf32>
      %min3A_203 = arith.minimumf %get3A_13, %min3A_202 : vector<160x128xf32>
      %max3A_204 = vector.broadcast %get3A_186 : f32 to vector<160x128xf32>
      %max3A_205 = arith.maximumf %get3A_3, %max3A_204 : vector<160x128xf32>
      %sub3A_206 = arith.subf %min3A_203, %max3A_205 : vector<160x128xf32>
      %max3A_207 = arith.constant 0.000000e+00 : f32
      %max3A_208 = vector.broadcast %max3A_207 : f32 to vector<160x128xf32>
      %max3A_209 = arith.maximumf %sub3A_206, %max3A_208 : vector<160x128xf32>
      %min3A_210 = vector.broadcast %get3A_198 : f32 to vector<160x128xf32>
      %min3A_211 = arith.minimumf %get3A_18, %min3A_210 : vector<160x128xf32>
      %max3A_212 = vector.broadcast %get3A_190 : f32 to vector<160x128xf32>
      %max3A_213 = arith.maximumf %get3A_8, %max3A_212 : vector<160x128xf32>
      %sub3A_214 = arith.subf %min3A_211, %max3A_213 : vector<160x128xf32>
      %max3A_215 = arith.constant 0.000000e+00 : f32
      %max3A_216 = vector.broadcast %max3A_215 : f32 to vector<160x128xf32>
      %max3A_217 = arith.maximumf %sub3A_214, %max3A_216 : vector<160x128xf32>
      %mul3A_218 = arith.mulf %max3A_209, %max3A_217 : vector<160x128xf32>
      %add3A_219 = vector.broadcast %mul3A_201 : f32 to vector<160x128xf32>
      %add3A_220 = arith.addf %mul3A, %add3A_219 : vector<160x128xf32>
      %sub3A_221 = arith.subf %add3A_220, %mul3A_218 : vector<160x128xf32>
      %max3A_222 = arith.constant 9.99999993E-9 : f32
      %max3A_223 = vector.broadcast %max3A_222 : f32 to vector<160x128xf32>
      %max3A_224 = arith.maximumf %sub3A_221, %max3A_223 : vector<160x128xf32>
      %div3A_225 = arith.divf %mul3A_218, %max3A_224 : vector<160x128xf32>
      %gt3A_226 = arith.cmpf ogt, %div3A_225, %select_n3A_178 : vector<160x128xf32>
      %select_n3A_227 = arith.select %gt3A_226, %div3A_225, %select_n3A_178 : vector<160x128xi1>, vector<160x128xf32>
      %broadcast_in_dim3A_228 = vector.broadcast %scan3A_182 : i32 to vector<160x128xi32>
      %select_n3A_229 = arith.select %gt3A_226, %broadcast_in_dim3A_228, %select_n3A_180 : vector<160x128xi1>, vector<160x128xi32>
      %scan3A_230 = arith.constant 4 : i32
      %scan3A_231 = arith.addi %scan3A_39, %scan3A_230 : i32
      %get3A_232 = arith.constant 0 : index
      %get3A_233 = arith.index_cast %scan3A_231 : i32 to index
      %get3A_234 = arith.constant 0 : index
      %get3A_235 = memref.load %arg2[%get3A_232, %get3A_233, %get3A_234] : memref<1x100x4xf32, #tpu.memory_space<smem>>
      %get3A_236 = arith.constant 0 : index
      %get3A_237 = arith.index_cast %scan3A_231 : i32 to index
      %get3A_238 = arith.constant 1 : index
      %get3A_239 = memref.load %arg2[%get3A_236, %get3A_237, %get3A_238] : memref<1x100x4xf32, #tpu.memory_space<smem>>
      %get3A_240 = arith.constant 0 : index
      %get3A_241 = arith.index_cast %scan3A_231 : i32 to index
      %get3A_242 = arith.constant 2 : index
      %get3A_243 = memref.load %arg2[%get3A_240, %get3A_241, %get3A_242] : memref<1x100x4xf32, #tpu.memory_space<smem>>
      %get3A_244 = arith.constant 0 : index
      %get3A_245 = arith.index_cast %scan3A_231 : i32 to index
      %get3A_246 = arith.constant 3 : index
      %get3A_247 = memref.load %arg2[%get3A_244, %get3A_245, %get3A_246] : memref<1x100x4xf32, #tpu.memory_space<smem>>
      %sub3A_248 = arith.subf %get3A_243, %get3A_235 : f32
      %sub3A_249 = arith.subf %get3A_247, %get3A_239 : f32
      %mul3A_250 = arith.mulf %sub3A_248, %sub3A_249 : f32
      %min3A_251 = vector.broadcast %get3A_243 : f32 to vector<160x128xf32>
      %min3A_252 = arith.minimumf %get3A_13, %min3A_251 : vector<160x128xf32>
      %max3A_253 = vector.broadcast %get3A_235 : f32 to vector<160x128xf32>
      %max3A_254 = arith.maximumf %get3A_3, %max3A_253 : vector<160x128xf32>
      %sub3A_255 = arith.subf %min3A_252, %max3A_254 : vector<160x128xf32>
      %max3A_256 = arith.constant 0.000000e+00 : f32
      %max3A_257 = vector.broadcast %max3A_256 : f32 to vector<160x128xf32>
      %max3A_258 = arith.maximumf %sub3A_255, %max3A_257 : vector<160x128xf32>
      %min3A_259 = vector.broadcast %get3A_247 : f32 to vector<160x128xf32>
      %min3A_260 = arith.minimumf %get3A_18, %min3A_259 : vector<160x128xf32>
      %max3A_261 = vector.broadcast %get3A_239 : f32 to vector<160x128xf32>
      %max3A_262 = arith.maximumf %get3A_8, %max3A_261 : vector<160x128xf32>
      %sub3A_263 = arith.subf %min3A_260, %max3A_262 : vector<160x128xf32>
      %max3A_264 = arith.constant 0.000000e+00 : f32
      %max3A_265 = vector.broadcast %max3A_264 : f32 to vector<160x128xf32>
      %max3A_266 = arith.maximumf %sub3A_263, %max3A_265 : vector<160x128xf32>
      %mul3A_267 = arith.mulf %max3A_258, %max3A_266 : vector<160x128xf32>
      %add3A_268 = vector.broadcast %mul3A_250 : f32 to vector<160x128xf32>
      %add3A_269 = arith.addf %mul3A, %add3A_268 : vector<160x128xf32>
      %sub3A_270 = arith.subf %add3A_269, %mul3A_267 : vector<160x128xf32>
      %max3A_271 = arith.constant 9.99999993E-9 : f32
      %max3A_272 = vector.broadcast %max3A_271 : f32 to vector<160x128xf32>
      %max3A_273 = arith.maximumf %sub3A_270, %max3A_272 : vector<160x128xf32>
      %div3A_274 = arith.divf %mul3A_267, %max3A_273 : vector<160x128xf32>
      %gt3A_275 = arith.cmpf ogt, %div3A_274, %select_n3A_227 : vector<160x128xf32>
      %select_n3A_276 = arith.select %gt3A_275, %div3A_274, %select_n3A_227 : vector<160x128xi1>, vector<160x128xf32>
      %broadcast_in_dim3A_277 = vector.broadcast %scan3A_231 : i32 to vector<160x128xi32>
      %select_n3A_278 = arith.select %gt3A_275, %broadcast_in_dim3A_277, %select_n3A_229 : vector<160x128xi1>, vector<160x128xi32>
      %scan3A_279 = arith.constant 5 : i32
      %scan3A_280 = arith.addi %scan3A_39, %scan3A_279 : i32
      %get3A_281 = arith.constant 0 : index
      %get3A_282 = arith.index_cast %scan3A_280 : i32 to index
      %get3A_283 = arith.constant 0 : index
      %get3A_284 = memref.load %arg2[%get3A_281, %get3A_282, %get3A_283] : memref<1x100x4xf32, #tpu.memory_space<smem>>
      %get3A_285 = arith.constant 0 : index
      %get3A_286 = arith.index_cast %scan3A_280 : i32 to index
      %get3A_287 = arith.constant 1 : index
      %get3A_288 = memref.load %arg2[%get3A_285, %get3A_286, %get3A_287] : memref<1x100x4xf32, #tpu.memory_space<smem>>
      %get3A_289 = arith.constant 0 : index
      %get3A_290 = arith.index_cast %scan3A_280 : i32 to index
      %get3A_291 = arith.constant 2 : index
      %get3A_292 = memref.load %arg2[%get3A_289, %get3A_290, %get3A_291] : memref<1x100x4xf32, #tpu.memory_space<smem>>
      %get3A_293 = arith.constant 0 : index
      %get3A_294 = arith.index_cast %scan3A_280 : i32 to index
      %get3A_295 = arith.constant 3 : index
      %get3A_296 = memref.load %arg2[%get3A_293, %get3A_294, %get3A_295] : memref<1x100x4xf32, #tpu.memory_space<smem>>
      %sub3A_297 = arith.subf %get3A_292, %get3A_284 : f32
      %sub3A_298 = arith.subf %get3A_296, %get3A_288 : f32
      %mul3A_299 = arith.mulf %sub3A_297, %sub3A_298 : f32
      %min3A_300 = vector.broadcast %get3A_292 : f32 to vector<160x128xf32>
      %min3A_301 = arith.minimumf %get3A_13, %min3A_300 : vector<160x128xf32>
      %max3A_302 = vector.broadcast %get3A_284 : f32 to vector<160x128xf32>
      %max3A_303 = arith.maximumf %get3A_3, %max3A_302 : vector<160x128xf32>
      %sub3A_304 = arith.subf %min3A_301, %max3A_303 : vector<160x128xf32>
      %max3A_305 = arith.constant 0.000000e+00 : f32
      %max3A_306 = vector.broadcast %max3A_305 : f32 to vector<160x128xf32>
      %max3A_307 = arith.maximumf %sub3A_304, %max3A_306 : vector<160x128xf32>
      %min3A_308 = vector.broadcast %get3A_296 : f32 to vector<160x128xf32>
      %min3A_309 = arith.minimumf %get3A_18, %min3A_308 : vector<160x128xf32>
      %max3A_310 = vector.broadcast %get3A_288 : f32 to vector<160x128xf32>
      %max3A_311 = arith.maximumf %get3A_8, %max3A_310 : vector<160x128xf32>
      %sub3A_312 = arith.subf %min3A_309, %max3A_311 : vector<160x128xf32>
      %max3A_313 = arith.constant 0.000000e+00 : f32
      %max3A_314 = vector.broadcast %max3A_313 : f32 to vector<160x128xf32>
      %max3A_315 = arith.maximumf %sub3A_312, %max3A_314 : vector<160x128xf32>
      %mul3A_316 = arith.mulf %max3A_307, %max3A_315 : vector<160x128xf32>
      %add3A_317 = vector.broadcast %mul3A_299 : f32 to vector<160x128xf32>
      %add3A_318 = arith.addf %mul3A, %add3A_317 : vector<160x128xf32>
      %sub3A_319 = arith.subf %add3A_318, %mul3A_316 : vector<160x128xf32>
      %max3A_320 = arith.constant 9.99999993E-9 : f32
      %max3A_321 = vector.broadcast %max3A_320 : f32 to vector<160x128xf32>
      %max3A_322 = arith.maximumf %sub3A_319, %max3A_321 : vector<160x128xf32>
      %div3A_323 = arith.divf %mul3A_316, %max3A_322 : vector<160x128xf32>
      %gt3A_324 = arith.cmpf ogt, %div3A_323, %select_n3A_276 : vector<160x128xf32>
      %select_n3A_325 = arith.select %gt3A_324, %div3A_323, %select_n3A_276 : vector<160x128xi1>, vector<160x128xf32>
      %broadcast_in_dim3A_326 = vector.broadcast %scan3A_280 : i32 to vector<160x128xi32>
      %select_n3A_327 = arith.select %gt3A_324, %broadcast_in_dim3A_326, %select_n3A_278 : vector<160x128xi1>, vector<160x128xi32>
      %scan3A_328 = arith.constant 6 : i32
      %scan3A_329 = arith.addi %scan3A_39, %scan3A_328 : i32
      %get3A_330 = arith.constant 0 : index
      %get3A_331 = arith.index_cast %scan3A_329 : i32 to index
      %get3A_332 = arith.constant 0 : index
      %get3A_333 = memref.load %arg2[%get3A_330, %get3A_331, %get3A_332] : memref<1x100x4xf32, #tpu.memory_space<smem>>
      %get3A_334 = arith.constant 0 : index
      %get3A_335 = arith.index_cast %scan3A_329 : i32 to index
      %get3A_336 = arith.constant 1 : index
      %get3A_337 = memref.load %arg2[%get3A_334, %get3A_335, %get3A_336] : memref<1x100x4xf32, #tpu.memory_space<smem>>
      %get3A_338 = arith.constant 0 : index
      %get3A_339 = arith.index_cast %scan3A_329 : i32 to index
      %get3A_340 = arith.constant 2 : index
      %get3A_341 = memref.load %arg2[%get3A_338, %get3A_339, %get3A_340] : memref<1x100x4xf32, #tpu.memory_space<smem>>
      %get3A_342 = arith.constant 0 : index
      %get3A_343 = arith.index_cast %scan3A_329 : i32 to index
      %get3A_344 = arith.constant 3 : index
      %get3A_345 = memref.load %arg2[%get3A_342, %get3A_343, %get3A_344] : memref<1x100x4xf32, #tpu.memory_space<smem>>
      %sub3A_346 = arith.subf %get3A_341, %get3A_333 : f32
      %sub3A_347 = arith.subf %get3A_345, %get3A_337 : f32
      %mul3A_348 = arith.mulf %sub3A_346, %sub3A_347 : f32
      %min3A_349 = vector.broadcast %get3A_341 : f32 to vector<160x128xf32>
      %min3A_350 = arith.minimumf %get3A_13, %min3A_349 : vector<160x128xf32>
      %max3A_351 = vector.broadcast %get3A_333 : f32 to vector<160x128xf32>
      %max3A_352 = arith.maximumf %get3A_3, %max3A_351 : vector<160x128xf32>
      %sub3A_353 = arith.subf %min3A_350, %max3A_352 : vector<160x128xf32>
      %max3A_354 = arith.constant 0.000000e+00 : f32
      %max3A_355 = vector.broadcast %max3A_354 : f32 to vector<160x128xf32>
      %max3A_356 = arith.maximumf %sub3A_353, %max3A_355 : vector<160x128xf32>
      %min3A_357 = vector.broadcast %get3A_345 : f32 to vector<160x128xf32>
      %min3A_358 = arith.minimumf %get3A_18, %min3A_357 : vector<160x128xf32>
      %max3A_359 = vector.broadcast %get3A_337 : f32 to vector<160x128xf32>
      %max3A_360 = arith.maximumf %get3A_8, %max3A_359 : vector<160x128xf32>
      %sub3A_361 = arith.subf %min3A_358, %max3A_360 : vector<160x128xf32>
      %max3A_362 = arith.constant 0.000000e+00 : f32
      %max3A_363 = vector.broadcast %max3A_362 : f32 to vector<160x128xf32>
      %max3A_364 = arith.maximumf %sub3A_361, %max3A_363 : vector<160x128xf32>
      %mul3A_365 = arith.mulf %max3A_356, %max3A_364 : vector<160x128xf32>
      %add3A_366 = vector.broadcast %mul3A_348 : f32 to vector<160x128xf32>
      %add3A_367 = arith.addf %mul3A, %add3A_366 : vector<160x128xf32>
      %sub3A_368 = arith.subf %add3A_367, %mul3A_365 : vector<160x128xf32>
      %max3A_369 = arith.constant 9.99999993E-9 : f32
      %max3A_370 = vector.broadcast %max3A_369 : f32 to vector<160x128xf32>
      %max3A_371 = arith.maximumf %sub3A_368, %max3A_370 : vector<160x128xf32>
      %div3A_372 = arith.divf %mul3A_365, %max3A_371 : vector<160x128xf32>
      %gt3A_373 = arith.cmpf ogt, %div3A_372, %select_n3A_325 : vector<160x128xf32>
      %select_n3A_374 = arith.select %gt3A_373, %div3A_372, %select_n3A_325 : vector<160x128xi1>, vector<160x128xf32>
      %broadcast_in_dim3A_375 = vector.broadcast %scan3A_329 : i32 to vector<160x128xi32>
      %select_n3A_376 = arith.select %gt3A_373, %broadcast_in_dim3A_375, %select_n3A_327 : vector<160x128xi1>, vector<160x128xi32>
      %scan3A_377 = arith.constant 7 : i32
      %scan3A_378 = arith.addi %scan3A_39, %scan3A_377 : i32
      %get3A_379 = arith.constant 0 : index
      %get3A_380 = arith.index_cast %scan3A_378 : i32 to index
      %get3A_381 = arith.constant 0 : index
      %get3A_382 = memref.load %arg2[%get3A_379, %get3A_380, %get3A_381] : memref<1x100x4xf32, #tpu.memory_space<smem>>
      %get3A_383 = arith.constant 0 : index
      %get3A_384 = arith.index_cast %scan3A_378 : i32 to index
      %get3A_385 = arith.constant 1 : index
      %get3A_386 = memref.load %arg2[%get3A_383, %get3A_384, %get3A_385] : memref<1x100x4xf32, #tpu.memory_space<smem>>
      %get3A_387 = arith.constant 0 : index
      %get3A_388 = arith.index_cast %scan3A_378 : i32 to index
      %get3A_389 = arith.constant 2 : index
      %get3A_390 = memref.load %arg2[%get3A_387, %get3A_388, %get3A_389] : memref<1x100x4xf32, #tpu.memory_space<smem>>
      %get3A_391 = arith.constant 0 : index
      %get3A_392 = arith.index_cast %scan3A_378 : i32 to index
      %get3A_393 = arith.constant 3 : index
      %get3A_394 = memref.load %arg2[%get3A_391, %get3A_392, %get3A_393] : memref<1x100x4xf32, #tpu.memory_space<smem>>
      %sub3A_395 = arith.subf %get3A_390, %get3A_382 : f32
      %sub3A_396 = arith.subf %get3A_394, %get3A_386 : f32
      %mul3A_397 = arith.mulf %sub3A_395, %sub3A_396 : f32
      %min3A_398 = vector.broadcast %get3A_390 : f32 to vector<160x128xf32>
      %min3A_399 = arith.minimumf %get3A_13, %min3A_398 : vector<160x128xf32>
      %max3A_400 = vector.broadcast %get3A_382 : f32 to vector<160x128xf32>
      %max3A_401 = arith.maximumf %get3A_3, %max3A_400 : vector<160x128xf32>
      %sub3A_402 = arith.subf %min3A_399, %max3A_401 : vector<160x128xf32>
      %max3A_403 = arith.constant 0.000000e+00 : f32
      %max3A_404 = vector.broadcast %max3A_403 : f32 to vector<160x128xf32>
      %max3A_405 = arith.maximumf %sub3A_402, %max3A_404 : vector<160x128xf32>
      %min3A_406 = vector.broadcast %get3A_394 : f32 to vector<160x128xf32>
      %min3A_407 = arith.minimumf %get3A_18, %min3A_406 : vector<160x128xf32>
      %max3A_408 = vector.broadcast %get3A_386 : f32 to vector<160x128xf32>
      %max3A_409 = arith.maximumf %get3A_8, %max3A_408 : vector<160x128xf32>
      %sub3A_410 = arith.subf %min3A_407, %max3A_409 : vector<160x128xf32>
      %max3A_411 = arith.constant 0.000000e+00 : f32
      %max3A_412 = vector.broadcast %max3A_411 : f32 to vector<160x128xf32>
      %max3A_413 = arith.maximumf %sub3A_410, %max3A_412 : vector<160x128xf32>
      %mul3A_414 = arith.mulf %max3A_405, %max3A_413 : vector<160x128xf32>
      %add3A_415 = vector.broadcast %mul3A_397 : f32 to vector<160x128xf32>
      %add3A_416 = arith.addf %mul3A, %add3A_415 : vector<160x128xf32>
      %sub3A_417 = arith.subf %add3A_416, %mul3A_414 : vector<160x128xf32>
      %max3A_418 = arith.constant 9.99999993E-9 : f32
      %max3A_419 = vector.broadcast %max3A_418 : f32 to vector<160x128xf32>
      %max3A_420 = arith.maximumf %sub3A_417, %max3A_419 : vector<160x128xf32>
      %div3A_421 = arith.divf %mul3A_414, %max3A_420 : vector<160x128xf32>
      %gt3A_422 = arith.cmpf ogt, %div3A_421, %select_n3A_374 : vector<160x128xf32>
      %select_n3A_423 = arith.select %gt3A_422, %div3A_421, %select_n3A_374 : vector<160x128xi1>, vector<160x128xf32>
      %broadcast_in_dim3A_424 = vector.broadcast %scan3A_378 : i32 to vector<160x128xi32>
      %select_n3A_425 = arith.select %gt3A_422, %broadcast_in_dim3A_424, %select_n3A_376 : vector<160x128xi1>, vector<160x128xi32>
      %scan3A_426 = arith.constant 8 : i32
      %scan3A_427 = arith.addi %scan3A_39, %scan3A_426 : i32
      %get3A_428 = arith.constant 0 : index
      %get3A_429 = arith.index_cast %scan3A_427 : i32 to index
      %get3A_430 = arith.constant 0 : index
      %get3A_431 = memref.load %arg2[%get3A_428, %get3A_429, %get3A_430] : memref<1x100x4xf32, #tpu.memory_space<smem>>
      %get3A_432 = arith.constant 0 : index
      %get3A_433 = arith.index_cast %scan3A_427 : i32 to index
      %get3A_434 = arith.constant 1 : index
      %get3A_435 = memref.load %arg2[%get3A_432, %get3A_433, %get3A_434] : memref<1x100x4xf32, #tpu.memory_space<smem>>
      %get3A_436 = arith.constant 0 : index
      %get3A_437 = arith.index_cast %scan3A_427 : i32 to index
      %get3A_438 = arith.constant 2 : index
      %get3A_439 = memref.load %arg2[%get3A_436, %get3A_437, %get3A_438] : memref<1x100x4xf32, #tpu.memory_space<smem>>
      %get3A_440 = arith.constant 0 : index
      %get3A_441 = arith.index_cast %scan3A_427 : i32 to index
      %get3A_442 = arith.constant 3 : index
      %get3A_443 = memref.load %arg2[%get3A_440, %get3A_441, %get3A_442] : memref<1x100x4xf32, #tpu.memory_space<smem>>
      %sub3A_444 = arith.subf %get3A_439, %get3A_431 : f32
      %sub3A_445 = arith.subf %get3A_443, %get3A_435 : f32
      %mul3A_446 = arith.mulf %sub3A_444, %sub3A_445 : f32
      %min3A_447 = vector.broadcast %get3A_439 : f32 to vector<160x128xf32>
      %min3A_448 = arith.minimumf %get3A_13, %min3A_447 : vector<160x128xf32>
      %max3A_449 = vector.broadcast %get3A_431 : f32 to vector<160x128xf32>
      %max3A_450 = arith.maximumf %get3A_3, %max3A_449 : vector<160x128xf32>
      %sub3A_451 = arith.subf %min3A_448, %max3A_450 : vector<160x128xf32>
      %max3A_452 = arith.constant 0.000000e+00 : f32
      %max3A_453 = vector.broadcast %max3A_452 : f32 to vector<160x128xf32>
      %max3A_454 = arith.maximumf %sub3A_451, %max3A_453 : vector<160x128xf32>
      %min3A_455 = vector.broadcast %get3A_443 : f32 to vector<160x128xf32>
      %min3A_456 = arith.minimumf %get3A_18, %min3A_455 : vector<160x128xf32>
      %max3A_457 = vector.broadcast %get3A_435 : f32 to vector<160x128xf32>
      %max3A_458 = arith.maximumf %get3A_8, %max3A_457 : vector<160x128xf32>
      %sub3A_459 = arith.subf %min3A_456, %max3A_458 : vector<160x128xf32>
      %max3A_460 = arith.constant 0.000000e+00 : f32
      %max3A_461 = vector.broadcast %max3A_460 : f32 to vector<160x128xf32>
      %max3A_462 = arith.maximumf %sub3A_459, %max3A_461 : vector<160x128xf32>
      %mul3A_463 = arith.mulf %max3A_454, %max3A_462 : vector<160x128xf32>
      %add3A_464 = vector.broadcast %mul3A_446 : f32 to vector<160x128xf32>
      %add3A_465 = arith.addf %mul3A, %add3A_464 : vector<160x128xf32>
      %sub3A_466 = arith.subf %add3A_465, %mul3A_463 : vector<160x128xf32>
      %max3A_467 = arith.constant 9.99999993E-9 : f32
      %max3A_468 = vector.broadcast %max3A_467 : f32 to vector<160x128xf32>
      %max3A_469 = arith.maximumf %sub3A_466, %max3A_468 : vector<160x128xf32>
      %div3A_470 = arith.divf %mul3A_463, %max3A_469 : vector<160x128xf32>
      %gt3A_471 = arith.cmpf ogt, %div3A_470, %select_n3A_423 : vector<160x128xf32>
      %select_n3A_472 = arith.select %gt3A_471, %div3A_470, %select_n3A_423 : vector<160x128xi1>, vector<160x128xf32>
      %broadcast_in_dim3A_473 = vector.broadcast %scan3A_427 : i32 to vector<160x128xi32>
      %select_n3A_474 = arith.select %gt3A_471, %broadcast_in_dim3A_473, %select_n3A_425 : vector<160x128xi1>, vector<160x128xi32>
      %scan3A_475 = arith.constant 9 : i32
      %scan3A_476 = arith.addi %scan3A_39, %scan3A_475 : i32
      %get3A_477 = arith.constant 0 : index
      %get3A_478 = arith.index_cast %scan3A_476 : i32 to index
      %get3A_479 = arith.constant 0 : index
      %get3A_480 = memref.load %arg2[%get3A_477, %get3A_478, %get3A_479] : memref<1x100x4xf32, #tpu.memory_space<smem>>
      %get3A_481 = arith.constant 0 : index
      %get3A_482 = arith.index_cast %scan3A_476 : i32 to index
      %get3A_483 = arith.constant 1 : index
      %get3A_484 = memref.load %arg2[%get3A_481, %get3A_482, %get3A_483] : memref<1x100x4xf32, #tpu.memory_space<smem>>
      %get3A_485 = arith.constant 0 : index
      %get3A_486 = arith.index_cast %scan3A_476 : i32 to index
      %get3A_487 = arith.constant 2 : index
      %get3A_488 = memref.load %arg2[%get3A_485, %get3A_486, %get3A_487] : memref<1x100x4xf32, #tpu.memory_space<smem>>
      %get3A_489 = arith.constant 0 : index
      %get3A_490 = arith.index_cast %scan3A_476 : i32 to index
      %get3A_491 = arith.constant 3 : index
      %get3A_492 = memref.load %arg2[%get3A_489, %get3A_490, %get3A_491] : memref<1x100x4xf32, #tpu.memory_space<smem>>
      %sub3A_493 = arith.subf %get3A_488, %get3A_480 : f32
      %sub3A_494 = arith.subf %get3A_492, %get3A_484 : f32
      %mul3A_495 = arith.mulf %sub3A_493, %sub3A_494 : f32
      %min3A_496 = vector.broadcast %get3A_488 : f32 to vector<160x128xf32>
      %min3A_497 = arith.minimumf %get3A_13, %min3A_496 : vector<160x128xf32>
      %max3A_498 = vector.broadcast %get3A_480 : f32 to vector<160x128xf32>
      %max3A_499 = arith.maximumf %get3A_3, %max3A_498 : vector<160x128xf32>
      %sub3A_500 = arith.subf %min3A_497, %max3A_499 : vector<160x128xf32>
      %max3A_501 = arith.constant 0.000000e+00 : f32
      %max3A_502 = vector.broadcast %max3A_501 : f32 to vector<160x128xf32>
      %max3A_503 = arith.maximumf %sub3A_500, %max3A_502 : vector<160x128xf32>
      %min3A_504 = vector.broadcast %get3A_492 : f32 to vector<160x128xf32>
      %min3A_505 = arith.minimumf %get3A_18, %min3A_504 : vector<160x128xf32>
      %max3A_506 = vector.broadcast %get3A_484 : f32 to vector<160x128xf32>
      %max3A_507 = arith.maximumf %get3A_8, %max3A_506 : vector<160x128xf32>
      %sub3A_508 = arith.subf %min3A_505, %max3A_507 : vector<160x128xf32>
      %max3A_509 = arith.constant 0.000000e+00 : f32
      %max3A_510 = vector.broadcast %max3A_509 : f32 to vector<160x128xf32>
      %max3A_511 = arith.maximumf %sub3A_508, %max3A_510 : vector<160x128xf32>
      %mul3A_512 = arith.mulf %max3A_503, %max3A_511 : vector<160x128xf32>
      %add3A_513 = vector.broadcast %mul3A_495 : f32 to vector<160x128xf32>
      %add3A_514 = arith.addf %mul3A, %add3A_513 : vector<160x128xf32>
      %sub3A_515 = arith.subf %add3A_514, %mul3A_512 : vector<160x128xf32>
      %max3A_516 = arith.constant 9.99999993E-9 : f32
      %max3A_517 = vector.broadcast %max3A_516 : f32 to vector<160x128xf32>
      %max3A_518 = arith.maximumf %sub3A_515, %max3A_517 : vector<160x128xf32>
      %div3A_519 = arith.divf %mul3A_512, %max3A_518 : vector<160x128xf32>
      %gt3A_520 = arith.cmpf ogt, %div3A_519, %select_n3A_472 : vector<160x128xf32>
      %select_n3A_521 = arith.select %gt3A_520, %div3A_519, %select_n3A_472 : vector<160x128xi1>, vector<160x128xf32>
      %broadcast_in_dim3A_522 = vector.broadcast %scan3A_476 : i32 to vector<160x128xi32>
      %select_n3A_523 = arith.select %gt3A_520, %broadcast_in_dim3A_522, %select_n3A_474 : vector<160x128xi1>, vector<160x128xi32>
      scf.yield %select_n3A_521, %select_n3A_523 : vector<160x128xf32>, vector<160x128xi32>
    }
    %scan3A_27 = arith.constant 100 : i32
    %swap3A = arith.constant 0 : index
    %swap3A_28 = arith.constant 0 : index
    %swap3A_29 = arith.constant 0 : index
    %swap3A_30 = vector.load %arg7[%swap3A, %swap3A_28, %swap3A_29] : memref<1x160x128xf32, #tpu.memory_space<vmem>>, vector<1x160x128xf32>
    %swap3A_31 = vector.shape_cast %swap3A_30 : vector<1x160x128xf32> to vector<160x128xf32>
    %swap3A_32 = vector.shape_cast %scan3A_26#0 : vector<160x128xf32> to vector<1x160x128xf32>
    tpu.vector_store %arg7[%swap3A, %swap3A_28, %swap3A_29], %swap3A_32 {strides = array<i32>} : memref<1x160x128xf32, #tpu.memory_space<vmem>>, vector<1x160x128xf32>,
    %swap3A_33 = arith.constant 0 : index
    %swap3A_34 = arith.constant 0 : index
    %swap3A_35 = arith.constant 0 : index
    %swap3A_36 = vector.load %arg8[%swap3A_33, %swap3A_34, %swap3A_35] : memref<1x160x128xi32, #tpu.memory_space<vmem>>, vector<1x160x128xi32>
    %swap3A_37 = vector.shape_cast %swap3A_36 : vector<1x160x128xi32> to vector<160x128xi32>
    %swap3A_38 = vector.shape_cast %scan3A_26#1 : vector<160x128xi32> to vector<1x160x128xi32>
    tpu.vector_store %arg8[%swap3A_33, %swap3A_34, %swap3A_35], %swap3A_38 {strides = array<i32>} : memref<1x160x128xi32, #tpu.memory_space<vmem>>, vector<1x160x128xi32>,
    return
  }
  func.func @transform_0(%arg0: i32, %arg1: i32) -> (i32, i32, i32) {
    %c0_i32 = arith.constant 0 : i32
    %c0_i32_0 = arith.constant 0 : i32
    %c0_i32_1 = arith.constant 0 : i32
    return %arg0, %c0_i32, %c0_i32_0 : i32, i32, i32
  }
  func.func @transform_1(%arg0: i32, %arg1: i32) -> (i32, i32, i32) {
    %c0_i32 = arith.constant 0 : i32
    %c0_i32_0 = arith.constant 0 : i32
    return %arg0, %arg1, %c0_i32 : i32, i32, i32
  }
  func.func @transform_2(%arg0: i32, %arg1: i32) -> (i32, i32, i32) {
    %c0_i32 = arith.constant 0 : i32
    %c0_i32_0 = arith.constant 0 : i32
    return %arg0, %arg1, %c0_i32 : i32, i32, i32
  }
  func.func @transform_3(%arg0: i32, %arg1: i32) -> (i32, i32, i32) {
    %c0_i32 = arith.constant 0 : i32
    %c0_i32_0 = arith.constant 0 : i32
    return %arg0, %arg1, %c0_i32 : i32, i32, i32
  }
  func.func @transform_4(%arg0: i32, %arg1: i32) -> (i32, i32, i32) {
    %c0_i32 = arith.constant 0 : i32
    %c0_i32_0 = arith.constant 0 : i32
    return %arg0, %arg1, %c0_i32 : i32, i32, i32
  }
  func.func @transform_5(%arg0: i32, %arg1: i32) -> (i32, i32, i32) {
    %c0_i32 = arith.constant 0 : i32
    %c0_i32_0 = arith.constant 0 : i32
    return %arg0, %arg1, %c0_i32 : i32, i32, i32
  }
  func.func @transform_6(%arg0: i32, %arg1: i32) -> (i32, i32, i32) {
    %c0_i32 = arith.constant 0 : i32
    %c0_i32_0 = arith.constant 0 : i32
    return %arg0, %arg1, %c0_i32 : i32, i32, i32
  }
}

module attributes {stable_mosaic.version = 14 : i64} {
  func.func @_stage_c_body(%arg0: memref<4x32x128xf32, #tpu.memory_space<vmem>>, %arg1: memref<4x32x128xf32, #tpu.memory_space<vmem>>, %arg2: memref<32x128xi32, #tpu.memory_space<vmem>>, %arg3: memref<32x128xi32, #tpu.memory_space<vmem>>, %arg4: memref<4x32x128xf32, #tpu.memory_space<vmem>>, %arg5: memref<32x128xi32, #tpu.memory_space<vmem>>) attributes {dimension_semantics = [], scalar_prefetch = 0 : i64, scratch_operands = 0 : i64, tpu.core_type = #tpu.core_type<tc>} {
    %get3A = arith.constant 0 : index
    %get3A_0 = arith.constant 0 : index
    %get3A_1 = arith.constant 0 : index
    %get3A_2 = vector.load %arg0[%get3A, %get3A_0, %get3A_1] : memref<4x32x128xf32, #tpu.memory_space<vmem>>, vector<1x32x128xf32>
    %get3A_3 = vector.shape_cast %get3A_2 : vector<1x32x128xf32> to vector<32x128xf32>
    %get3A_4 = arith.constant 1 : index
    %get3A_5 = arith.constant 0 : index
    %get3A_6 = arith.constant 0 : index
    %get3A_7 = vector.load %arg0[%get3A_4, %get3A_5, %get3A_6] : memref<4x32x128xf32, #tpu.memory_space<vmem>>, vector<1x32x128xf32>
    %get3A_8 = vector.shape_cast %get3A_7 : vector<1x32x128xf32> to vector<32x128xf32>
    %get3A_9 = arith.constant 2 : index
    %get3A_10 = arith.constant 0 : index
    %get3A_11 = arith.constant 0 : index
    %get3A_12 = vector.load %arg0[%get3A_9, %get3A_10, %get3A_11] : memref<4x32x128xf32, #tpu.memory_space<vmem>>, vector<1x32x128xf32>
    %get3A_13 = vector.shape_cast %get3A_12 : vector<1x32x128xf32> to vector<32x128xf32>
    %get3A_14 = arith.constant 3 : index
    %get3A_15 = arith.constant 0 : index
    %get3A_16 = arith.constant 0 : index
    %get3A_17 = vector.load %arg0[%get3A_14, %get3A_15, %get3A_16] : memref<4x32x128xf32, #tpu.memory_space<vmem>>, vector<1x32x128xf32>
    %get3A_18 = vector.shape_cast %get3A_17 : vector<1x32x128xf32> to vector<32x128xf32>
    %get3A_19 = arith.constant 0 : index
    %get3A_20 = arith.constant 0 : index
    %get3A_21 = arith.constant 0 : index
    %get3A_22 = vector.load %arg1[%get3A_19, %get3A_20, %get3A_21] : memref<4x32x128xf32, #tpu.memory_space<vmem>>, vector<1x32x128xf32>
    %get3A_23 = vector.shape_cast %get3A_22 : vector<1x32x128xf32> to vector<32x128xf32>
    %get3A_24 = arith.constant 1 : index
    %get3A_25 = arith.constant 0 : index
    %get3A_26 = arith.constant 0 : index
    %get3A_27 = vector.load %arg1[%get3A_24, %get3A_25, %get3A_26] : memref<4x32x128xf32, #tpu.memory_space<vmem>>, vector<1x32x128xf32>
    %get3A_28 = vector.shape_cast %get3A_27 : vector<1x32x128xf32> to vector<32x128xf32>
    %get3A_29 = arith.constant 2 : index
    %get3A_30 = arith.constant 0 : index
    %get3A_31 = arith.constant 0 : index
    %get3A_32 = vector.load %arg1[%get3A_29, %get3A_30, %get3A_31] : memref<4x32x128xf32, #tpu.memory_space<vmem>>, vector<1x32x128xf32>
    %get3A_33 = vector.shape_cast %get3A_32 : vector<1x32x128xf32> to vector<32x128xf32>
    %get3A_34 = arith.constant 3 : index
    %get3A_35 = arith.constant 0 : index
    %get3A_36 = arith.constant 0 : index
    %get3A_37 = vector.load %arg1[%get3A_34, %get3A_35, %get3A_36] : memref<4x32x128xf32, #tpu.memory_space<vmem>>, vector<1x32x128xf32>
    %get3A_38 = vector.shape_cast %get3A_37 : vector<1x32x128xf32> to vector<32x128xf32>
    %sub3A = arith.subf %get3A_13, %get3A_3 : vector<32x128xf32>
    %max3A = arith.constant 9.99999993E-9 : f32
    %max3A_39 = vector.broadcast %max3A : f32 to vector<32x128xf32>
    %max3A_40 = arith.maximumf %sub3A, %max3A_39 : vector<32x128xf32>
    %sub3A_41 = arith.subf %get3A_18, %get3A_8 : vector<32x128xf32>
    %max3A_42 = arith.constant 9.99999993E-9 : f32
    %max3A_43 = vector.broadcast %max3A_42 : f32 to vector<32x128xf32>
    %max3A_44 = arith.maximumf %sub3A_41, %max3A_43 : vector<32x128xf32>
    %mul3A = arith.constant 5.000000e-01 : f32
    %mul3A_45 = vector.broadcast %mul3A : f32 to vector<32x128xf32>
    %mul3A_46 = arith.mulf %mul3A_45, %max3A_40 : vector<32x128xf32>
    %add3A = arith.addf %get3A_3, %mul3A_46 : vector<32x128xf32>
    %mul3A_47 = arith.constant 5.000000e-01 : f32
    %mul3A_48 = vector.broadcast %mul3A_47 : f32 to vector<32x128xf32>
    %mul3A_49 = arith.mulf %mul3A_48, %max3A_44 : vector<32x128xf32>
    %add3A_50 = arith.addf %get3A_8, %mul3A_49 : vector<32x128xf32>
    %sub3A_51 = arith.subf %get3A_33, %get3A_23 : vector<32x128xf32>
    %max3A_52 = arith.constant 9.99999993E-9 : f32
    %max3A_53 = vector.broadcast %max3A_52 : f32 to vector<32x128xf32>
    %max3A_54 = arith.maximumf %sub3A_51, %max3A_53 : vector<32x128xf32>
    %sub3A_55 = arith.subf %get3A_38, %get3A_28 : vector<32x128xf32>
    %max3A_56 = arith.constant 9.99999993E-9 : f32
    %max3A_57 = vector.broadcast %max3A_56 : f32 to vector<32x128xf32>
    %max3A_58 = arith.maximumf %sub3A_55, %max3A_57 : vector<32x128xf32>
    %mul3A_59 = arith.constant 5.000000e-01 : f32
    %mul3A_60 = vector.broadcast %mul3A_59 : f32 to vector<32x128xf32>
    %mul3A_61 = arith.mulf %mul3A_60, %max3A_54 : vector<32x128xf32>
    %add3A_62 = arith.addf %get3A_23, %mul3A_61 : vector<32x128xf32>
    %mul3A_63 = arith.constant 5.000000e-01 : f32
    %mul3A_64 = vector.broadcast %mul3A_63 : f32 to vector<32x128xf32>
    %mul3A_65 = arith.mulf %mul3A_64, %max3A_58 : vector<32x128xf32>
    %add3A_66 = arith.addf %get3A_28, %mul3A_65 : vector<32x128xf32>
    %get3A_67 = arith.constant 0 : index
    %get3A_68 = arith.constant 0 : index
    %get3A_69 = vector.load %arg3[%get3A_67, %get3A_68] : memref<32x128xi32, #tpu.memory_space<vmem>>, vector<32x128xi32>
    %ne3A = arith.constant 0 : i32
    %ne3A_70 = vector.broadcast %ne3A : i32 to vector<32x128xi32>
    %ne3A_71 = arith.cmpi ne, %get3A_69, %ne3A_70 : vector<32x128xi32>
    %broadcast_in_dim3A = arith.constant 0.000000e+00 : f32
    %broadcast_in_dim3A_72 = vector.broadcast %broadcast_in_dim3A : f32 to vector<32x128xf32>
    %sub3A_73 = arith.subf %add3A_62, %add3A : vector<32x128xf32>
    %div3A = arith.divf %sub3A_73, %max3A_40 : vector<32x128xf32>
    %select_n3A = arith.select %ne3A_71, %div3A, %broadcast_in_dim3A_72 : vector<32x128xi1>, vector<32x128xf32>
    %swap3A = arith.constant 0 : index
    %swap3A_74 = arith.constant 0 : index
    %swap3A_75 = arith.constant 0 : index
    %swap3A_76 = vector.load %arg4[%swap3A, %swap3A_74, %swap3A_75] : memref<4x32x128xf32, #tpu.memory_space<vmem>>, vector<1x32x128xf32>
    %swap3A_77 = vector.shape_cast %swap3A_76 : vector<1x32x128xf32> to vector<32x128xf32>
    %swap3A_78 = vector.shape_cast %select_n3A : vector<32x128xf32> to vector<1x32x128xf32>
    tpu.vector_store %arg4[%swap3A, %swap3A_74, %swap3A_75], %swap3A_78 {strides = array<i32>} : memref<4x32x128xf32, #tpu.memory_space<vmem>>, vector<1x32x128xf32>,
    %sub3A_79 = arith.subf %add3A_66, %add3A_50 : vector<32x128xf32>
    %div3A_80 = arith.divf %sub3A_79, %max3A_44 : vector<32x128xf32>
    %select_n3A_81 = arith.select %ne3A_71, %div3A_80, %broadcast_in_dim3A_72 : vector<32x128xi1>, vector<32x128xf32>
    %swap3A_82 = arith.constant 1 : index
    %swap3A_83 = arith.constant 0 : index
    %swap3A_84 = arith.constant 0 : index
    %swap3A_85 = vector.load %arg4[%swap3A_82, %swap3A_83, %swap3A_84] : memref<4x32x128xf32, #tpu.memory_space<vmem>>, vector<1x32x128xf32>
    %swap3A_86 = vector.shape_cast %swap3A_85 : vector<1x32x128xf32> to vector<32x128xf32>
    %swap3A_87 = vector.shape_cast %select_n3A_81 : vector<32x128xf32> to vector<1x32x128xf32>
    tpu.vector_store %arg4[%swap3A_82, %swap3A_83, %swap3A_84], %swap3A_87 {strides = array<i32>} : memref<4x32x128xf32, #tpu.memory_space<vmem>>, vector<1x32x128xf32>,
    %div3A_88 = arith.divf %max3A_54, %max3A_40 : vector<32x128xf32>
    %log3A = math.log %div3A_88 : vector<32x128xf32>
    %select_n3A_89 = arith.select %ne3A_71, %log3A, %broadcast_in_dim3A_72 : vector<32x128xi1>, vector<32x128xf32>
    %swap3A_90 = arith.constant 2 : index
    %swap3A_91 = arith.constant 0 : index
    %swap3A_92 = arith.constant 0 : index
    %swap3A_93 = vector.load %arg4[%swap3A_90, %swap3A_91, %swap3A_92] : memref<4x32x128xf32, #tpu.memory_space<vmem>>, vector<1x32x128xf32>
    %swap3A_94 = vector.shape_cast %swap3A_93 : vector<1x32x128xf32> to vector<32x128xf32>
    %swap3A_95 = vector.shape_cast %select_n3A_89 : vector<32x128xf32> to vector<1x32x128xf32>
    tpu.vector_store %arg4[%swap3A_90, %swap3A_91, %swap3A_92], %swap3A_95 {strides = array<i32>} : memref<4x32x128xf32, #tpu.memory_space<vmem>>, vector<1x32x128xf32>,
    %div3A_96 = arith.divf %max3A_58, %max3A_44 : vector<32x128xf32>
    %log3A_97 = math.log %div3A_96 : vector<32x128xf32>
    %select_n3A_98 = arith.select %ne3A_71, %log3A_97, %broadcast_in_dim3A_72 : vector<32x128xi1>, vector<32x128xf32>
    %swap3A_99 = arith.constant 3 : index
    %swap3A_100 = arith.constant 0 : index
    %swap3A_101 = arith.constant 0 : index
    %swap3A_102 = vector.load %arg4[%swap3A_99, %swap3A_100, %swap3A_101] : memref<4x32x128xf32, #tpu.memory_space<vmem>>, vector<1x32x128xf32>
    %swap3A_103 = vector.shape_cast %swap3A_102 : vector<1x32x128xf32> to vector<32x128xf32>
    %swap3A_104 = vector.shape_cast %select_n3A_98 : vector<32x128xf32> to vector<1x32x128xf32>
    tpu.vector_store %arg4[%swap3A_99, %swap3A_100, %swap3A_101], %swap3A_104 {strides = array<i32>} : memref<4x32x128xf32, #tpu.memory_space<vmem>>, vector<1x32x128xf32>,
    %get3A_105 = arith.constant 0 : index
    %get3A_106 = arith.constant 0 : index
    %get3A_107 = vector.load %arg2[%get3A_105, %get3A_106] : memref<32x128xi32, #tpu.memory_space<vmem>>, vector<32x128xi32>
    %jit3A = arith.constant 0 : i32
    %broadcast_in_dim3A_108 = vector.broadcast %jit3A : i32 to vector<32x128xi32>
    %select_n3A_109 = arith.select %ne3A_71, %get3A_107, %broadcast_in_dim3A_108 : vector<32x128xi1>, vector<32x128xi32>
    %swap3A_110 = arith.constant 0 : index
    %swap3A_111 = arith.constant 0 : index
    %swap3A_112 = vector.load %arg5[%swap3A_110, %swap3A_111] : memref<32x128xi32, #tpu.memory_space<vmem>>, vector<32x128xi32>
    tpu.vector_store %arg5[%swap3A_110, %swap3A_111], %select_n3A_109 {strides = array<i32>} : memref<32x128xi32, #tpu.memory_space<vmem>>, vector<32x128xi32>,
    return
  }
}

</mosaic_0001>

<sc_bundles>
// kernel: kernel.5.cloned.1.call-start
scs
__scs_entry_jumppad:
0x0: {  	(pc) =	sbr.rel $0x88, $3  }
0x1: {  	(tag) =	ssettag $0x0;
	lr =	simm.s32 $0x1  }
0x2: {  	[smem:$0x3F9E] =	sst lr;
	_ =	strace $0xD0000000  }
0x3: {  	_ = 	snop  }
0x4: {  	_ = 	snop  }
0x5: {  	_ = 	snop  }
0x6: {  	_ = 	snop  }
0x7: {  	_ = 	snop  }
__scs_overlays_trampoline_lowered:
0x8: {  	[smem:$0x3FAD] =	sst s0  }
0x9: {  	[smem:$0x3FAE] =	sst s1  }
0xa: {  	[smem:$0x3FAF] =	sst s2  }
0xb: {  	[smem:$0x3FB0] =	sst s3  }
0xc: {  	[smem:$0x3FB1] =	sst s4  }
0xd: {  	[smem:$0x3FB2] =	sst s5  }
0xe: {  	[smem:$0x3FB3] =	sst s6  }
0xf: {  	[smem:$0x3FB4] =	sst s7  }
0x10: {  	[smem:$0x3FB5] =	sst s8  }
0x11: {  	[smem:$0x3FB6] =	sst s9;
	s0 =	simm.s32 @!p0 $0x0  }
0x12: {  	s1 =	sld [smem:$0x3F9C];
	s0 =	simm.s32 @p0 $0x1  }
0x13: {  	[smem:$0x3FB7] =	sst s0;
	s0 =	simm.s32 @!p1 $0x0  }
0x14: {  	s2 =	sld [smem:$0x3F9B];
	s0 =	simm.s32 @p1 $0x1  }
0x15: {  	[smem:$0x3FB8] =	sst s0;
	s0 =	simm.s32 @!p2 $0x0  }
0x16: {  	s3 =	sld [smem:$0x3FDB];
	s0 =	simm.s32 @p2 $0x1  }
0x17: {  	s4 =	simm.s32 $0x1BF5;
	[smem:$0x3FBA] =	sst s0  }
0x18: {  	s0 =	sld [smem:$0x3F9D];
	_ =	swait.ge [sflag:s4], $0x0  }
0x19: {  	s7 =	sld [smem:$0x3F9E]  }
0x1a: {  	s8 =	sadd.s32 $0xFFFFE003, lr  }
0x1b: {  	s9 =	sadd.s32 $0xFFFFFEF7, lr;
	s5 =	simm.s32 $0xFFFFFFFF;
	p2 =	slt.u32 s8, $0xFFFFF086  }
0x1c: {  	p1 =	slt.u32 s9, $0xF7A;
	s5 =	simm.s32 @!p2 $0x0  }
0x1d: {  	s5 =	simm.s32 @p1 $0x1;
	p0 =	seq.s32 s7, s2  }
0x1e: {  	s7 =	smul.u32 @!p0 $0xF7A, s2;
	p2 =	seq.s32 @!p0 s5, $0x0  }
0x1f: {  	s9 =	smul.u32 $0xF7A, s1;
	s8 =	simm.s32 @!p0 $0x1BF5;
	p2 =	por !p2, p0  }
0x20: {  	[sflag:s8] =	ssyncset.s32 @!p0 $0xFFFFF086;
	s6 =	sadd.s32 @!p0 s3, s7;
	s7 =	simm.s32 @!p0 $0x108  }
0x21: {  	s3 =	sadd.s32 s3, s9;
	s6 =	sadd.s32 @!p0 $0x88, s6;
	s7 =	simm.s32 @p2 $0x1082  }
0x22: {  	[simem:s7], [sflag:s8] =	dma.local @!p0 [hbm:s6], $0xF7A  }
0x23: {  	s9 =	sor.u32 $0xD0000000, s2;
	s6 =	simm.s32 $0x108;
	_ =	swait.ge @!p0 [sflag:s8], $0x0  }
0x24: {  	s3 =	sadd.s32 $0x88, s3;
	s6 =	simm.s32 @!p1 $0x1082;
	[sflag:s4] =	ssyncset.s32 $0xFFFFF086  }
0x25: {  	[simem:s6], [sflag:s4] =	dma.local [hbm:s3], $0xF7A  }
0x26: {  	[smem:$0x3F9E] =	sst s1;
	(tag) =	ssettag s2;
	_ =	strace s9  }
0x27: {  	s1 =	sld [smem:$0x3FAE]  }
0x28: {  	s2 =	sld [smem:$0x3FAF]  }
0x29: {  	s4 =	sld [smem:$0x3FB1]  }
0x2a: {  	p0 =	seq.s32 s5, $0x0;
	s5 =	sld [smem:$0x3FB2]  }
0x2b: {  	s6 =	sld [smem:$0x3FB3]  }
0x2c: {  	s7 =	sld [smem:$0x3FB4]  }
0x2d: {  	s3 =	simm.s32 $0x108;
	s8 =	sld [smem:$0x3FB5]  }
0x2e: {  	s3 =	simm.s32 @!p0 $0x1082;
	s9 =	sld [smem:$0x3FB6]  }
0x2f: {  	lr =	sadd.s32 s0, s3;
	s0 =	sld [smem:$0x3FAD]  }
0x30: {  	s3 =	sld [smem:$0x3FB0]  }
0x31: {  	[smem:$0x3FB9] =	sst s10  }
0x32: {  	s10 =	sld [smem:$0x3FB7];
	_ =	sdelay $0x3  }
0x33: {  	p0 =	seq.s32 s10, $0x1;
	s10 =	sld [smem:$0x3FB9];
	_ =	sdelay $0x3  }
0x34: {  	[smem:$0x3FB9] =	sst s10  }
0x35: {  	s10 =	sld [smem:$0x3FB8];
	_ =	sdelay $0x3  }
0x36: {  	p1 =	seq.s32 s10, $0x1;
	s10 =	sld [smem:$0x3FB9];
	_ =	sdelay $0x3  }
0x37: {  	[smem:$0x3FB9] =	sst s10  }
0x38: {  	s10 =	sld [smem:$0x3FBA]  }
0x39: {  	_ = 	snop;
	(pc) =	sbr.ind lr, $3  }
0x3a: {  	_ = 	snop  }
0x3b: {  	_ = 	snop  }
0x3c: {  	p2 =	seq.s32 s10, $0x1;
	s10 =	sld [smem:$0x3FB9]  }
0x3d: {  	_ =	shalt  }
0x3e: {  	_ =	shalt  }
0x3f: {  	_ =	shalt  }
0x40: {  	_ =	shalt  }
0x41: {  	_ =	shalt  }
0x42: {  	_ =	shalt  }
0x43: {  	_ =	shalt  }
0x44: {  	_ =	shalt  }
0x45: {  	_ =	shalt  }
0x46: {  	_ =	shalt  }
0x47: {  	_ =	shalt  }
0x48: {  	_ =	shalt  }
0x49: {  	_ =	shalt  }
0x4a: {  	_ =	shalt  }
0x4b: {  	_ =	shalt  }
0x4c: {  	_ =	shalt  }
0x4d: {  	_ =	shalt  }
0x4e: {  	_ =	shalt  }
0x4f: {  	_ =	shalt  }
0x50: {  	_ =	shalt  }
0x51: {  	_ =	shalt  }
0x52: {  	_ =	shalt  }
0x53: {  	_ =	shalt  }
0x54: {  	_ =	shalt  }
0x55: {  	_ =	shalt  }
0x56: {  	_ =	shalt  }
0x57: {  	_ =	shalt  }
0x58: {  	_ =	shalt  }
0x59: {  	_ =	shalt  }
0x5a: {  	_ =	shalt  }
0x5b: {  	_ =	shalt  }
0x5c: {  	_ =	shalt  }
0x5d: {  	_ =	shalt  }
0x5e: {  	_ =	shalt  }
0x5f: {  	_ =	shalt  }
0x60: {  	_ =	shalt  }
0x61: {  	_ =	shalt  }
0x62: {  	_ =	shalt  }
0x63: {  	_ =	shalt  }
0x64: {  	_ =	shalt  }
0x65: {  	_ =	shalt  }
0x66: {  	_ =	shalt  }
0x67: {  	_ =	shalt  }
0x68: {  	_ =	shalt  }
0x69: {  	_ =	shalt  }
0x6a: {  	_ =	shalt  }
0x6b: {  	_ =	shalt  }
0x6c: {  	_ =	shalt  }
0x6d: {  	_ =	shalt  }
0x6e: {  	_ =	shalt  }
0x6f: {  	_ =	shalt  }
0x70: {  	_ =	shalt  }
0x71: {  	_ =	shalt  }
0x72: {  	_ =	shalt  }
0x73: {  	_ =	shalt  }
0x74: {  	_ =	shalt  }
0x75: {  	_ =	shalt  }
0x76: {  	_ =	shalt  }
0x77: {  	_ =	shalt  }
0x78: {  	_ =	shalt  }
0x79: {  	_ =	shalt  }
0x7a: {  	_ =	shalt  }
0x7b: {  	_ =	shalt  }
0x7c: {  	_ =	shalt  }
0x7d: {  	_ =	shalt  }
0x7e: {  	_ =	shalt  }
0x7f: {  	_ =	shalt  }
0x80: {  	_ =	shalt  }
0x81: {  	_ =	shalt  }
0x82: {  	_ =	shalt  }
0x83: {  	_ =	shalt  }
0x84: {  	_ =	shalt  }
0x85: {  	_ =	shalt  }
0x86: {  	_ =	shalt  }
0x87: {  	_ =	shalt  }
.Lfunc_end0:
.L_simem_size_0:
called_computation_lowered:
.L_overlay_start_0:
0x88: {  	s2 =	sld [smem:$0x3FD9]  }
0x89: {  	s3 =	sld [smem:$0x3FFE];
	_ =	sdelay $0x1  }
0x8a: {  	s1 =	srdreg.scid  }
0x8b: {  	s0 =	sand.u32 $0x1, s1  }
0x8c: {  	s14 =	sshll.u32 s0, $0xA;
	s2 =	sadd.s32 s3, s2  }
0x8d: {  	s2 =	sadd.s32 s2, s14  }
0x8e: {  	[smem:$0x3FC5] =	sst s2  }
0x8f: {  	_ = 	snop  }
0x90: {  	s2 =	sld [smem:$0x3FD0];
	_ =	sdelay $0x2  }
0x91: {  	s15 =	simm.s32 $0xA;
	s4 =	simm.s32 $0x10  }
0x92: {  	[smem:s4], [sflag:s15] =	dma.local [hbm:s2], $0x1  }
0x93: {  	_ =	swait.eq [sflag:s15], $0x1  }
0x94: {  	s16 =	sld [smem:$0x10];
	[sflag:s15] =	ssyncset.done $0x0  }
0x95: {  	s17 =	sld [smem:$0x11];
	[sflag:s15] =	ssyncadd.s32 $0xFFFFFFFF  }
0x96: {  	s18 =	sld [smem:$0x12];
	(tm) =	ssettm $0x1  }
0x97: {  	s5 =	sld [smem:$0x3FFB];
	_ =	sdelay $0x3  }
0x98: {  	_ =	strace s5  }
0x99: {  	s5 =	sld [smem:$0x3FFC];
	_ =	sdelay $0x3  }
0x9a: {  	_ =	strace s5  }
0x9b: {  	s5 =	sld [smem:$0x3FFD];
	_ =	sdelay $0x3  }
0x9c: {  	_ =	strace s5  }
0x9d: {  	_ =	strace $0x8FFFFFFF  }
0x9e: {  	s19 =	sld [smem:$0x3FDB];
	_ =	sdelay $0x1  }
0x9f: {  	s6 =	simm.s32 $_scs_section_size  }
0xa0: {  	s7 =	simm.s32 $_size__tile_overlayer_lowered;
	s8 =	simm.s32 $_tile_overlayer_lowered  }
0xa1: {  	s22 =	simm.s32 $0x1BFF;
	s21 =	sshll.u32 s8, $0x1;
	s5 =	sadd.s32 s6, s19  }
0xa2: {  	s9 =	simm.s32 $0x0;
	s20 =	sshll.u32 s7, $0x1;
	s7 =	sadd.s32 s21, s5  }
0xa3: {  	[timem:s9], [sflag:s22] =	dma.local [hbm:s7], s20  }
0xa4: {  	_ =	swait.ge [sflag:s22], s20  }
0xa5: {  	s6 =	ssub.s32 $0x0, s20;
	[sflag:s22] =	ssyncset.done $0x0  }
0xa6: {  	[sflag:s22] =	ssyncadd.s32 s6;
	_ =	sdelay $0x1  }
0xa7: {  	s23 =	simm.s32 $0x1B8B  }
0xa8: {  	_ =	swait.ge [sflag:s23], $0x1  }
0xa9: {  	[sflag:s23] =	ssyncset.done $0x0  }
0xaa: {  	s25 =	simm.s32 $0x1B8E;
	s24 =	sld [smem:$0x3FFE];
	[sflag:s23] =	ssyncadd.s32 $0xFFFFFFFF  }
0xab: {  	s26 =	simm.s32 $execute0_lowered;
	[smem:$0x3FD2] =	sst s25  }
0xac: {  	s7 =	sshll.u32 s26, $0x1;
	_ =	strace $0x80000046;
	[dreg:$0x1] =	wrdreg $0xFFFFFFFF  }
0xad: {  	s28 =	simm.s32 $_size_execute0_lowered;
	s5 =	sadd.s32 s5, s7;
	[dreg:$0x0] =	wrdreg $0x0  }
0xae: {  	s7 =	sshll.u32 s28, $0x1;
	[dreg:$0x2] =	wrdreg s5  }
0xaf: {  	[dreg:$0x3] =	wrdreg s7  }
0xb0: {  	[dreg:$0x4] =	wrdreg $0xC0  }
0xb1: {  	_ =	task [dreg:s9], $0x5FFFF  }
0xb2: {  	[dreg:$0x1] =	wrdreg $0xFFFFFFFF  }
0xb3: {  	[dreg:$0x0] =	wrdreg $0x60  }
0xb4: {  	[dreg:$0x2] =	wrdreg s24  }
0xb5: {  	[dreg:$0x3] =	wrdreg s18  }
0xb6: {  	[dreg:$0x4] =	wrdreg s17  }
0xb7: {  	[dreg:$0x5] =	wrdreg s16  }
0xb8: {  	[dreg:$0x6] =	wrdreg $0x9  }
0xb9: {  	_ =	task.clear_ibuf [dreg:s9], $0x7FFFF;
	_ =	strace $0x90000046  }
0xba: {  	s29 =	simm.s32 $0x9;
	_ =	strace $0x80000048  }
0xbb: {  	_ =	swait.ge [sflag:s29], $0x1  }
0xbc: {  	[sflag:s29] =	ssyncadd.s32 $0xFFFFFFFF  }
0xbd: {  	_ =	strace $0x90000048  }
0xbe: {  	_ =	sfence  }
0xbf: {  	s30 =	sld [smem:$0x0];
	_ =	sdelay $0x2  }
0xc0: {  	s31 =	sshll.u32 s1, $0xD;
	s1 =	sshrl.u32 s1, $0x2  }
0xc1: {  	s3 =	sand.u32 $0x4000, s31;
	s1 =	sadd.s32 s1, s30  }
0xc2: {  	s0 =	sor.u32 s3, s0;
	s1 =	sshll.u32 s1, $0x11  }
0xc3: {  	s0 =	sor.u32 s1, s0  }
0xc4: {  	s0 =	sadd.s32 $0x8F2B, s0  }
0xc5: {  	[sflag:s0] =	ssyncadd.remote.s32 $0x1  }
0xc6: {  	_ =	sfence.sel $0xFFFF  }
0xc7: {  	[dreg:$0x0] =	wrdreg $0xFFFFFFFF;
	(pc) =	sbr.abs _section_cstart, $3  }
0xc8: {  	[dreg:$0x1] =	wrdreg $0xFFFFFFFF  }
0xc9: {  	_ =	task.clear_ibuf [dreg:s9], $0x2FFFF;
	_ =	strace $0x9FFFFFFF  }
0xca: {  	(tm) =	ssettm $0x7FFFFFFF  }
0xcb: {  	_ =	shalt  }
tec
execute0_lowered:
.L_overlay_start_1:
0x0: {  	(tag) =	ssettag $0x1  }
0x1: {  	s4 =	stileid.u32  }
0x2: {  	p0 =	sgt.u32 s4, $0x7  }
.Ltmp0:
0x3: {  	s3 =	rddreg [dreg:$0x0];
	(pc) =	sbr.rel @p0 .LBB2_27-.Ltmp0, $4  }
0x4: {  	s0 =	rddreg [dreg:$0x1]  }
0x5: {  	s1 =	rddreg [dreg:$0x2];
	s2 =	simm.s32 $0x0  }
0x6: {  	[smem:$0x7FF] =	sst s2  }
0x7: {  	s5 =	rddreg [dreg:$0x3];
	_ =	strace $0x80000047  }
0x8: {  	s4 =	srdreg.scid  }
0x9: {  	s13 =	stileid.u32;
	s6 =	sand.u32 $0x1, s4  }
0xa: {  	s4 =	sor.u32 s6, s13  }
0xb: {  	s7 =	sadd.s32 $0x1F600, s3;
	p0 =	seq.s32 s6, $0x1;
	p1 =	seq.s32 s4, $0x0  }
0xc: {  	s8 =	sadd.s32 $0x1F800, s3;
	s9 =	sadd.s32 $0x1FA00, s3;
	p1 =	por !p1, !p0  }
0xd: {  	s10 =	sadd.s32 $0x1FC00, s3;
	s4 =	simm.s32 $0x1;
	p1 =	por !p1, !p1  }
0xe: {  	s11 =	sadd.s32 $0x1F000, s3;
	s12 =	sadd.s32 $0x1F200, s3;
	s4 =	simm.s32 @!p1 $0x0  }
0xf: {  	s15 =	sadd.s32 $0x1F400, s3;
	s14 =	ssub.s32 s13, s4;
	s13 =	sshll.u32 s13, $0x6  }
0x10: {  	s28 =	sadd.s32 $0x5600, s3;
	s29 =	sadd.s32 $0x600, s3;
	s16 =	sadd.s32 s7, s13  }
0x11: {  	s30 =	sadd.s32 $0x14600, s3;
	s23 =	sadd.s32 s8, s13;
	[dreg:$0x5] =	wrdreg s16  }
0x12: {  	s31 =	sadd.s32 $0x14800, s3;
	s24 =	sadd.s32 s9, s13;
	[dreg:$0x6] =	wrdreg s23  }
0x13: {  	p2 =	seq.s32 @!p0 s6, $0x0;
	s25 =	sadd.s32 s10, s13;
	[dreg:$0x7] =	wrdreg s24  }
0x14: {  	p2 =	por p0, !p2;
	s26 =	sadd.s32 s0, s13;
	[dreg:$0x8] =	wrdreg s25  }
0x15: {  	p1 =	seq.s32 s6, $0x0;
	s17 =	sadd.s32 s1, s13;
	[dreg:$0x9] =	wrdreg s26  }
0x16: {  	s4 =	smul.u32 $0x5000, s14;
	s19 =	sadd.s32 s11, s13;
	[dreg:$0xa] =	wrdreg s17  }
0x17: {  	s18 =	sshll.u32 s14, $0x6;
	s20 =	sadd.s32 s12, s13;
	[dreg:$0xc] =	wrdreg s19  }
0x18: {  	s17 =	sadd.s32 s5, s13;
	s16 =	sand.u32 $0x1FFFFFC0, s18;
	[dreg:$0xd] =	wrdreg s20  }
0x19: {  	s13 =	sadd.s32 s15, s13;
	[dreg:$0xb] =	wrdreg s17;
	s21 =	sor.u32 $0x10, s16  }
0x1a: {  	s14 =	smul.u32 $0x64, s14;
	[dreg:$0xe] =	wrdreg s13;
	s7 =	sadd.s32 s7, s21  }
0x1b: {  	s18 =	simm.s32 $0x16000;
	s22 =	sadd.s32 s8, s21;
	[dreg:$0xf] =	wrdreg s7  }
0x1c: {  	s19 =	simm.s32 $0x15000;
	s23 =	sadd.s32 s9, s21;
	[dreg:$0x10] =	wrdreg s22  }
0x1d: {  	s20 =	simm.s32 $0x5000;
	s24 =	sadd.s32 s10, s21;
	[dreg:$0x11] =	wrdreg s23  }
0x1e: {  	s13 =	sshrl.u32 s4, $0x3;
	s25 =	sadd.s32 s0, s21;
	[dreg:$0x12] =	wrdreg s24  }
0x1f: {  	s16 =	simm.s32 $0x2;
	s26 =	sadd.s32 s1, s21;
	[dreg:$0x13] =	wrdreg s25  }
0x20: {  	s17 =	simm.s32 $0x14000;
	s1 =	sadd.s32 s5, s21;
	[dreg:$0x14] =	wrdreg s26  }
0x21: {  	s5 =	sadd.s32 s11, s21;
	s8 =	sadd.s32 s12, s21;
	[dreg:$0x15] =	wrdreg s1  }
0x22: {  	s9 =	sadd.s32 s15, s21;
	s12 =	sadd.s32 $0x15000, s3;
	[dreg:$0x16] =	wrdreg s5  }
0x23: {  	s15 =	simm.s32 $0x1;
	s21 =	simm.s32 $0xF000;
	[dreg:$0x17] =	wrdreg s8  }
0x24: {  	s7 =	ssub.s32 $0x2, s6;
	[dreg:$0x18] =	wrdreg s9;
	s0 =	sadd.s32 s12, s13  }
0x25: {  	s24 =	sadd.s32 $0x1A000, s3;
	s25 =	sadd.s32 $0xF600, s3;
	s26 =	sadd.s32 $0xA600, s3  }
.Ltmp1:
0x26: {  	s1 =	sadd.s32 $0x14C00, s3;
	s13 =	sadd.s32 $0x14E00, s3;
	(pc) =	sbr.rel .LBB2_2-.Ltmp1, $4  }
0x27: {  	v0 =	vlaneseq.u32;
	s22 =	simm.s32 $0xA000;
	s8 =	simm.s32 $0x16700;
	s10 =	sshrl.u32 s7, $0x1  }
0x28: {  	v3 =	vmul.u32 $0xFFFFFFFF, v0;
	s9 =	simm.s32 $0x16780;
	[dreg:$0x19] =	wrdreg s0;
	s11 =	ssub.s32 s7, s10  }
0x29: {  	v4 =	vimm.s32 $0x0;
	v5 =	vimm.s32 $0xF;
	s0 =	sadd.s32 $0x14A00, s3;
	s3 =	simm.s32 $0x80;
	s23 =	smax.u32 s11, $0x1  }
0x2a: {  	v3 =	vadd.s32 $0x4E84, v3;
	v1 =	vmov s4;
	v2 =	vmov s14;
	s7 =	simm.s32 $0x16680;
	[dreg:$0x1a] =	wrdreg s23;
	s23 =	simm.s32 $0x0  }
.LBB2_25:
0x2b: {  	v6 =	vadd.s32 v2, v6  }
0x2c: {  	s5 =	simm.s32 $0x16080;
	[tilespmem:s4+$0x16480] =	vst v6  }
0x2d: {  	[tilespmem:s7], [sflag:$0x1] =	stream.indirect.gather [hbm4b:s25+s3], $0x1, s5, s3, $0xb8;
	[tilespmem:$0x16B00] =	vst v63  }
0x2e: {  	_ =	swait.ge [sflag:s15], $0x80  }
0x2f: {  	[sflag:s15] =	ssyncset.done $0x0  }
0x30: {  	s6 =	simm.s32 $0x16100;
	[sflag:s15] =	ssyncadd.s32 $0xFFFFFF80  }
0x31: {  	[tilespmem:s8], [sflag:$0x1] =	stream.indirect.gather [hbm4b:s25+s3], $0x1, s6, s3, $0xb8;
	[tilespmem:$0x16B00] =	vst v63  }
0x32: {  	_ =	swait.ge [sflag:s15], $0x80  }
0x33: {  	[sflag:s15] =	ssyncset.done $0x0  }
0x34: {  	s10 =	simm.s32 $0x16180;
	[sflag:s15] =	ssyncadd.s32 $0xFFFFFF80  }
0x35: {  	[tilespmem:s9], [sflag:$0x1] =	stream.indirect.gather [hbm4b:s25+s3], $0x1, s10, s3, $0xb8;
	[tilespmem:$0x16B00] =	vst v63  }
0x36: {  	_ =	swait.ge [sflag:s15], $0x80  }
0x37: {  	[sflag:s15] =	ssyncset.done $0x0  }
0x38: {  	s12 =	rddreg [dreg:$0xf];
	[sflag:s15] =	ssyncadd.s32 $0xFFFFFF80  }
0x39: {  	[hbm4b:s12+s2] =	stream.linear.scatter [tilespmem:s7], [sflag:$0x2], $0x180, $0x38;
	[tilespmem:$0x16B00] =	vst v63  }
0x3a: {  	_ =	swait.ge [sflag:s16], $0x180  }
0x3b: {  	[sflag:s16] =	ssyncset.done $0x0  }
0x3c: {  	[sflag:s16] =	ssyncadd.s32 $0xFFFFFE80  }
0x3d: {  	[tilespmem:s7], [sflag:$0x1] =	stream.indirect.gather [hbm4b:s26+s3], $0x1, s5, s3, $0xb8;
	[tilespmem:$0x16B00] =	vst v63  }
0x3e: {  	_ =	swait.ge [sflag:s15], $0x80  }
0x3f: {  	[sflag:s15] =	ssyncset.done $0x0  }
0x40: {  	[sflag:s15] =	ssyncadd.s32 $0xFFFFFF80  }
0x41: {  	[tilespmem:s8], [sflag:$0x1] =	stream.indirect.gather [hbm4b:s26+s3], $0x1, s6, s3, $0xb8;
	[tilespmem:$0x16B00] =	vst v63  }
0x42: {  	_ =	swait.ge [sflag:s15], $0x80  }
0x43: {  	[sflag:s15] =	ssyncset.done $0x0  }
0x44: {  	[sflag:s15] =	ssyncadd.s32 $0xFFFFFF80  }
0x45: {  	[tilespmem:s9], [sflag:$0x1] =	stream.indirect.gather [hbm4b:s26+s3], $0x1, s10, s3, $0xb8;
	[tilespmem:$0x16B00] =	vst v63  }
0x46: {  	_ =	swait.ge [sflag:s15], $0x80  }
0x47: {  	[sflag:s15] =	ssyncset.done $0x0  }
0x48: {  	s14 =	rddreg [dreg:$0x10];
	[sflag:s15] =	ssyncadd.s32 $0xFFFFFF80  }
0x49: {  	[hbm4b:s14+s2] =	stream.linear.scatter [tilespmem:s7], [sflag:$0x2], $0x180, $0x38;
	[tilespmem:$0x16B00] =	vst v63  }
0x4a: {  	_ =	swait.ge [sflag:s16], $0x180  }
0x4b: {  	[sflag:s16] =	ssyncset.done $0x0  }
0x4c: {  	[sflag:s16] =	ssyncadd.s32 $0xFFFFFE80  }
0x4d: {  	[tilespmem:s7], [sflag:$0x1] =	stream.indirect.gather [hbm4b:s28+s3], $0x1, s5, s3, $0xb8;
	[tilespmem:$0x16B00] =	vst v63  }
0x4e: {  	_ =	swait.ge [sflag:s15], $0x80  }
0x4f: {  	[sflag:s15] =	ssyncset.done $0x0  }
0x50: {  	[sflag:s15] =	ssyncadd.s32 $0xFFFFFF80  }
0x51: {  	[tilespmem:s8], [sflag:$0x1] =	stream.indirect.gather [hbm4b:s28+s3], $0x1, s6, s3, $0xb8;
	[tilespmem:$0x16B00] =	vst v63  }
0x52: {  	_ =	swait.ge [sflag:s15], $0x80  }
0x53: {  	[sflag:s15] =	ssyncset.done $0x0  }
0x54: {  	[sflag:s15] =	ssyncadd.s32 $0xFFFFFF80  }
0x55: {  	[tilespmem:s9], [sflag:$0x1] =	stream.indirect.gather [hbm4b:s28+s3], $0x1, s10, s3, $0xb8;
	[tilespmem:$0x16B00] =	vst v63  }
0x56: {  	_ =	swait.ge [sflag:s15], $0x80  }
0x57: {  	[sflag:s15] =	ssyncset.done $0x0  }
0x58: {  	s11 =	rddreg [dreg:$0x11];
	[sflag:s15] =	ssyncadd.s32 $0xFFFFFF80  }
0x59: {  	[hbm4b:s11+s2] =	stream.linear.scatter [tilespmem:s7], [sflag:$0x2], $0x180, $0x38;
	[tilespmem:$0x16B00] =	vst v63  }
0x5a: {  	_ =	swait.ge [sflag:s16], $0x180  }
0x5b: {  	[sflag:s16] =	ssyncset.done $0x0  }
0x5c: {  	[sflag:s16] =	ssyncadd.s32 $0xFFFFFE80  }
0x5d: {  	[tilespmem:s7], [sflag:$0x1] =	stream.indirect.gather [hbm4b:s29+s3], $0x1, s5, s3, $0xb8;
	[tilespmem:$0x16B00] =	vst v63  }
0x5e: {  	_ =	swait.ge [sflag:s15], $0x80  }
0x5f: {  	[sflag:s15] =	ssyncset.done $0x0  }
0x60: {  	[sflag:s15] =	ssyncadd.s32 $0xFFFFFF80  }
0x61: {  	[tilespmem:s8], [sflag:$0x1] =	stream.indirect.gather [hbm4b:s29+s3], $0x1, s6, s3, $0xb8;
	[tilespmem:$0x16B00] =	vst v63  }
0x62: {  	_ =	swait.ge [sflag:s15], $0x80  }
0x63: {  	[sflag:s15] =	ssyncset.done $0x0  }
0x64: {  	[sflag:s15] =	ssyncadd.s32 $0xFFFFFF80  }
0x65: {  	[tilespmem:s9], [sflag:$0x1] =	stream.indirect.gather [hbm4b:s29+s3], $0x1, s10, s3, $0xb8;
	[tilespmem:$0x16B00] =	vst v63  }
0x66: {  	_ =	swait.ge [sflag:s15], $0x80  }
0x67: {  	[sflag:s15] =	ssyncset.done $0x0  }
0x68: {  	s12 =	rddreg [dreg:$0x12];
	[sflag:s15] =	ssyncadd.s32 $0xFFFFFF80  }
0x69: {  	[hbm4b:s12+s2] =	stream.linear.scatter [tilespmem:s7], [sflag:$0x2], $0x180, $0x38;
	[tilespmem:$0x16B00] =	vst v63  }
0x6a: {  	_ =	swait.ge [sflag:s16], $0x180  }
0x6b: {  	[sflag:s16] =	ssyncset.done $0x0  }
0x6c: {  	s5 =	simm.s32 $0x16480;
	[sflag:s16] =	ssyncadd.s32 $0xFFFFFE80  }
0x6d: {  	[tilespmem:s7], [sflag:$0x1] =	stream.indirect.gather [hbm4b:s30+s3], $0x1, s5, s3, $0xb8;
	[tilespmem:$0x16B00] =	vst v63  }
0x6e: {  	_ =	swait.ge [sflag:s15], $0x80  }
0x6f: {  	[sflag:s15] =	ssyncset.done $0x0  }
0x70: {  	s6 =	simm.s32 $0x16500;
	[sflag:s15] =	ssyncadd.s32 $0xFFFFFF80  }
0x71: {  	[tilespmem:s8], [sflag:$0x1] =	stream.indirect.gather [hbm4b:s30+s3], $0x1, s6, s3, $0xb8;
	[tilespmem:$0x16B00] =	vst v63  }
0x72: {  	_ =	swait.ge [sflag:s15], $0x80  }
0x73: {  	[sflag:s15] =	ssyncset.done $0x0  }
0x74: {  	s10 =	simm.s32 $0x16580;
	[sflag:s15] =	ssyncadd.s32 $0xFFFFFF80  }
0x75: {  	[tilespmem:s9], [sflag:$0x1] =	stream.indirect.gather [hbm4b:s30+s3], $0x1, s10, s3, $0xb8;
	[tilespmem:$0x16B00] =	vst v63  }
0x76: {  	_ =	swait.ge [sflag:s15], $0x80  }
0x77: {  	[sflag:s15] =	ssyncset.done $0x0  }
0x78: {  	s14 =	rddreg [dreg:$0x13];
	[sflag:s15] =	ssyncadd.s32 $0xFFFFFF80  }
0x79: {  	[hbm4b:s14+s2] =	stream.linear.scatter [tilespmem:s7], [sflag:$0x2], $0x180, $0x38;
	[tilespmem:$0x16B00] =	vst v63  }
0x7a: {  	_ =	swait.ge [sflag:s16], $0x180  }
0x7b: {  	[sflag:s16] =	ssyncset.done $0x0  }
0x7c: {  	[sflag:s16] =	ssyncadd.s32 $0xFFFFFE80  }
0x7d: {  	[tilespmem:s7], [sflag:$0x1] =	stream.indirect.gather [hbm4b:s31+s3], $0x1, s5, s3, $0xb8;
	[tilespmem:$0x16B00] =	vst v63  }
0x7e: {  	_ =	swait.ge [sflag:s15], $0x80  }
0x7f: {  	[sflag:s15] =	ssyncset.done $0x0  }
0x80: {  	[sflag:s15] =	ssyncadd.s32 $0xFFFFFF80  }
0x81: {  	[tilespmem:s8], [sflag:$0x1] =	stream.indirect.gather [hbm4b:s31+s3], $0x1, s6, s3, $0xb8;
	[tilespmem:$0x16B00] =	vst v63  }
0x82: {  	_ =	swait.ge [sflag:s15], $0x80  }
0x83: {  	[sflag:s15] =	ssyncset.done $0x0  }
0x84: {  	[sflag:s15] =	ssyncadd.s32 $0xFFFFFF80  }
0x85: {  	[tilespmem:s9], [sflag:$0x1] =	stream.indirect.gather [hbm4b:s31+s3], $0x1, s10, s3, $0xb8;
	[tilespmem:$0x16B00] =	vst v63  }
0x86: {  	_ =	swait.ge [sflag:s15], $0x80  }
0x87: {  	[sflag:s15] =	ssyncset.done $0x0  }
0x88: {  	s11 =	rddreg [dreg:$0x14];
	[sflag:s15] =	ssyncadd.s32 $0xFFFFFF80  }
0x89: {  	[hbm4b:s11+s2] =	stream.linear.scatter [tilespmem:s7], [sflag:$0x2], $0x180, $0x38;
	[tilespmem:$0x16B00] =	vst v63  }
0x8a: {  	_ =	swait.ge [sflag:s16], $0x180  }
0x8b: {  	[sflag:s16] =	ssyncset.done $0x0  }
0x8c: {  	[sflag:s16] =	ssyncadd.s32 $0xFFFFFE80  }
0x8d: {  	[tilespmem:s7], [sflag:$0x1] =	stream.indirect.gather [hbm4b:s0+s3], $0x1, s5, s3, $0xb8;
	[tilespmem:$0x16B00] =	vst v63  }
0x8e: {  	_ =	swait.ge [sflag:s15], $0x80  }
0x8f: {  	[sflag:s15] =	ssyncset.done $0x0  }
0x90: {  	[sflag:s15] =	ssyncadd.s32 $0xFFFFFF80  }
0x91: {  	[tilespmem:s8], [sflag:$0x1] =	stream.indirect.gather [hbm4b:s0+s3], $0x1, s6, s3, $0xb8;
	[tilespmem:$0x16B00] =	vst v63  }
0x92: {  	_ =	swait.ge [sflag:s15], $0x80  }
0x93: {  	[sflag:s15] =	ssyncset.done $0x0  }
0x94: {  	[sflag:s15] =	ssyncadd.s32 $0xFFFFFF80  }
0x95: {  	[tilespmem:s9], [sflag:$0x1] =	stream.indirect.gather [hbm4b:s0+s3], $0x1, s10, s3, $0xb8;
	[tilespmem:$0x16B00] =	vst v63  }
0x96: {  	_ =	swait.ge [sflag:s15], $0x80  }
0x97: {  	[sflag:s15] =	ssyncset.done $0x0  }
0x98: {  	s12 =	rddreg [dreg:$0x15];
	[sflag:s15] =	ssyncadd.s32 $0xFFFFFF80  }
0x99: {  	[hbm4b:s12+s2] =	stream.linear.scatter [tilespmem:s7], [sflag:$0x2], $0x180, $0x38;
	[tilespmem:$0x16B00] =	vst v63  }
0x9a: {  	_ =	swait.ge [sflag:s16], $0x180  }
0x9b: {  	[sflag:s16] =	ssyncset.done $0x0  }
0x9c: {  	[sflag:s16] =	ssyncadd.s32 $0xFFFFFE80  }
0x9d: {  	[tilespmem:s7], [sflag:$0x1] =	stream.indirect.gather [hbm4b:s1+s3], $0x1, s5, s3, $0xb8;
	[tilespmem:$0x16B00] =	vst v63  }
0x9e: {  	_ =	swait.ge [sflag:s15], $0x80  }
0x9f: {  	[sflag:s15] =	ssyncset.done $0x0  }
0xa0: {  	[sflag:s15] =	ssyncadd.s32 $0xFFFFFF80  }
0xa1: {  	[tilespmem:s8], [sflag:$0x1] =	stream.indirect.gather [hbm4b:s1+s3], $0x1, s6, s3, $0xb8;
	[tilespmem:$0x16B00] =	vst v63  }
0xa2: {  	_ =	swait.ge [sflag:s15], $0x80  }
0xa3: {  	[sflag:s15] =	ssyncset.done $0x0  }
0xa4: {  	[sflag:s15] =	ssyncadd.s32 $0xFFFFFF80  }
0xa5: {  	[tilespmem:s9], [sflag:$0x1] =	stream.indirect.gather [hbm4b:s1+s3], $0x1, s10, s3, $0xb8;
	[tilespmem:$0x16B00] =	vst v63  }
0xa6: {  	_ =	swait.ge [sflag:s15], $0x80  }
0xa7: {  	[sflag:s15] =	ssyncset.done $0x0  }
0xa8: {  	s14 =	rddreg [dreg:$0x16];
	[sflag:s15] =	ssyncadd.s32 $0xFFFFFF80  }
0xa9: {  	[hbm4b:s14+s2] =	stream.linear.scatter [tilespmem:s7], [sflag:$0x2], $0x180, $0x38;
	[tilespmem:$0x16B00] =	vst v63  }
0xaa: {  	_ =	swait.ge [sflag:s16], $0x180  }
0xab: {  	[sflag:s16] =	ssyncset.done $0x0  }
0xac: {  	s11 =	simm.s32 $0x16800;
	[sflag:s16] =	ssyncadd.s32 $0xFFFFFE80  }
0xad: {  	[tilespmem:s11], [sflag:$0x1] =	stream.indirect.gather [hbm4b:s13+s3], $0x1, s5, s3, $0xb8;
	[tilespmem:$0x16B00] =	vst v63  }
0xae: {  	_ =	swait.ge [sflag:s15], $0x80  }
0xaf: {  	[sflag:s15] =	ssyncset.done $0x0  }
0xb0: {  	s5 =	simm.s32 $0x16880;
	[sflag:s15] =	ssyncadd.s32 $0xFFFFFF80  }
0xb1: {  	[tilespmem:s5], [sflag:$0x1] =	stream.indirect.gather [hbm4b:s13+s3], $0x1, s6, s3, $0xb8;
	[tilespmem:$0x16B00] =	vst v63  }
0xb2: {  	_ =	swait.ge [sflag:s15], $0x80  }
0xb3: {  	[sflag:s15] =	ssyncset.done $0x0  }
0xb4: {  	s6 =	simm.s32 $0x16900;
	[sflag:s15] =	ssyncadd.s32 $0xFFFFFF80  }
0xb5: {  	[tilespmem:s6], [sflag:$0x1] =	stream.indirect.gather [hbm4b:s13+s3], $0x1, s10, s3, $0xb8;
	[tilespmem:$0x16B00] =	vst v63  }
0xb6: {  	_ =	swait.ge [sflag:s15], $0x80  }
0xb7: {  	[sflag:s15] =	ssyncset.done $0x0  }
0xb8: {  	s10 =	rddreg [dreg:$0x17];
	[sflag:s15] =	ssyncadd.s32 $0xFFFFFF80  }
0xb9: {  	[hbm4b:s10+s2] =	stream.linear.scatter [tilespmem:s11], [sflag:$0x2], $0x180, $0x38;
	[tilespmem:$0x16B00] =	vst v63  }
0xba: {  	_ =	swait.ge [sflag:s16], $0x180  }
0xbb: {  	[sflag:s16] =	ssyncset.done $0x0  }
0xbc: {  	s14 =	simm.s32 $0x16980;
	s12 =	rddreg [dreg:$0x18];
	[sflag:s16] =	ssyncadd.s32 $0xFFFFFE80  }
0xbd: {  	[hbm4b:s12+s2] =	stream.linear.scatter [tilespmem:s14], [sflag:$0x2], $0x180, $0x38;
	[tilespmem:$0x16B00] =	vst v63  }
0xbe: {  	_ =	swait.ge [sflag:s16], $0x180  }
0xbf: {  	[sflag:s16] =	ssyncset.done $0x0  }
0xc0: {  	[sflag:s16] =	ssyncadd.s32 $0xFFFFFE80  }
.LBB2_26:
0xc1: {  	s23 =	sadd.s32 $0x1, s23;
	s4 =	rddreg [dreg:$0x1a]  }
0xc2: {  	p3 =	sne.s32 s23, s4  }
.Ltmp2:
0xc3: {  	_ = 	snop;
	(pc) =	sbr.rel @!p3 .LBB2_27-.Ltmp2, $1  }
0xc4: {  	_ =	sdelay $0x3  }
.LBB2_2:
0xc5: {  	s5 =	simm.s32 $0x0;
	s4 =	rddreg [dreg:$0x19]  }
0xc6: {  	[tilespmem:s5], [sflag:$0x2] =	stream.linear.gather [hbm4b:s4+s5], $0x5000, $0x38;
	[tilespmem:$0x16B00] =	vst v63  }
0xc7: {  	_ =	swait.ge [sflag:s16], $0x5000  }
0xc8: {  	[sflag:s16] =	ssyncset.done $0x0  }
0xc9: {  	[sflag:s16] =	ssyncadd.s32 $0xFFFFB000  }
0xca: {  	s6 =	simm.s32 $0x10;
	s4 =	simm.s32 $0x0;
	v6 =	vld [tilespmem:s5+$0x0]  }
.LBB2_3:
0xcb: {  	p3 =	sne.s32 s6, $0x4E80;
	_ =	sdelay $0x1  }
0xcc: {  	v7 =	vmov s5;
	s5 =	smov.u32 s6  }
0xcd: {  	vm0 =	vlt.u32 v7, v3  }
0xce: {  	vm1 =	vge.f32 v6, $5.000000000e-01;
	vm2 =	vlt.f32 v6, $5.000000000e-01;
	v7 =	vsub.f32 $1.000000000e+00, v6  }
0xcf: {  	vm1 =	vmand vm0, vm1;
	vm0 =	vmand vm0, vm2  }
0xd0: {  	v6 =	vnsel vm1, $0xBF800000, v6;
	v7 =	vnsel vm0, $0xBF800000, v7  }
.Ltmp3:
0xd1: {  	v6 =	vpsel p1, v6, v7;
	(pc) =	sbr.rel @p3 .LBB2_3-.Ltmp3, $4  }
0xd2: {  	vm0 =	vgt.s32 v6, $0xFFFFFFFF;
	v6 =	vsub.s32 $0x3F810000, v6  }
0xd3: {  	v6 =	vnsel vm0, $0xFFFFFF, v6  }
0xd4: {  	[tilespmem:s4+$0x0] =	vst v6;
	s4 =	sadd.s32 $0x10, s4  }
0xd5: {  	s6 =	sadd.s32 $0x10, s6;
	v6 =	vld [tilespmem:s4+$0x0]  }
0xd6: {  	_ =	sdelay $0x1  }
0xd7: {  	v7 =	vmov s5  }
0xd8: {  	vm0 =	vlt.u32 v7, v3  }
0xd9: {  	vm1 =	vge.f32 v6, $5.000000000e-01;
	vm2 =	vlt.f32 v6, $5.000000000e-01;
	v7 =	vsub.f32 $1.000000000e+00, v6  }
0xda: {  	vm1 =	vmand vm0, vm1;
	vm0 =	vmand vm0, vm2  }
0xdb: {  	v6 =	vnsel vm1, $0xBF800000, v6;
	v7 =	vnsel vm0, $0xBF800000, v7  }
0xdc: {  	v6 =	vpsel p1, v6, v7  }
0xdd: {  	vm15 =	vgt.s32 v6, $0xFFFFFFFF;
	v6 =	vsub.s32 $0x3F810000, v6  }
0xde: {  	v6 =	vnsel vm15, $0xFFFFFF, v6  }
0xdf: {  	s5 =	simm.s32 $0x0;
	[tilespmem:s4+$0x0] =	vst v6;
	s4 =	simm.s32 $0x40  }
.LBB2_5:
0xe0: {  	p3 =	sne.s32 s4, $0x3FC0;
	[tilespmem:s5+$0x14000] =	vst v4;
	s5 =	smov.u32 s4;
	s4 =	sadd.s32 $0x40, s4  }
.Ltmp4:
0xe1: {  	(pc) =	sbr.rel @p3 .LBB2_5-.Ltmp4, $2  }
0xe2: {  	_ =	sdelay $0x2  }
0xe3: {  	s5 =	sshra.s32 s5, $0x2  }
0xe4: {  	[tilespmem:s5+$0x14000] =	vst v4;
	s4 =	simm.s32 $0x0  }
.LBB2_7:
0xe5: {  	s5 =	sshra.s32 s4, $0x2  }
0xe6: {  	v6 =	vld [tilespmem:s5+$0x0];
	_ =	sdelay $0x4  }
0xe7: {  	v6 =	vand.u32 $0xFFF, v6  }
0xe8: {  	(xrf1) =	vunique.msk.u32 $0xffff, v6;
	_ =	sdelay $0xd  }
0xe9: {  	_, v7, vm0 =	vpop (xrf1)  }
0xea: {  	p3 =	sne.s32 s4, $0x13A00  }
.Ltmp5:
0xeb: {  	_ = 	snop;
	(pc) =	sbr.rel @p3 .LBB2_7-.Ltmp5, $2  }
0xec: {  	_ =	sdelay $0x2  }
0xed: {  	s4 =	sadd.s32 $0x40, s4;
	[tilespmem:v6+s17+$0x0] =	vst.idx.add.s32.msk vm0, v7  }
0xee: {  	s4 =	simm.s32 $0x0  }
0xef: {  	v7 =	vld [tilespmem:s4+$0x14000];
	_ =	sdelay $0x4  }
0xf0: {  	(xrf0) =	vadd.scan.msk.s32 $0xffff, v7;
	_ =	sdelay $0x4  }
0xf1: {  	v6 =	vimm.s32 $0x0  }
0xf2: {  	v7 =	vsub.s32 v6, v7;
	v8, _, _ =	vpop (xrf0)  }
0xf3: {  	v7 =	vadd.s32 v8, v7  }
0xf4: {  	[tilespmem:s4+$0x15000] =	vst v7  }
0xf5: {  	s4 =	simm.s32 $0x10;
	[tilespmem:$0x16000] =	vst v8  }
0xf6: {  	v7 =	vld [tilespmem:s4+$0x14000];
	_ =	sdelay $0x1  }
0xf7: {  	v8 =	vld.idx.msk [tilespmem:v5+s18+$0x0], $0xffff;
	_ =	sdelay $0x2  }
0xf8: {  	s5 =	simm.s32 $0x80;
	(xrf0) =	vadd.scan.msk.s32 $0xffff, v7  }
.LBB2_9:
0xf9: {  	p3 =	sne.s32 s5, $0x3FC0;
	s6 =	smov.u32 s5;
	s5 =	sadd.s32 $0x40, s5  }
0xfa: {  	v6 =	vadd.s32 v6, v8;
	_ =	sdelay $0x3  }
0xfb: {  	v7 =	vsub.s32 v6, v7;
	v8, _, _ =	vpop (xrf0)  }
0xfc: {  	v7 =	vadd.s32 v8, v7  }
0xfd: {  	[tilespmem:s4+$0x15000] =	vst v7  }
0xfe: {  	s4 =	sshra.s32 s6, $0x2;
	[tilespmem:$0x16000] =	vst v8  }
0xff: {  	v7 =	vld [tilespmem:s4+$0x14000]  }
.Ltmp6:
0x100: {  	v8 =	vld.idx.msk [tilespmem:v5+s18+$0x0], $0xffff;
	(pc) =	sbr.rel @p3 .LBB2_9-.Ltmp6, $2  }
0x101: {  	_ =	sdelay $0x2  }
0x102: {  	(xrf0) =	vadd.scan.msk.s32 $0xffff, v7  }
0x103: {  	_ =	sdelay $0x3  }
0x104: {  	v6 =	vadd.s32 v6, v8  }
0x105: {  	v6 =	vsub.s32 v6, v7;
	v7, _, _ =	vpop (xrf0)  }
0x106: {  	v6 =	vadd.s32 v7, v6  }
0x107: {  	[tilespmem:s4+$0x15000] =	vst v6  }
0x108: {  	s4 =	simm.s32 $0x0;
	[tilespmem:$0x16000] =	vst v7  }
0x109: {  	v6 =	vld [tilespmem:s4+$0x0];
	_ =	sdelay $0x1  }
0x10a: {  	s5 =	simm.s32 $0x10;
	s6 =	simm.s32 $0x0  }
.LBB2_11:
0x10b: {  	p3 =	sne.s32 s5, $0x4E80;
	_ =	sdelay $0x1  }
0x10c: {  	v7 =	vand.u32 $0xFFF, v6  }
0x10d: {  	(xrf1) =	vunique.msk.u32 $0xffff, v7;
	_ =	sdelay $0x8  }
0x10e: {  	v8 =	vld.idx.msk [tilespmem:v7+s19+$0x0], $0xffff;
	_ =	sdelay $0x4  }
0x10f: {  	_, v9, vm0 =	vpop (xrf1)  }
0x110: {  	v8 =	vadd.s32 v9, v8  }
0x111: {  	v8 =	vadd.s32 $0xFFFFFFFF, v8;
	_ =	sdelay $0x4  }
0x112: {  	v10 =	vor.u32 s4, v0;
	s4 =	smov.u32 s5;
	[tilespmem:v8+s20+$0x0] =	vst.idx.msk $0xffff, v6  }
.Ltmp7:
0x113: {  	[tilespmem:v8+s21+$0x0] =	vst.idx.msk $0xffff, v10;
	(pc) =	sbr.rel @p3 .LBB2_11-.Ltmp7, $3  }
0x114: {  	s6 =	sadd.s32 $0x10, s6;
	[tilespmem:v7+s19+$0x0] =	vst.idx.add.s32.msk vm0, v9  }
0x115: {  	v6 =	vld [tilespmem:s6+$0x0];
	_ =	sdelay $0x1  }
0x116: {  	s5 =	sadd.s32 $0x10, s5  }
0x117: {  	_ =	sdelay $0x1  }
0x118: {  	v7 =	vand.u32 $0xFFF, v6  }
0x119: {  	(xrf1) =	vunique.msk.u32 $0xffff, v7;
	_ =	sdelay $0x9  }
0x11a: {  	v8 =	vld.idx.msk [tilespmem:v7+s19+$0x0], $0xffff;
	_ =	sdelay $0x3  }
0x11b: {  	_, v9, vm0 =	vpop (xrf1)  }
0x11c: {  	v8 =	vadd.s32 v9, v8  }
0x11d: {  	v8 =	vadd.s32 $0xFFFFFFFF, v8;
	_ =	sdelay $0x4  }
0x11e: {  	v10 =	vor.u32 s4, v0;
	[tilespmem:v8+s20+$0x0] =	vst.idx.msk $0xffff, v6  }
0x11f: {  	[tilespmem:v8+s21+$0x0] =	vst.idx.msk $0xffff, v10  }
0x120: {  	s4 =	simm.s32 $0x40;
	s5 =	simm.s32 $0x0;
	[tilespmem:v7+s19+$0x0] =	vst.idx.add.s32.msk vm0, v9  }
.LBB2_13:
0x121: {  	p3 =	sne.s32 s4, $0x3FC0;
	[tilespmem:s5+$0x14000] =	vst v4;
	s5 =	smov.u32 s4;
	s4 =	sadd.s32 $0x40, s4  }
.Ltmp8:
0x122: {  	(pc) =	sbr.rel @p3 .LBB2_13-.Ltmp8, $2  }
0x123: {  	_ =	sdelay $0x2  }
0x124: {  	s5 =	sshra.s32 s5, $0x2  }
0x125: {  	[tilespmem:s5+$0x14000] =	vst v4;
	s4 =	simm.s32 $0x0  }
.LBB2_15:
0x126: {  	s5 =	sshra.s32 s4, $0x2  }
0x127: {  	v6 =	vld [tilespmem:s5+$0x5000];
	_ =	sdelay $0x4  }
0x128: {  	v6 =	vshrl.u32 v6, $0xC  }
0x129: {  	v6 =	vand.u32 $0xFFF, v6  }
0x12a: {  	(xrf1) =	vunique.msk.u32 $0xffff, v6;
	_ =	sdelay $0xd  }
0x12b: {  	_, v7, vm0 =	vpop (xrf1)  }
0x12c: {  	p3 =	sne.s32 s4, $0x13A00  }
.Ltmp9:
0x12d: {  	_ = 	snop;
	(pc) =	sbr.rel @p3 .LBB2_15-.Ltmp9, $2  }
0x12e: {  	_ =	sdelay $0x2  }
0x12f: {  	s4 =	sadd.s32 $0x40, s4;
	[tilespmem:v6+s17+$0x0] =	vst.idx.add.s32.msk vm0, v7  }
0x130: {  	s4 =	simm.s32 $0x0  }
0x131: {  	v7 =	vld [tilespmem:s4+$0x14000];
	_ =	sdelay $0x4  }
0x132: {  	(xrf0) =	vadd.scan.msk.s32 $0xffff, v7;
	_ =	sdelay $0x4  }
0x133: {  	v6 =	vimm.s32 $0x0  }
0x134: {  	v7 =	vsub.s32 v6, v7;
	v8, _, _ =	vpop (xrf0)  }
0x135: {  	v7 =	vadd.s32 v8, v7  }
0x136: {  	[tilespmem:s4+$0x15000] =	vst v7  }
0x137: {  	s4 =	simm.s32 $0x10;
	[tilespmem:$0x16000] =	vst v8  }
0x138: {  	v7 =	vld [tilespmem:s4+$0x14000];
	_ =	sdelay $0x1  }
0x139: {  	v8 =	vld.idx.msk [tilespmem:v5+s18+$0x0], $0xffff;
	_ =	sdelay $0x2  }
0x13a: {  	s5 =	simm.s32 $0x80;
	(xrf0) =	vadd.scan.msk.s32 $0xffff, v7  }
.LBB2_17:
0x13b: {  	p3 =	sne.s32 s5, $0x3FC0;
	s6 =	smov.u32 s5;
	s5 =	sadd.s32 $0x40, s5  }
0x13c: {  	v6 =	vadd.s32 v6, v8;
	_ =	sdelay $0x3  }
0x13d: {  	v7 =	vsub.s32 v6, v7;
	v8, _, _ =	vpop (xrf0)  }
0x13e: {  	v7 =	vadd.s32 v8, v7  }
0x13f: {  	[tilespmem:s4+$0x15000] =	vst v7  }
0x140: {  	s4 =	sshra.s32 s6, $0x2;
	[tilespmem:$0x16000] =	vst v8  }
0x141: {  	v7 =	vld [tilespmem:s4+$0x14000]  }
.Ltmp10:
0x142: {  	v8 =	vld.idx.msk [tilespmem:v5+s18+$0x0], $0xffff;
	(pc) =	sbr.rel @p3 .LBB2_17-.Ltmp10, $2  }
0x143: {  	_ =	sdelay $0x2  }
0x144: {  	(xrf0) =	vadd.scan.msk.s32 $0xffff, v7  }
0x145: {  	_ =	sdelay $0x3  }
0x146: {  	v6 =	vadd.s32 v6, v8  }
0x147: {  	v6 =	vsub.s32 v6, v7;
	v7, _, _ =	vpop (xrf0)  }
0x148: {  	v6 =	vadd.s32 v7, v6  }
0x149: {  	[tilespmem:s4+$0x15000] =	vst v6  }
0x14a: {  	s14 =	simm.s32 $0x0;
	[tilespmem:$0x16000] =	vst v7  }
0x14b: {  	v6 =	vld [tilespmem:s14+$0x5000]  }
0x14c: {  	s4 =	simm.s32 $0x40;
	v7 =	vld [tilespmem:s14+$0xF000]  }
.LBB2_19:
0x14d: {  	p3 =	sne.s32 s4, $0x13A00;
	_ =	sdelay $0x2  }
0x14e: {  	v8 =	vshrl.u32 v6, $0xC  }
0x14f: {  	v8 =	vand.u32 $0xFFF, v8  }
0x150: {  	(xrf1) =	vunique.msk.u32 $0xffff, v8;
	_ =	sdelay $0x8  }
0x151: {  	v9 =	vld.idx.msk [tilespmem:v8+s19+$0x0], $0xffff;
	_ =	sdelay $0x4  }
0x152: {  	_, v10, vm0 =	vpop (xrf1)  }
0x153: {  	v9 =	vadd.s32 v10, v9  }
0x154: {  	v9 =	vadd.s32 $0xFFFFFFFF, v9;
	_ =	sdelay $0x4  }
.Ltmp11:
0x155: {  	[tilespmem:v9+s2+$0x0] =	vst.idx.msk $0xffff, v6;
	(pc) =	sbr.rel @p3 .LBB2_19-.Ltmp11, $4  }
0x156: {  	[tilespmem:v9+s22+$0x0] =	vst.idx.msk $0xffff, v7  }
0x157: {  	s5 =	sshra.s32 s4, $0x2;
	[tilespmem:v8+s19+$0x0] =	vst.idx.add.s32.msk vm0, v10  }
0x158: {  	v6 =	vld [tilespmem:s5+$0x5000]  }
0x159: {  	s4 =	sadd.s32 $0x40, s4;
	v7 =	vld [tilespmem:s5+$0xF000]  }
0x15a: {  	_ =	sdelay $0x2  }
0x15b: {  	v8 =	vshrl.u32 v6, $0xC  }
0x15c: {  	v8 =	vand.u32 $0xFFF, v8  }
0x15d: {  	(xrf1) =	vunique.msk.u32 $0xffff, v8;
	_ =	sdelay $0x9  }
0x15e: {  	v9 =	vld.idx.msk [tilespmem:v8+s19+$0x0], $0xffff;
	_ =	sdelay $0x3  }
0x15f: {  	_, v10, vm0 =	vpop (xrf1)  }
0x160: {  	v9 =	vadd.s32 v10, v9  }
0x161: {  	v9 =	vadd.s32 $0xFFFFFFFF, v9;
	_ =	sdelay $0x4  }
0x162: {  	[tilespmem:v9+s2+$0x0] =	vst.idx.msk $0xffff, v6  }
0x163: {  	[tilespmem:v9+s22+$0x0] =	vst.idx.msk $0xffff, v7  }
0x164: {  	[tilespmem:v8+s19+$0x0] =	vst.idx.add.s32.msk vm0, v10  }
0x165: {  	v6 =	vld @!p0 [tilespmem:$0xA000]  }
0x166: {  	v7 =	vld @!p0 [tilespmem:$0x0]  }
0x167: {  	v8 =	vld @!p0 [tilespmem:$0xA010]  }
0x168: {  	v9 =	vld @!p0 [tilespmem:$0x10]  }
0x169: {  	v10 =	vld @!p0 [tilespmem:$0xA020]  }
0x16a: {  	v11 =	vld @!p0 [tilespmem:$0x20]  }
0x16b: {  	v12 =	vld @!p0 [tilespmem:$0xA030];
	v6 =	vadd.s32 @!p0 v1, v6;
	vm0 =	vlt.s32 @!p0 v7, $0xFFFFFF;
	v7 =	vimm.s32 @!p0 $0x0  }
0x16c: {  	v13 =	vld @!p0 [tilespmem:$0x30];
	[tilespmem:$0x16080] =	vst @!p0 v6;
	v6 =	vsel @!p0 vm0, $0x1, v7  }
0x16d: {  	vm0 =	vlt.s32 @!p0 v9, $0xFFFFFF;
	v9 =	vld @!p0 [tilespmem:$0x40];
	[tilespmem:$0x16980] =	vst @!p0 v6;
	v6 =	vadd.s32 @!p0 v1, v8  }
0x16e: {  	v8 =	vld @!p0 [tilespmem:$0xA040];
	[tilespmem:$0x16090] =	vst @!p0 v6;
	v6 =	vsel @!p0 vm0, $0x1, v7  }
0x16f: {  	vm0 =	vlt.s32 @!p0 v11, $0xFFFFFF;
	v11 =	vld @!p0 [tilespmem:$0x50];
	[tilespmem:$0x16990] =	vst @!p0 v6;
	v6 =	vadd.s32 @!p0 v1, v10  }
0x170: {  	v10 =	vld @!p0 [tilespmem:$0xA050];
	[tilespmem:$0x160A0] =	vst @!p0 v6;
	v6 =	vsel @!p0 vm0, $0x1, v7  }
0x171: {  	vm0 =	vlt.s32 @!p0 v13, $0xFFFFFF;
	v13 =	vld @!p0 [tilespmem:$0x60];
	[tilespmem:$0x169A0] =	vst @!p0 v6;
	v6 =	vadd.s32 @!p0 v1, v12  }
0x172: {  	v12 =	vld @!p0 [tilespmem:$0xA060];
	[tilespmem:$0x160B0] =	vst @!p0 v6;
	v6 =	vsel @!p0 vm0, $0x1, v7  }
0x173: {  	vm0 =	vlt.s32 @!p0 v9, $0xFFFFFF;
	v9 =	vld @!p0 [tilespmem:$0x70];
	[tilespmem:$0x169B0] =	vst @!p0 v6;
	v6 =	vadd.s32 @!p0 v1, v8  }
0x174: {  	v8 =	vld @!p0 [tilespmem:$0xA070];
	[tilespmem:$0x160C0] =	vst @!p0 v6;
	v6 =	vsel @!p0 vm0, $0x1, v7  }
0x175: {  	vm0 =	vlt.s32 @!p0 v11, $0xFFFFFF;
	[tilespmem:$0x169C0] =	vst @!p0 v6;
	v6 =	vadd.s32 @!p0 v1, v10  }
0x176: {  	[tilespmem:$0x160D0] =	vst @!p0 v6;
	v6 =	vsel @!p0 vm0, $0x1, v7  }
0x177: {  	vm0 =	vlt.s32 @!p0 v13, $0xFFFFFF;
	[tilespmem:$0x169D0] =	vst @!p0 v6;
	v6 =	vadd.s32 @!p0 v1, v12  }
0x178: {  	[tilespmem:$0x160E0] =	vst @!p0 v6;
	v6 =	vsel @!p0 vm0, $0x1, v7  }
0x179: {  	vm0 =	vlt.s32 @!p0 v9, $0xFFFFFF;
	[tilespmem:$0x169E0] =	vst @!p0 v6;
	v6 =	vadd.s32 @!p0 v1, v8  }
0x17a: {  	[tilespmem:$0x160F0] =	vst @!p0 v6;
	v6 =	vsel @!p0 vm0, $0x1, v7  }
0x17b: {  	s14 =	simm.s32 @!p0 $0x80;
	s11 =	simm.s32 @!p0 $0x16080;
	s4 =	simm.s32 @!p0 $0x16280;
	[tilespmem:$0x169F0] =	vst @!p0 v6  }
0x17c: {  	[tilespmem:s4], [sflag:$0x1] =	stream.indirect.gather @!p0 [hbm4b:s24+s14], $0x1, s11, s14, $0xb8;
	[tilespmem:$0x16B00] =	vst v63  }
0x17d: {  	s4 =	simm.s32 @!p0 $0x1  }
0x17e: {  	_ =	swait.ge @!p0 [sflag:s4], $0x80  }
0x17f: {  	[sflag:s4] =	ssyncset.done @!p0 $0x0  }
0x180: {  	[sflag:s4] =	ssyncadd.s32 @!p0 $0xFFFFFF80  }
0x181: {  	v6 =	vld @!p0 [tilespmem:$0x16280]  }
0x182: {  	v7 =	vld @!p0 [tilespmem:$0x16290]  }
0x183: {  	v8 =	vld @!p0 [tilespmem:$0x162A0]  }
0x184: {  	v9 =	vld @!p0 [tilespmem:$0x162B0]  }
0x185: {  	v10 =	vld @!p0 [tilespmem:$0x162C0]  }
0x186: {  	v11 =	vld @!p0 [tilespmem:$0x162D0];
	v6 =	vadd.s32 @!p0 v2, v6  }
0x187: {  	[tilespmem:$0x16480] =	vst @!p0 v6;
	v6 =	vadd.s32 @!p0 v2, v7;
	v7 =	vld @!p0 [tilespmem:$0x162E0]  }
0x188: {  	[tilespmem:$0x16490] =	vst @!p0 v6;
	v6 =	vadd.s32 @!p0 v2, v8;
	v8 =	vld @!p0 [tilespmem:$0x162F0]  }
0x189: {  	[tilespmem:$0x164A0] =	vst @!p0 v6;
	v6 =	vadd.s32 @!p0 v2, v9  }
0x18a: {  	[tilespmem:$0x164B0] =	vst @!p0 v6;
	v6 =	vadd.s32 @!p0 v2, v10  }
0x18b: {  	[tilespmem:$0x164C0] =	vst @!p0 v6;
	v6 =	vadd.s32 @!p0 v2, v11  }
0x18c: {  	[tilespmem:$0x164D0] =	vst @!p0 v6;
	v6 =	vadd.s32 @!p0 v2, v7  }
0x18d: {  	[tilespmem:$0x164E0] =	vst @!p0 v6;
	v6 =	vadd.s32 @!p0 v2, v8  }
0x18e: {  	s10 =	simm.s32 @!p0 $0x16680;
	[tilespmem:$0x164F0] =	vst @!p0 v6  }
0x18f: {  	[tilespmem:s10], [sflag:$0x1] =	stream.indirect.gather @!p0 [hbm4b:s25+s14], $0x1, s11, s14, $0xb8;
	[tilespmem:$0x16B00] =	vst v63  }
0x190: {  	_ =	swait.ge @!p0 [sflag:s4], $0x80  }
0x191: {  	[sflag:s4] =	ssyncset.done @!p0 $0x0  }
0x192: {  	s6 =	simm.s32 @!p0 $0x0;
	s5 =	rddreg [dreg:$0x5];
	[sflag:s4] =	ssyncadd.s32 @!p0 $0xFFFFFF80  }
0x193: {  	[hbm4b:s5+s6] =	stream.linear.scatter @!p0 [tilespmem:s10], [sflag:$0x2], $0x80, $0x38;
	[tilespmem:$0x16B00] =	vst v63  }
0x194: {  	s5 =	simm.s32 @!p0 $0x2  }
0x195: {  	_ =	swait.ge @!p0 [sflag:s5], $0x80  }
0x196: {  	[sflag:s5] =	ssyncset.done @!p0 $0x0  }
0x197: {  	[sflag:s5] =	ssyncadd.s32 @!p0 $0xFFFFFF80  }
0x198: {  	[tilespmem:s10], [sflag:$0x1] =	stream.indirect.gather @!p0 [hbm4b:s26+s14], $0x1, s11, s14, $0xb8;
	[tilespmem:$0x16B00] =	vst v63  }
0x199: {  	_ =	swait.ge @!p0 [sflag:s4], $0x80  }
0x19a: {  	[sflag:s4] =	ssyncset.done @!p0 $0x0  }
0x19b: {  	s12 =	rddreg [dreg:$0x6];
	[sflag:s4] =	ssyncadd.s32 @!p0 $0xFFFFFF80  }
0x19c: {  	[hbm4b:s12+s6] =	stream.linear.scatter @!p0 [tilespmem:s10], [sflag:$0x2], $0x80, $0x38;
	[tilespmem:$0x16B00] =	vst v63  }
0x19d: {  	_ =	swait.ge @!p0 [sflag:s5], $0x80  }
0x19e: {  	[sflag:s5] =	ssyncset.done @!p0 $0x0  }
0x19f: {  	[sflag:s5] =	ssyncadd.s32 @!p0 $0xFFFFFF80  }
0x1a0: {  	[tilespmem:s10], [sflag:$0x1] =	stream.indirect.gather @!p0 [hbm4b:s28+s14], $0x1, s11, s14, $0xb8;
	[tilespmem:$0x16B00] =	vst v63  }
0x1a1: {  	_ =	swait.ge @!p0 [sflag:s4], $0x80  }
0x1a2: {  	[sflag:s4] =	ssyncset.done @!p0 $0x0  }
0x1a3: {  	s12 =	rddreg [dreg:$0x7];
	[sflag:s4] =	ssyncadd.s32 @!p0 $0xFFFFFF80  }
0x1a4: {  	[hbm4b:s12+s6] =	stream.linear.scatter @!p0 [tilespmem:s10], [sflag:$0x2], $0x80, $0x38;
	[tilespmem:$0x16B00] =	vst v63  }
0x1a5: {  	_ =	swait.ge @!p0 [sflag:s5], $0x80  }
0x1a6: {  	[sflag:s5] =	ssyncset.done @!p0 $0x0  }
0x1a7: {  	[sflag:s5] =	ssyncadd.s32 @!p0 $0xFFFFFF80  }
0x1a8: {  	[tilespmem:s10], [sflag:$0x1] =	stream.indirect.gather @!p0 [hbm4b:s29+s14], $0x1, s11, s14, $0xb8;
	[tilespmem:$0x16B00] =	vst v63  }
0x1a9: {  	_ =	swait.ge @!p0 [sflag:s4], $0x80  }
0x1aa: {  	[sflag:s4] =	ssyncset.done @!p0 $0x0  }
0x1ab: {  	s11 =	rddreg [dreg:$0x8];
	[sflag:s4] =	ssyncadd.s32 @!p0 $0xFFFFFF80  }
0x1ac: {  	[hbm4b:s11+s6] =	stream.linear.scatter @!p0 [tilespmem:s10], [sflag:$0x2], $0x80, $0x38;
	[tilespmem:$0x16B00] =	vst v63  }
0x1ad: {  	_ =	swait.ge @!p0 [sflag:s5], $0x80  }
0x1ae: {  	[sflag:s5] =	ssyncset.done @!p0 $0x0  }
0x1af: {  	s11 =	simm.s32 @!p0 $0x16480;
	[sflag:s5] =	ssyncadd.s32 @!p0 $0xFFFFFF80  }
0x1b0: {  	[tilespmem:s10], [sflag:$0x1] =	stream.indirect.gather @!p0 [hbm4b:s30+s14], $0x1, s11, s14, $0xb8;
	[tilespmem:$0x16B00] =	vst v63  }
0x1b1: {  	_ =	swait.ge @!p0 [sflag:s4], $0x80  }
0x1b2: {  	[sflag:s4] =	ssyncset.done @!p0 $0x0  }
0x1b3: {  	s12 =	rddreg [dreg:$0x9];
	[sflag:s4] =	ssyncadd.s32 @!p0 $0xFFFFFF80  }
0x1b4: {  	[hbm4b:s12+s6] =	stream.linear.scatter @!p0 [tilespmem:s10], [sflag:$0x2], $0x80, $0x38;
	[tilespmem:$0x16B00] =	vst v63  }
0x1b5: {  	_ =	swait.ge @!p0 [sflag:s5], $0x80  }
0x1b6: {  	[sflag:s5] =	ssyncset.done @!p0 $0x0  }
0x1b7: {  	[sflag:s5] =	ssyncadd.s32 @!p0 $0xFFFFFF80  }
0x1b8: {  	[tilespmem:s10], [sflag:$0x1] =	stream.indirect.gather @!p0 [hbm4b:s31+s14], $0x1, s11, s14, $0xb8;
	[tilespmem:$0x16B00] =	vst v63  }
0x1b9: {  	_ =	swait.ge @!p0 [sflag:s4], $0x80  }
0x1ba: {  	[sflag:s4] =	ssyncset.done @!p0 $0x0  }
0x1bb: {  	s12 =	rddreg [dreg:$0xa];
	[sflag:s4] =	ssyncadd.s32 @!p0 $0xFFFFFF80  }
0x1bc: {  	[hbm4b:s12+s6] =	stream.linear.scatter @!p0 [tilespmem:s10], [sflag:$0x2], $0x80, $0x38;
	[tilespmem:$0x16B00] =	vst v63  }
0x1bd: {  	_ =	swait.ge @!p0 [sflag:s5], $0x80  }
0x1be: {  	[sflag:s5] =	ssyncset.done @!p0 $0x0  }
0x1bf: {  	[sflag:s5] =	ssyncadd.s32 @!p0 $0xFFFFFF80  }
0x1c0: {  	[tilespmem:s10], [sflag:$0x1] =	stream.indirect.gather @!p0 [hbm4b:s0+s14], $0x1, s11, s14, $0xb8;
	[tilespmem:$0x16B00] =	vst v63  }
0x1c1: {  	_ =	swait.ge @!p0 [sflag:s4], $0x80  }
0x1c2: {  	[sflag:s4] =	ssyncset.done @!p0 $0x0  }
0x1c3: {  	s12 =	rddreg [dreg:$0xb];
	[sflag:s4] =	ssyncadd.s32 @!p0 $0xFFFFFF80  }
0x1c4: {  	[hbm4b:s12+s6] =	stream.linear.scatter @!p0 [tilespmem:s10], [sflag:$0x2], $0x80, $0x38;
	[tilespmem:$0x16B00] =	vst v63  }
0x1c5: {  	_ =	swait.ge @!p0 [sflag:s5], $0x80  }
0x1c6: {  	[sflag:s5] =	ssyncset.done @!p0 $0x0  }
0x1c7: {  	[sflag:s5] =	ssyncadd.s32 @!p0 $0xFFFFFF80  }
0x1c8: {  	[tilespmem:s10], [sflag:$0x1] =	stream.indirect.gather @!p0 [hbm4b:s1+s14], $0x1, s11, s14, $0xb8;
	[tilespmem:$0x16B00] =	vst v63  }
0x1c9: {  	_ =	swait.ge @!p0 [sflag:s4], $0x80  }
0x1ca: {  	[sflag:s4] =	ssyncset.done @!p0 $0x0  }
0x1cb: {  	s12 =	rddreg [dreg:$0xc];
	[sflag:s4] =	ssyncadd.s32 @!p0 $0xFFFFFF80  }
0x1cc: {  	[hbm4b:s12+s6] =	stream.linear.scatter @!p0 [tilespmem:s10], [sflag:$0x2], $0x80, $0x38;
	[tilespmem:$0x16B00] =	vst v63  }
0x1cd: {  	_ =	swait.ge @!p0 [sflag:s5], $0x80  }
0x1ce: {  	[sflag:s5] =	ssyncset.done @!p0 $0x0  }
0x1cf: {  	s10 =	simm.s32 @!p0 $0x16800;
	[sflag:s5] =	ssyncadd.s32 @!p0 $0xFFFFFF80  }
0x1d0: {  	[tilespmem:s10], [sflag:$0x1] =	stream.indirect.gather @!p0 [hbm4b:s13+s14], $0x1, s11, s14, $0xb8;
	[tilespmem:$0x16B00] =	vst v63  }
0x1d1: {  	_ =	swait.ge @!p0 [sflag:s4], $0x80  }
0x1d2: {  	[sflag:s4] =	ssyncset.done @!p0 $0x0  }
0x1d3: {  	[sflag:s4] =	ssyncadd.s32 @!p0 $0xFFFFFF80;
	s4 =	rddreg [dreg:$0xd]  }
0x1d4: {  	[hbm4b:s4+s6] =	stream.linear.scatter @!p0 [tilespmem:s10], [sflag:$0x2], $0x80, $0x38;
	[tilespmem:$0x16B00] =	vst v63  }
0x1d5: {  	_ =	swait.ge @!p0 [sflag:s5], $0x80  }
0x1d6: {  	s4 =	simm.s32 @!p0 $0x16980;
	[sflag:s5] =	ssyncset.done @!p0 $0x0  }
.Ltmp12:
0x1d7: {  	s10 =	rddreg [dreg:$0xe];
	[sflag:s5] =	ssyncadd.s32 @!p0 $0xFFFFFF80;
	(pc) =	sbr.rel @!p2 .LBB2_26-.Ltmp12, $4  }
0x1d8: {  	[hbm4b:s10+s6] =	stream.linear.scatter @!p0 [tilespmem:s4], [sflag:$0x2], $0x80, $0x38;
	[tilespmem:$0x16B00] =	vst v63  }
0x1d9: {  	_ =	swait.ge @!p0 [sflag:s5], $0x80  }
0x1da: {  	[sflag:s5] =	ssyncset.done @!p0 $0x0  }
0x1db: {  	[sflag:s5] =	ssyncadd.s32 @!p0 $0xFFFFFF80  }
0x1dc: {  	s4 =	simm.s32 $0xA000  }
0x1dd: {  	v6 =	vld [tilespmem:s4+$0x0];
	_ =	sdelay $0x3  }
0x1de: {  	s14 =	simm.s32 $0x0  }
0x1df: {  	s5 =	sand.u32 $0x1F0, s14;
	v6 =	vadd.s32 v1, v6  }
0x1e0: {  	s4 =	simm.s32 $0x16980;
	[tilespmem:s5+$0x16080] =	vst v6  }
0x1e1: {  	s6 =	simm.s32 $0xA010;
	[tilespmem:s4+$0x0] =	vst v4  }
0x1e2: {  	v6 =	vld [tilespmem:s6+$0x0]  }
0x1e3: {  	s10 =	simm.s32 $0x20;
	s5 =	simm.s32 $0x10  }
.LBB2_22:
0x1e4: {  	p3 =	sne.s32 s10, $0x170;
	_ =	sdelay $0x2  }
.Ltmp13:
0x1e5: {  	s11 =	sand.u32 $0x1F0, s5;
	s5 =	smov.u32 s10;
	v6 =	vadd.s32 v1, v6;
	(pc) =	sbr.rel @p3 .LBB2_22-.Ltmp13, $4  }
0x1e6: {  	s4 =	sadd.s32 $0x10, s4;
	[tilespmem:s11+$0x16080] =	vst v6  }
0x1e7: {  	s6 =	sadd.s32 $0x10, s6;
	[tilespmem:s4+$0x0] =	vst v4  }
0x1e8: {  	v6 =	vld [tilespmem:s6+$0x0]  }
0x1e9: {  	s10 =	sadd.s32 $0x10, s10  }
0x1ea: {  	_ =	sdelay $0x2  }
0x1eb: {  	s5 =	sand.u32 $0x1F0, s5;
	v6 =	vadd.s32 v1, v6  }
0x1ec: {  	s4 =	sadd.s32 $0x10, s4;
	[tilespmem:s5+$0x16080] =	vst v6  }
0x1ed: {  	s6 =	simm.s32 $0x16280;
	s5 =	simm.s32 $0x16080;
	[tilespmem:s4+$0x0] =	vst v4  }
0x1ee: {  	[tilespmem:s6], [sflag:$0x1] =	stream.indirect.gather [hbm4b:s24+s3], $0x1, s5, s3, $0xb8;
	[tilespmem:$0x16B00] =	vst v63  }
0x1ef: {  	_ =	swait.ge [sflag:s15], $0x80  }
0x1f0: {  	[sflag:s15] =	ssyncset.done $0x0  }
0x1f1: {  	s10 =	simm.s32 $0x16100;
	s11 =	simm.s32 $0x16300;
	[sflag:s15] =	ssyncadd.s32 $0xFFFFFF80  }
0x1f2: {  	[tilespmem:s11], [sflag:$0x1] =	stream.indirect.gather [hbm4b:s24+s3], $0x1, s10, s3, $0xb8;
	[tilespmem:$0x16B00] =	vst v63  }
0x1f3: {  	_ =	swait.ge [sflag:s15], $0x80  }
0x1f4: {  	[sflag:s15] =	ssyncset.done $0x0  }
0x1f5: {  	s12 =	simm.s32 $0x16180;
	s14 =	simm.s32 $0x16380;
	[sflag:s15] =	ssyncadd.s32 $0xFFFFFF80  }
0x1f6: {  	[tilespmem:s14], [sflag:$0x1] =	stream.indirect.gather [hbm4b:s24+s3], $0x1, s12, s3, $0xb8;
	[tilespmem:$0x16B00] =	vst v63  }
0x1f7: {  	_ =	swait.ge [sflag:s15], $0x80  }
0x1f8: {  	[sflag:s15] =	ssyncset.done $0x0  }
0x1f9: {  	s4 =	simm.s32 $0x0;
	[sflag:s15] =	ssyncadd.s32 $0xFFFFFF80  }
0x1fa: {  	s5 =	simm.s32 $0x40;
	v6 =	vld [tilespmem:s4+$0x16280]  }
.LBB2_24:
0x1fb: {  	p3 =	sne.s32 s5, $0x5C0  }
.Ltmp14:
0x1fc: {  	_ = 	snop;
	(pc) =	sbr.rel @p3 .LBB2_24-.Ltmp14, $3  }
0x1fd: {  	_ =	sdelay $0x1  }
0x1fe: {  	s6 =	sshra.s32 s5, $0x2;
	s5 =	sadd.s32 $0x40, s5;
	v7 =	vadd.s32 v2, v6  }
0x1ff: {  	v6 =	vld [tilespmem:s6+$0x16280];
	[tilespmem:s4+$0x16480] =	vst v7;
	s4 =	smov.u32 s6  }
.Ltmp15:
0x200: {  	_ = 	snop;
	(pc) =	sbr.rel .LBB2_25-.Ltmp15, $1  }
0x201: {  	_ =	sdelay $0x3  }
.LBB2_27:
0x202: {  	_ =	sfence.sel $0x180000  }
0x203: {  	[bflag:$0x0] =	sbarrier.arrive $0xFFFF  }
0x204: {  	_ =	strace $0x90000047  }
0x205: {  	s0 =	stileid.u32;
	[bflag:$0x2] =	sbarrier.arrive $0xFFFF  }
0x206: {  	p0 =	sne.s32 s0, $0x0;
	s0 =	rddreg [dreg:$0x4]  }
0x207: {  	s0 =	sadd.s32 @!p0 $0x100000, s0  }
0x208: {  	[sflag:s0] =	ssyncadd.tile.s32 @!p0 $0x1;
	_ =	shalt  }
.Lfunc_end2:
_tile_overlayer_lowered:
.L_overlay_start_2:
0x209: {  	(tag) =	ssettag $0x2  }
0x20a: {  	s0 =	rddreg [dreg:$0x0];
	s2 =	stileid.u32  }
0x20b: {  	s1 =	rddreg [dreg:$0x1];
	p0 =	sne.s32 s2, $0x0  }
0x20c: {  	s3 =	rddreg [dreg:$0x2];
	[bflag:$0x3] =	sbarrier.arrive $0xFFFF;
	s2 =	simm.s32 @!p0 $0x1C02  }
0x20d: {  	[timem:s3], [sflag:s2] =	dma.local @!p0 [hbm:s0], s1  }
0x20e: {  	s0 =	simm.s32 @!p0 $0x2  }
0x20f: {  	_ =	swait.ge @!p0 [sflag:s0], s1  }
0x210: {  	s1 =	ssub.s32 @!p0 $0x0, s1;
	[sflag:s0] =	ssyncset.done @!p0 $0x0  }
0x211: {  	[sflag:s0] =	ssyncadd.s32 @!p0 s1  }
0x212: {  	[bflag:$0x3] =	sbarrier.arrive $0xFFFF  }
0x213: {  	_ =	shalt  }

</sc_bundles>
